<compile_context>
chip_gen: v7x
topology: tpu7x:2x2x1
jax: 0.10.2.dev20260603
libtpu: 0.0.44.dev20260713+nightly
codegen_flags: <defaults>
</compile_context>

<pallas_src>
import functools

import jax
import jax.numpy as jnp
from jax import lax
from jax.experimental import pallas as pl
from jax.experimental.pallas import tpu as pltpu
from jax.experimental.pallas import tpu_sc as plsc

NUM_FIELDS = 26
VOCAB = 100000
EMBED_DIM = 32
BATCH = 16384
NUM_NUMERIC = 13
HIDDEN = 128

NC = 2
NS = 16
NW = NC * NS

LANE = 128
QUARTERS = LANE // EMBED_DIM
NF_G = NUM_FIELDS // 2
TAB_ROWS_G = NF_G * VOCAB // QUARTERS
EMB4_G = NF_G * LANE
STRIP = 8
N_STRIPS = BATCH // STRIP
STRIPS_PER_W = N_STRIPS // NW
IDX_PER_STRIP = NF_G * STRIP
IDX_PAD = 128
NBUF = 2

_sc_mesh = plsc.VectorSubcoreMesh(core_axis_name="c", subcore_axis_name="s")


@functools.partial(
    pl.kernel,
    mesh=_sc_mesh,
    out_type=jax.ShapeDtypeStruct((N_STRIPS, STRIP, EMB4_G), jnp.float32),
    scratch_types=[
        pltpu.VMEM((STRIPS_PER_W, IDX_PAD), jnp.int32),
        pltpu.VMEM((STRIP, EMB4_G), jnp.float32),
        pltpu.VMEM((STRIP, EMB4_G), jnp.float32),
        pltpu.SemaphoreType.DMA,
        pltpu.SemaphoreType.DMA,
    ],
    compiler_params=pltpu.CompilerParams(use_tc_tiling_on_sc=True),
)
def _sc_gather(table_hbm, idx_hbm, out_hbm, idx_v, buf0, buf1, sem0, sem1):
    wid = lax.axis_index("s") * NC + lax.axis_index("c")
    strip_base = wid * STRIPS_PER_W
    pltpu.sync_copy(idx_hbm.at[pl.ds(wid * STRIPS_PER_W, STRIPS_PER_W)], idx_v)

    bufs = (buf0, buf1)
    sems = (sem0, sem1)

    def fire(ls, b):
        for t in range(NF_G):
            pltpu.async_copy(
                table_hbm.at[idx_v.at[ls, pl.ds(t * STRIP, STRIP)]],
                bufs[b].at[:, pl.ds(t * LANE, LANE)],
                sems[b],
            )

    def drain_and_store(ls, b):
        pltpu.make_async_copy(
            out_hbm.at[strip_base + ls], bufs[b], sems[b]
        ).wait()
        pltpu.sync_copy(bufs[b], out_hbm.at[strip_base + ls])

    fire(0, 0)
    fire(1, 1)

    def body(k):
        for b in range(NBUF):
            ls_prev = 2 * k + b
            drain_and_store(ls_prev, b)
            fire(ls_prev + 2, b)

    pl.loop(0, STRIPS_PER_W // 2 - 1)(body)

    drain_and_store(STRIPS_PER_W - 2, 0)
    drain_and_store(STRIPS_PER_W - 1, 1)


def _mlp_body(e4a_ref, e4b_ref, cat_ref, num_ref, w1a_ref, w1b_ref, w1n_ref,
              b1_ref, w2_ref, b2_ref, out_ref):
    tb = e4a_ref.shape[0]
    rm = cat_ref[...] // RCHUNK
    q = (lax.broadcasted_iota(jnp.int32, (tb, EMB4_G), 1) % LANE) // EMBED_DIM
    h = jnp.dot(num_ref[...], w1n_ref[...], preferred_element_type=jnp.float32)
    for g, (e4_ref, w_ref) in enumerate(((e4a_ref, w1a_ref),
                                         (e4b_ref, w1b_ref))):
        rmg = rm[:, g * NF_G:(g + 1) * NF_G]
        rmx = jnp.broadcast_to(
            rmg.reshape(tb, NF_G, 1), (tb, NF_G, LANE)
        ).reshape(tb, EMB4_G)
        x = jnp.where(q == rmx, e4_ref[...], 0.0)
        h = h + jnp.dot(x, w_ref[...], preferred_element_type=jnp.float32)
    h = jax.nn.relu(h + b1_ref[...])
    y = jnp.dot(h, w2_ref[...], preferred_element_type=jnp.float32) + b2_ref[...]
    out_ref[...] = jax.nn.sigmoid(y)


TILE_B = 512
EMB_W = NUM_FIELDS * EMBED_DIM

RCHUNK = VOCAB // QUARTERS


def _reformat_body(in_ref, out_ref):
    x = in_ref[0]
    for r in range(QUARTERS):
        out_ref[:, r * EMBED_DIM:(r + 1) * EMBED_DIM] = jnp.transpose(
            x[:, r * RCHUNK:(r + 1) * RCHUNK], (1, 0)
        )


def _reformat_table(tables_t, g):
    return pl.pallas_call(
        _reformat_body,
        grid=(NF_G,),
        in_specs=[
            pl.BlockSpec((1, EMBED_DIM, VOCAB), lambda f: (g * NF_G + f, 0, 0)),
        ],
        out_specs=pl.BlockSpec((RCHUNK, LANE), lambda f: (f, 0)),
        out_shape=jax.ShapeDtypeStruct((TAB_ROWS_G, LANE), jnp.float32),
        compiler_params=pltpu.CompilerParams(
            vmem_limit_bytes=110 * 1024 * 1024,
        ),
    )(tables_t)


def kernel(categorical_inputs, numerical_inputs, tables, W1, b1, W2, b2):
    tables_t = jnp.transpose(tables, (0, 2, 1))
    offsets = jnp.arange(NF_G, dtype=jnp.int32) * RCHUNK

    emb4s = []
    for g in range(2):
        cat_g = categorical_inputs[:, g * NF_G:(g + 1) * NF_G]
        flat4 = cat_g % RCHUNK + offsets[None, :]
        idx_perm = jnp.transpose(
            flat4.reshape(N_STRIPS, STRIP, NF_G), (0, 2, 1)
        ).reshape(N_STRIPS, IDX_PER_STRIP)
        idx_perm = jnp.pad(idx_perm, ((0, 0), (0, IDX_PAD - IDX_PER_STRIP)))
        table4 = _reformat_table(tables_t, g)
        emb4s.append(_sc_gather(table4, idx_perm).reshape(BATCH, EMB4_G))

    W1e = W1[:EMB_W].reshape(NUM_FIELDS, 1, EMBED_DIM, HIDDEN)
    W1x = jnp.broadcast_to(
        W1e, (NUM_FIELDS, QUARTERS, EMBED_DIM, HIDDEN)
    ).reshape(NUM_FIELDS * LANE, HIDDEN)
    W1n = W1[EMB_W:]
    b1_2d = b1.reshape(1, HIDDEN)
    b2_2d = b2.reshape(1, 1)

    out = pl.pallas_call(
        _mlp_body,
        grid=(BATCH // TILE_B,),
        in_specs=[
            pl.BlockSpec((TILE_B, EMB4_G), lambda i: (i, 0)),
            pl.BlockSpec((TILE_B, EMB4_G), lambda i: (i, 0)),
            pl.BlockSpec((TILE_B, NUM_FIELDS), lambda i: (i, 0)),
            pl.BlockSpec((TILE_B, NUM_NUMERIC), lambda i: (i, 0)),
            pl.BlockSpec((EMB4_G, HIDDEN), lambda i: (0, 0)),
            pl.BlockSpec((EMB4_G, HIDDEN), lambda i: (0, 0)),
            pl.BlockSpec((NUM_NUMERIC, HIDDEN), lambda i: (0, 0)),
            pl.BlockSpec((1, HIDDEN), lambda i: (0, 0)),
            pl.BlockSpec((HIDDEN, 1), lambda i: (0, 0)),
            pl.BlockSpec((1, 1), lambda i: (0, 0)),
        ],
        out_specs=pl.BlockSpec((TILE_B, 1), lambda i: (i, 0)),
        out_shape=jax.ShapeDtypeStruct((BATCH, 1), jnp.float32),
    )(emb4s[0], emb4s[1], categorical_inputs, numerical_inputs,
      W1x[:EMB4_G], W1x[EMB4_G:], W1n, b1_2d, W2, b2_2d)
    return out

# --- scband reference (transcript-rebuilt; emitter-appended) ---
"""Pipeline reference for scband-nngramlanguage-modeler-18021682774717 (READ-ONLY COPY).

The authoritative reference and input builder live on the scoring server;
editing this copy changes nothing except your own understanding.
"""

import jax, jax.numpy as jnp
import numpy as np

NUM_FIELDS = 26
VOCAB = 100000
EMBED_DIM = 32
BATCH = 16384
NUM_NUMERIC = 13
HIDDEN = 128


def setup_inputs(seed: int = 0) -> dict:
    key = jax.random.key(seed)
    k_cat, k_num, k_tab, k_w1, k_b1, k_w2, k_b2 = jax.random.split(key, 7)
    categorical_inputs = jax.random.randint(k_cat, (BATCH, NUM_FIELDS), 0, VOCAB, dtype=jnp.int64 if jax.config.jax_enable_x64 else jnp.int32).astype(jnp.int32)
    numerical_inputs = jax.random.normal(k_num, (BATCH, NUM_NUMERIC), dtype=jnp.float32)
    # 26 embedding tables, same vocab size, stacked: [NUM_FIELDS, VOCAB, EMBED_DIM]
    tables = jax.random.normal(k_tab, (NUM_FIELDS, VOCAB, EMBED_DIM), dtype=jnp.float32) * 0.02
    in_dim = EMBED_DIM * NUM_FIELDS + NUM_NUMERIC
    W1 = jax.random.normal(k_w1, (in_dim, HIDDEN), dtype=jnp.float32) * (1.0 / np.sqrt(in_dim))
    b1 = jax.random.normal(k_b1, (HIDDEN,), dtype=jnp.float32) * 0.01
    W2 = jax.random.normal(k_w2, (HIDDEN, 1), dtype=jnp.float32) * (1.0 / np.sqrt(HIDDEN))
    b2 = jax.random.normal(k_b2, (1,), dtype=jnp.float32) * 0.01
    return {"categorical_inputs": categorical_inputs, "numerical_inputs": numerical_inputs,
            "tables": tables, "W1": W1, "b1": b1, "W2": W2, "b2": b2}


def reference(categorical_inputs, numerical_inputs, tables, W1, b1, W2, b2):
    # per-field embedding lookup (gather), then concat along feature dim
    categorical_embeddings = [jnp.take(tables[i], categorical_inputs[:, i], axis=0)
                              for i in range(NUM_FIELDS)]
    categorical_embeddings = jnp.concatenate(categorical_embeddings, axis=1)
    combined_inputs = jnp.concatenate((categorical_embeddings, numerical_inputs), axis=1)
    x = jax.nn.relu(combined_inputs @ W1 + b1)
    x = jax.nn.sigmoid(x @ W2 + b2)
    return x

if __name__ == "__main__":
    import jax
    _d = setup_inputs()
    print(jax.jit(kernel)(*tuple(_d.values())))

</pallas_src>

<mosaic_0001>
#map = affine_map<(d0, d1) -> (0, 0)>
#map1 = affine_map<(d0, d1) -> (0, 0, 0)>
module attributes {stable_mosaic.version = 14 : i64} {
  func.func @_sc_gather(%arg0: i32, %arg1: i32, %arg2: memref<325000x128xf32, #tpu.memory_space<hbm>>, %arg3: memref<2048x128xi32, #tpu.memory_space<hbm>>, %arg4: memref<2048x8x1664xf32, #tpu.memory_space<hbm>>, %arg5: memref<64x128xi32, #tpu.memory_space<vmem>>, %arg6: memref<8x1664xf32, #tpu.memory_space<vmem>>, %arg7: memref<8x1664xf32, #tpu.memory_space<vmem>>, %arg8: memref<!tpu.dma_semaphore, #tpu.memory_space<semaphore_mem>>, %arg9: memref<!tpu.dma_semaphore, #tpu.memory_space<semaphore_mem>>) attributes {dimension_semantics = [#tpu.dimension_semantics<core_parallel>, #tpu.dimension_semantics<subcore_parallel>], iteration_bounds = array<i64: 2, 16>, scalar_prefetch = 0 : i64, scratch_operands = 5 : i64, tpu.core_type = #tpu.core_type<sc_vector_subcore>, window_params = [{transform_indices = #map}, {transform_indices = #map}, {transform_indices = #map1}]} {
    %mul3A = arith.constant 2 : i32
    %mul3A_0 = arith.muli %arg1, %mul3A : i32
    %add3A = arith.addi %mul3A_0, %arg0 : i32
    %mul3A_1 = arith.constant 64 : i32
    %mul3A_2 = arith.muli %add3A, %mul3A_1 : i32
    %mul3A_3 = arith.constant 64 : i32
    %mul3A_4 = arith.muli %add3A, %mul3A_3 : i32
    "tpu.region"() ({
      %run_scoped3A = tpu.sem_alloc : memref<!tpu.dma_semaphore, #tpu.memory_space<semaphore_mem>>
      %dma_start3A_291 = arith.constant 0 : i32
      %dma_start3A_292 = tpu.memref_slice %arg3[%mul3A_4, %dma_start3A_291] : memref<2048x128xi32, #tpu.memory_space<hbm>> -> memref<64x128xi32, #tpu.memory_space<hbm>>
      %dma_start3A_293 = arith.constant 0 : i32
      %dma_start3A_294 = tpu.memref_slice %arg3[%mul3A_4, %dma_start3A_293] : memref<2048x128xi32, #tpu.memory_space<hbm>> -> memref<64x128xi32, #tpu.memory_space<hbm>>
      tpu.enqueue_dma source(%dma_start3A_294 : memref<64x128xi32, #tpu.memory_space<hbm>>) target(%arg5 : memref<64x128xi32, #tpu.memory_space<vmem>>) target_semaphore(%run_scoped3A : memref<!tpu.dma_semaphore, #tpu.memory_space<semaphore_mem>>)
      %dma_wait3A_295 = arith.constant 0 : i32
      %dma_wait3A_296 = tpu.memref_slice %arg3[%mul3A_4, %dma_wait3A_295] : memref<2048x128xi32, #tpu.memory_space<hbm>> -> memref<64x128xi32, #tpu.memory_space<hbm>>
      %dma_wait3A_297 = arith.constant 0 : i32
      %dma_wait3A_298 = tpu.memref_slice %arg3[%mul3A_4, %dma_wait3A_297] : memref<2048x128xi32, #tpu.memory_space<hbm>> -> memref<64x128xi32, #tpu.memory_space<hbm>>
      tpu.wait_dma2 semaphore(%run_scoped3A : memref<!tpu.dma_semaphore, #tpu.memory_space<semaphore_mem>>) src(%dma_wait3A_298 : memref<64x128xi32, #tpu.memory_space<hbm>>) dst(%arg5 : memref<64x128xi32, #tpu.memory_space<vmem>>)
      tpu.yield
    }) : () -> ()
    %dma_start3A = arith.constant 0 : i32
    %dma_start3A_5 = arith.constant 0 : i32
    %dma_start3A_6 = arith.constant 0 : i32
    %dma_start3A_7 = tpu.memref_slice %arg6[%dma_start3A_5, %dma_start3A_6] : memref<8x1664xf32, #tpu.memory_space<vmem>> -> memref<8x128xf32, #tpu.memory_space<vmem>>
    %dma_start3A_8 = arith.constant 0 : i32
    %dma_start3A_9 = tpu.memref_slice %arg5[%dma_start3A, %dma_start3A_8] : memref<64x128xi32, #tpu.memory_space<vmem>> -> memref<1x8xi32, #tpu.memory_space<vmem>>
    %dma_start3A_10 = tpu.memref_squeeze %dma_start3A_9 : memref<1x8xi32, #tpu.memory_space<vmem>> -> memref<8xi32, #tpu.memory_space<vmem>>
    %dma_start3A_11 = arith.constant 0 : i32
    %dma_start3A_12 = arith.constant 0 : i32
    %dma_start3A_13 = tpu.memref_slice %arg2[%dma_start3A_11, %dma_start3A_12] : memref<325000x128xf32, #tpu.memory_space<hbm>> -> memref<325000x128xf32, #tpu.memory_space<hbm>>
    tpu.enqueue_indirect_dma source(%dma_start3A_13 : memref<325000x128xf32, #tpu.memory_space<hbm>>) target(%dma_start3A_7 : memref<8x128xf32, #tpu.memory_space<vmem>>) offsets(%dma_start3A_10 : memref<8xi32, #tpu.memory_space<vmem>>) semaphore(%arg8 : memref<!tpu.dma_semaphore, #tpu.memory_space<semaphore_mem>>)
    %dma_start3A_14 = arith.constant 0 : i32
    %dma_start3A_15 = arith.constant 0 : i32
    %dma_start3A_16 = arith.constant 128 : i32
    %dma_start3A_17 = tpu.memref_slice %arg6[%dma_start3A_15, %dma_start3A_16] : memref<8x1664xf32, #tpu.memory_space<vmem>> -> memref<8x128xf32, #tpu.memory_space<vmem>>
    %dma_start3A_18 = arith.constant 8 : i32
    %dma_start3A_19 = tpu.memref_slice %arg5[%dma_start3A_14, %dma_start3A_18] : memref<64x128xi32, #tpu.memory_space<vmem>> -> memref<1x8xi32, #tpu.memory_space<vmem>>
    %dma_start3A_20 = tpu.memref_squeeze %dma_start3A_19 : memref<1x8xi32, #tpu.memory_space<vmem>> -> memref<8xi32, #tpu.memory_space<vmem>>
    %dma_start3A_21 = arith.constant 0 : i32
    %dma_start3A_22 = arith.constant 0 : i32
    %dma_start3A_23 = tpu.memref_slice %arg2[%dma_start3A_21, %dma_start3A_22] : memref<325000x128xf32, #tpu.memory_space<hbm>> -> memref<325000x128xf32, #tpu.memory_space<hbm>>
    tpu.enqueue_indirect_dma source(%dma_start3A_23 : memref<325000x128xf32, #tpu.memory_space<hbm>>) target(%dma_start3A_17 : memref<8x128xf32, #tpu.memory_space<vmem>>) offsets(%dma_start3A_20 : memref<8xi32, #tpu.memory_space<vmem>>) semaphore(%arg8 : memref<!tpu.dma_semaphore, #tpu.memory_space<semaphore_mem>>)
    %dma_start3A_24 = arith.constant 0 : i32
    %dma_start3A_25 = arith.constant 0 : i32
    %dma_start3A_26 = arith.constant 256 : i32
    %dma_start3A_27 = tpu.memref_slice %arg6[%dma_start3A_25, %dma_start3A_26] : memref<8x1664xf32, #tpu.memory_space<vmem>> -> memref<8x128xf32, #tpu.memory_space<vmem>>
    %dma_start3A_28 = arith.constant 16 : i32
    %dma_start3A_29 = tpu.memref_slice %arg5[%dma_start3A_24, %dma_start3A_28] : memref<64x128xi32, #tpu.memory_space<vmem>> -> memref<1x8xi32, #tpu.memory_space<vmem>>
    %dma_start3A_30 = tpu.memref_squeeze %dma_start3A_29 : memref<1x8xi32, #tpu.memory_space<vmem>> -> memref<8xi32, #tpu.memory_space<vmem>>
    %dma_start3A_31 = arith.constant 0 : i32
    %dma_start3A_32 = arith.constant 0 : i32
    %dma_start3A_33 = tpu.memref_slice %arg2[%dma_start3A_31, %dma_start3A_32] : memref<325000x128xf32, #tpu.memory_space<hbm>> -> memref<325000x128xf32, #tpu.memory_space<hbm>>
    tpu.enqueue_indirect_dma source(%dma_start3A_33 : memref<325000x128xf32, #tpu.memory_space<hbm>>) target(%dma_start3A_27 : memref<8x128xf32, #tpu.memory_space<vmem>>) offsets(%dma_start3A_30 : memref<8xi32, #tpu.memory_space<vmem>>) semaphore(%arg8 : memref<!tpu.dma_semaphore, #tpu.memory_space<semaphore_mem>>)
    %dma_start3A_34 = arith.constant 0 : i32
    %dma_start3A_35 = arith.constant 0 : i32
    %dma_start3A_36 = arith.constant 384 : i32
    %dma_start3A_37 = tpu.memref_slice %arg6[%dma_start3A_35, %dma_start3A_36] : memref<8x1664xf32, #tpu.memory_space<vmem>> -> memref<8x128xf32, #tpu.memory_space<vmem>>
    %dma_start3A_38 = arith.constant 24 : i32
    %dma_start3A_39 = tpu.memref_slice %arg5[%dma_start3A_34, %dma_start3A_38] : memref<64x128xi32, #tpu.memory_space<vmem>> -> memref<1x8xi32, #tpu.memory_space<vmem>>
    %dma_start3A_40 = tpu.memref_squeeze %dma_start3A_39 : memref<1x8xi32, #tpu.memory_space<vmem>> -> memref<8xi32, #tpu.memory_space<vmem>>
    %dma_start3A_41 = arith.constant 0 : i32
    %dma_start3A_42 = arith.constant 0 : i32
    %dma_start3A_43 = tpu.memref_slice %arg2[%dma_start3A_41, %dma_start3A_42] : memref<325000x128xf32, #tpu.memory_space<hbm>> -> memref<325000x128xf32, #tpu.memory_space<hbm>>
    tpu.enqueue_indirect_dma source(%dma_start3A_43 : memref<325000x128xf32, #tpu.memory_space<hbm>>) target(%dma_start3A_37 : memref<8x128xf32, #tpu.memory_space<vmem>>) offsets(%dma_start3A_40 : memref<8xi32, #tpu.memory_space<vmem>>) semaphore(%arg8 : memref<!tpu.dma_semaphore, #tpu.memory_space<semaphore_mem>>)
    %dma_start3A_44 = arith.constant 0 : i32
    %dma_start3A_45 = arith.constant 0 : i32
    %dma_start3A_46 = arith.constant 512 : i32
    %dma_start3A_47 = tpu.memref_slice %arg6[%dma_start3A_45, %dma_start3A_46] : memref<8x1664xf32, #tpu.memory_space<vmem>> -> memref<8x128xf32, #tpu.memory_space<vmem>>
    %dma_start3A_48 = arith.constant 32 : i32
    %dma_start3A_49 = tpu.memref_slice %arg5[%dma_start3A_44, %dma_start3A_48] : memref<64x128xi32, #tpu.memory_space<vmem>> -> memref<1x8xi32, #tpu.memory_space<vmem>>
    %dma_start3A_50 = tpu.memref_squeeze %dma_start3A_49 : memref<1x8xi32, #tpu.memory_space<vmem>> -> memref<8xi32, #tpu.memory_space<vmem>>
    %dma_start3A_51 = arith.constant 0 : i32
    %dma_start3A_52 = arith.constant 0 : i32
    %dma_start3A_53 = tpu.memref_slice %arg2[%dma_start3A_51, %dma_start3A_52] : memref<325000x128xf32, #tpu.memory_space<hbm>> -> memref<325000x128xf32, #tpu.memory_space<hbm>>
    tpu.enqueue_indirect_dma source(%dma_start3A_53 : memref<325000x128xf32, #tpu.memory_space<hbm>>) target(%dma_start3A_47 : memref<8x128xf32, #tpu.memory_space<vmem>>) offsets(%dma_start3A_50 : memref<8xi32, #tpu.memory_space<vmem>>) semaphore(%arg8 : memref<!tpu.dma_semaphore, #tpu.memory_space<semaphore_mem>>)
    %dma_start3A_54 = arith.constant 0 : i32
    %dma_start3A_55 = arith.constant 0 : i32
    %dma_start3A_56 = arith.constant 640 : i32
    %dma_start3A_57 = tpu.memref_slice %arg6[%dma_start3A_55, %dma_start3A_56] : memref<8x1664xf32, #tpu.memory_space<vmem>> -> memref<8x128xf32, #tpu.memory_space<vmem>>
    %dma_start3A_58 = arith.constant 40 : i32
    %dma_start3A_59 = tpu.memref_slice %arg5[%dma_start3A_54, %dma_start3A_58] : memref<64x128xi32, #tpu.memory_space<vmem>> -> memref<1x8xi32, #tpu.memory_space<vmem>>
    %dma_start3A_60 = tpu.memref_squeeze %dma_start3A_59 : memref<1x8xi32, #tpu.memory_space<vmem>> -> memref<8xi32, #tpu.memory_space<vmem>>
    %dma_start3A_61 = arith.constant 0 : i32
    %dma_start3A_62 = arith.constant 0 : i32
    %dma_start3A_63 = tpu.memref_slice %arg2[%dma_start3A_61, %dma_start3A_62] : memref<325000x128xf32, #tpu.memory_space<hbm>> -> memref<325000x128xf32, #tpu.memory_space<hbm>>
    tpu.enqueue_indirect_dma source(%dma_start3A_63 : memref<325000x128xf32, #tpu.memory_space<hbm>>) target(%dma_start3A_57 : memref<8x128xf32, #tpu.memory_space<vmem>>) offsets(%dma_start3A_60 : memref<8xi32, #tpu.memory_space<vmem>>) semaphore(%arg8 : memref<!tpu.dma_semaphore, #tpu.memory_space<semaphore_mem>>)
    %dma_start3A_64 = arith.constant 0 : i32
    %dma_start3A_65 = arith.constant 0 : i32
    %dma_start3A_66 = arith.constant 768 : i32
    %dma_start3A_67 = tpu.memref_slice %arg6[%dma_start3A_65, %dma_start3A_66] : memref<8x1664xf32, #tpu.memory_space<vmem>> -> memref<8x128xf32, #tpu.memory_space<vmem>>
    %dma_start3A_68 = arith.constant 48 : i32
    %dma_start3A_69 = tpu.memref_slice %arg5[%dma_start3A_64, %dma_start3A_68] : memref<64x128xi32, #tpu.memory_space<vmem>> -> memref<1x8xi32, #tpu.memory_space<vmem>>
    %dma_start3A_70 = tpu.memref_squeeze %dma_start3A_69 : memref<1x8xi32, #tpu.memory_space<vmem>> -> memref<8xi32, #tpu.memory_space<vmem>>
    %dma_start3A_71 = arith.constant 0 : i32
    %dma_start3A_72 = arith.constant 0 : i32
    %dma_start3A_73 = tpu.memref_slice %arg2[%dma_start3A_71, %dma_start3A_72] : memref<325000x128xf32, #tpu.memory_space<hbm>> -> memref<325000x128xf32, #tpu.memory_space<hbm>>
    tpu.enqueue_indirect_dma source(%dma_start3A_73 : memref<325000x128xf32, #tpu.memory_space<hbm>>) target(%dma_start3A_67 : memref<8x128xf32, #tpu.memory_space<vmem>>) offsets(%dma_start3A_70 : memref<8xi32, #tpu.memory_space<vmem>>) semaphore(%arg8 : memref<!tpu.dma_semaphore, #tpu.memory_space<semaphore_mem>>)
    %dma_start3A_74 = arith.constant 0 : i32
    %dma_start3A_75 = arith.constant 0 : i32
    %dma_start3A_76 = arith.constant 896 : i32
    %dma_start3A_77 = tpu.memref_slice %arg6[%dma_start3A_75, %dma_start3A_76] : memref<8x1664xf32, #tpu.memory_space<vmem>> -> memref<8x128xf32, #tpu.memory_space<vmem>>
    %dma_start3A_78 = arith.constant 56 : i32
    %dma_start3A_79 = tpu.memref_slice %arg5[%dma_start3A_74, %dma_start3A_78] : memref<64x128xi32, #tpu.memory_space<vmem>> -> memref<1x8xi32, #tpu.memory_space<vmem>>
    %dma_start3A_80 = tpu.memref_squeeze %dma_start3A_79 : memref<1x8xi32, #tpu.memory_space<vmem>> -> memref<8xi32, #tpu.memory_space<vmem>>
    %dma_start3A_81 = arith.constant 0 : i32
    %dma_start3A_82 = arith.constant 0 : i32
    %dma_start3A_83 = tpu.memref_slice %arg2[%dma_start3A_81, %dma_start3A_82] : memref<325000x128xf32, #tpu.memory_space<hbm>> -> memref<325000x128xf32, #tpu.memory_space<hbm>>
    tpu.enqueue_indirect_dma source(%dma_start3A_83 : memref<325000x128xf32, #tpu.memory_space<hbm>>) target(%dma_start3A_77 : memref<8x128xf32, #tpu.memory_space<vmem>>) offsets(%dma_start3A_80 : memref<8xi32, #tpu.memory_space<vmem>>) semaphore(%arg8 : memref<!tpu.dma_semaphore, #tpu.memory_space<semaphore_mem>>)
    %dma_start3A_84 = arith.constant 0 : i32
    %dma_start3A_85 = arith.constant 0 : i32
    %dma_start3A_86 = arith.constant 1024 : i32
    %dma_start3A_87 = tpu.memref_slice %arg6[%dma_start3A_85, %dma_start3A_86] : memref<8x1664xf32, #tpu.memory_space<vmem>> -> memref<8x128xf32, #tpu.memory_space<vmem>>
    %dma_start3A_88 = arith.constant 64 : i32
    %dma_start3A_89 = tpu.memref_slice %arg5[%dma_start3A_84, %dma_start3A_88] : memref<64x128xi32, #tpu.memory_space<vmem>> -> memref<1x8xi32, #tpu.memory_space<vmem>>
    %dma_start3A_90 = tpu.memref_squeeze %dma_start3A_89 : memref<1x8xi32, #tpu.memory_space<vmem>> -> memref<8xi32, #tpu.memory_space<vmem>>
    %dma_start3A_91 = arith.constant 0 : i32
    %dma_start3A_92 = arith.constant 0 : i32
    %dma_start3A_93 = tpu.memref_slice %arg2[%dma_start3A_91, %dma_start3A_92] : memref<325000x128xf32, #tpu.memory_space<hbm>> -> memref<325000x128xf32, #tpu.memory_space<hbm>>
    tpu.enqueue_indirect_dma source(%dma_start3A_93 : memref<325000x128xf32, #tpu.memory_space<hbm>>) target(%dma_start3A_87 : memref<8x128xf32, #tpu.memory_space<vmem>>) offsets(%dma_start3A_90 : memref<8xi32, #tpu.memory_space<vmem>>) semaphore(%arg8 : memref<!tpu.dma_semaphore, #tpu.memory_space<semaphore_mem>>)
    %dma_start3A_94 = arith.constant 0 : i32
    %dma_start3A_95 = arith.constant 0 : i32
    %dma_start3A_96 = arith.constant 1152 : i32
    %dma_start3A_97 = tpu.memref_slice %arg6[%dma_start3A_95, %dma_start3A_96] : memref<8x1664xf32, #tpu.memory_space<vmem>> -> memref<8x128xf32, #tpu.memory_space<vmem>>
    %dma_start3A_98 = arith.constant 72 : i32
    %dma_start3A_99 = tpu.memref_slice %arg5[%dma_start3A_94, %dma_start3A_98] : memref<64x128xi32, #tpu.memory_space<vmem>> -> memref<1x8xi32, #tpu.memory_space<vmem>>
    %dma_start3A_100 = tpu.memref_squeeze %dma_start3A_99 : memref<1x8xi32, #tpu.memory_space<vmem>> -> memref<8xi32, #tpu.memory_space<vmem>>
    %dma_start3A_101 = arith.constant 0 : i32
    %dma_start3A_102 = arith.constant 0 : i32
    %dma_start3A_103 = tpu.memref_slice %arg2[%dma_start3A_101, %dma_start3A_102] : memref<325000x128xf32, #tpu.memory_space<hbm>> -> memref<325000x128xf32, #tpu.memory_space<hbm>>
    tpu.enqueue_indirect_dma source(%dma_start3A_103 : memref<325000x128xf32, #tpu.memory_space<hbm>>) target(%dma_start3A_97 : memref<8x128xf32, #tpu.memory_space<vmem>>) offsets(%dma_start3A_100 : memref<8xi32, #tpu.memory_space<vmem>>) semaphore(%arg8 : memref<!tpu.dma_semaphore, #tpu.memory_space<semaphore_mem>>)
    %dma_start3A_104 = arith.constant 0 : i32
    %dma_start3A_105 = arith.constant 0 : i32
    %dma_start3A_106 = arith.constant 1280 : i32
    %dma_start3A_107 = tpu.memref_slice %arg6[%dma_start3A_105, %dma_start3A_106] : memref<8x1664xf32, #tpu.memory_space<vmem>> -> memref<8x128xf32, #tpu.memory_space<vmem>>
    %dma_start3A_108 = arith.constant 80 : i32
    %dma_start3A_109 = tpu.memref_slice %arg5[%dma_start3A_104, %dma_start3A_108] : memref<64x128xi32, #tpu.memory_space<vmem>> -> memref<1x8xi32, #tpu.memory_space<vmem>>
    %dma_start3A_110 = tpu.memref_squeeze %dma_start3A_109 : memref<1x8xi32, #tpu.memory_space<vmem>> -> memref<8xi32, #tpu.memory_space<vmem>>
    %dma_start3A_111 = arith.constant 0 : i32
    %dma_start3A_112 = arith.constant 0 : i32
    %dma_start3A_113 = tpu.memref_slice %arg2[%dma_start3A_111, %dma_start3A_112] : memref<325000x128xf32, #tpu.memory_space<hbm>> -> memref<325000x128xf32, #tpu.memory_space<hbm>>
    tpu.enqueue_indirect_dma source(%dma_start3A_113 : memref<325000x128xf32, #tpu.memory_space<hbm>>) target(%dma_start3A_107 : memref<8x128xf32, #tpu.memory_space<vmem>>) offsets(%dma_start3A_110 : memref<8xi32, #tpu.memory_space<vmem>>) semaphore(%arg8 : memref<!tpu.dma_semaphore, #tpu.memory_space<semaphore_mem>>)
    %dma_start3A_114 = arith.constant 0 : i32
    %dma_start3A_115 = arith.constant 0 : i32
    %dma_start3A_116 = arith.constant 1408 : i32
    %dma_start3A_117 = tpu.memref_slice %arg6[%dma_start3A_115, %dma_start3A_116] : memref<8x1664xf32, #tpu.memory_space<vmem>> -> memref<8x128xf32, #tpu.memory_space<vmem>>
    %dma_start3A_118 = arith.constant 88 : i32
    %dma_start3A_119 = tpu.memref_slice %arg5[%dma_start3A_114, %dma_start3A_118] : memref<64x128xi32, #tpu.memory_space<vmem>> -> memref<1x8xi32, #tpu.memory_space<vmem>>
    %dma_start3A_120 = tpu.memref_squeeze %dma_start3A_119 : memref<1x8xi32, #tpu.memory_space<vmem>> -> memref<8xi32, #tpu.memory_space<vmem>>
    %dma_start3A_121 = arith.constant 0 : i32
    %dma_start3A_122 = arith.constant 0 : i32
    %dma_start3A_123 = tpu.memref_slice %arg2[%dma_start3A_121, %dma_start3A_122] : memref<325000x128xf32, #tpu.memory_space<hbm>> -> memref<325000x128xf32, #tpu.memory_space<hbm>>
    tpu.enqueue_indirect_dma source(%dma_start3A_123 : memref<325000x128xf32, #tpu.memory_space<hbm>>) target(%dma_start3A_117 : memref<8x128xf32, #tpu.memory_space<vmem>>) offsets(%dma_start3A_120 : memref<8xi32, #tpu.memory_space<vmem>>) semaphore(%arg8 : memref<!tpu.dma_semaphore, #tpu.memory_space<semaphore_mem>>)
    %dma_start3A_124 = arith.constant 0 : i32
    %dma_start3A_125 = arith.constant 0 : i32
    %dma_start3A_126 = arith.constant 1536 : i32
    %dma_start3A_127 = tpu.memref_slice %arg6[%dma_start3A_125, %dma_start3A_126] : memref<8x1664xf32, #tpu.memory_space<vmem>> -> memref<8x128xf32, #tpu.memory_space<vmem>>
    %dma_start3A_128 = arith.constant 96 : i32
    %dma_start3A_129 = tpu.memref_slice %arg5[%dma_start3A_124, %dma_start3A_128] : memref<64x128xi32, #tpu.memory_space<vmem>> -> memref<1x8xi32, #tpu.memory_space<vmem>>
    %dma_start3A_130 = tpu.memref_squeeze %dma_start3A_129 : memref<1x8xi32, #tpu.memory_space<vmem>> -> memref<8xi32, #tpu.memory_space<vmem>>
    %dma_start3A_131 = arith.constant 0 : i32
    %dma_start3A_132 = arith.constant 0 : i32
    %dma_start3A_133 = tpu.memref_slice %arg2[%dma_start3A_131, %dma_start3A_132] : memref<325000x128xf32, #tpu.memory_space<hbm>> -> memref<325000x128xf32, #tpu.memory_space<hbm>>
    tpu.enqueue_indirect_dma source(%dma_start3A_133 : memref<325000x128xf32, #tpu.memory_space<hbm>>) target(%dma_start3A_127 : memref<8x128xf32, #tpu.memory_space<vmem>>) offsets(%dma_start3A_130 : memref<8xi32, #tpu.memory_space<vmem>>) semaphore(%arg8 : memref<!tpu.dma_semaphore, #tpu.memory_space<semaphore_mem>>)
    %dma_start3A_134 = arith.constant 1 : i32
    %dma_start3A_135 = arith.constant 0 : i32
    %dma_start3A_136 = arith.constant 0 : i32
    %dma_start3A_137 = tpu.memref_slice %arg7[%dma_start3A_135, %dma_start3A_136] : memref<8x1664xf32, #tpu.memory_space<vmem>> -> memref<8x128xf32, #tpu.memory_space<vmem>>
    %dma_start3A_138 = arith.constant 0 : i32
    %dma_start3A_139 = tpu.memref_slice %arg5[%dma_start3A_134, %dma_start3A_138] : memref<64x128xi32, #tpu.memory_space<vmem>> -> memref<1x8xi32, #tpu.memory_space<vmem>>
    %dma_start3A_140 = tpu.memref_squeeze %dma_start3A_139 : memref<1x8xi32, #tpu.memory_space<vmem>> -> memref<8xi32, #tpu.memory_space<vmem>>
    %dma_start3A_141 = arith.constant 0 : i32
    %dma_start3A_142 = arith.constant 0 : i32
    %dma_start3A_143 = tpu.memref_slice %arg2[%dma_start3A_141, %dma_start3A_142] : memref<325000x128xf32, #tpu.memory_space<hbm>> -> memref<325000x128xf32, #tpu.memory_space<hbm>>
    tpu.enqueue_indirect_dma source(%dma_start3A_143 : memref<325000x128xf32, #tpu.memory_space<hbm>>) target(%dma_start3A_137 : memref<8x128xf32, #tpu.memory_space<vmem>>) offsets(%dma_start3A_140 : memref<8xi32, #tpu.memory_space<vmem>>) semaphore(%arg9 : memref<!tpu.dma_semaphore, #tpu.memory_space<semaphore_mem>>)
    %dma_start3A_144 = arith.constant 1 : i32
    %dma_start3A_145 = arith.constant 0 : i32
    %dma_start3A_146 = arith.constant 128 : i32
    %dma_start3A_147 = tpu.memref_slice %arg7[%dma_start3A_145, %dma_start3A_146] : memref<8x1664xf32, #tpu.memory_space<vmem>> -> memref<8x128xf32, #tpu.memory_space<vmem>>
    %dma_start3A_148 = arith.constant 8 : i32
    %dma_start3A_149 = tpu.memref_slice %arg5[%dma_start3A_144, %dma_start3A_148] : memref<64x128xi32, #tpu.memory_space<vmem>> -> memref<1x8xi32, #tpu.memory_space<vmem>>
    %dma_start3A_150 = tpu.memref_squeeze %dma_start3A_149 : memref<1x8xi32, #tpu.memory_space<vmem>> -> memref<8xi32, #tpu.memory_space<vmem>>
    %dma_start3A_151 = arith.constant 0 : i32
    %dma_start3A_152 = arith.constant 0 : i32
    %dma_start3A_153 = tpu.memref_slice %arg2[%dma_start3A_151, %dma_start3A_152] : memref<325000x128xf32, #tpu.memory_space<hbm>> -> memref<325000x128xf32, #tpu.memory_space<hbm>>
    tpu.enqueue_indirect_dma source(%dma_start3A_153 : memref<325000x128xf32, #tpu.memory_space<hbm>>) target(%dma_start3A_147 : memref<8x128xf32, #tpu.memory_space<vmem>>) offsets(%dma_start3A_150 : memref<8xi32, #tpu.memory_space<vmem>>) semaphore(%arg9 : memref<!tpu.dma_semaphore, #tpu.memory_space<semaphore_mem>>)
    %dma_start3A_154 = arith.constant 1 : i32
    %dma_start3A_155 = arith.constant 0 : i32
    %dma_start3A_156 = arith.constant 256 : i32
    %dma_start3A_157 = tpu.memref_slice %arg7[%dma_start3A_155, %dma_start3A_156] : memref<8x1664xf32, #tpu.memory_space<vmem>> -> memref<8x128xf32, #tpu.memory_space<vmem>>
    %dma_start3A_158 = arith.constant 16 : i32
    %dma_start3A_159 = tpu.memref_slice %arg5[%dma_start3A_154, %dma_start3A_158] : memref<64x128xi32, #tpu.memory_space<vmem>> -> memref<1x8xi32, #tpu.memory_space<vmem>>
    %dma_start3A_160 = tpu.memref_squeeze %dma_start3A_159 : memref<1x8xi32, #tpu.memory_space<vmem>> -> memref<8xi32, #tpu.memory_space<vmem>>
    %dma_start3A_161 = arith.constant 0 : i32
    %dma_start3A_162 = arith.constant 0 : i32
    %dma_start3A_163 = tpu.memref_slice %arg2[%dma_start3A_161, %dma_start3A_162] : memref<325000x128xf32, #tpu.memory_space<hbm>> -> memref<325000x128xf32, #tpu.memory_space<hbm>>
    tpu.enqueue_indirect_dma source(%dma_start3A_163 : memref<325000x128xf32, #tpu.memory_space<hbm>>) target(%dma_start3A_157 : memref<8x128xf32, #tpu.memory_space<vmem>>) offsets(%dma_start3A_160 : memref<8xi32, #tpu.memory_space<vmem>>) semaphore(%arg9 : memref<!tpu.dma_semaphore, #tpu.memory_space<semaphore_mem>>)
    %dma_start3A_164 = arith.constant 1 : i32
    %dma_start3A_165 = arith.constant 0 : i32
    %dma_start3A_166 = arith.constant 384 : i32
    %dma_start3A_167 = tpu.memref_slice %arg7[%dma_start3A_165, %dma_start3A_166] : memref<8x1664xf32, #tpu.memory_space<vmem>> -> memref<8x128xf32, #tpu.memory_space<vmem>>
    %dma_start3A_168 = arith.constant 24 : i32
    %dma_start3A_169 = tpu.memref_slice %arg5[%dma_start3A_164, %dma_start3A_168] : memref<64x128xi32, #tpu.memory_space<vmem>> -> memref<1x8xi32, #tpu.memory_space<vmem>>
    %dma_start3A_170 = tpu.memref_squeeze %dma_start3A_169 : memref<1x8xi32, #tpu.memory_space<vmem>> -> memref<8xi32, #tpu.memory_space<vmem>>
    %dma_start3A_171 = arith.constant 0 : i32
    %dma_start3A_172 = arith.constant 0 : i32
    %dma_start3A_173 = tpu.memref_slice %arg2[%dma_start3A_171, %dma_start3A_172] : memref<325000x128xf32, #tpu.memory_space<hbm>> -> memref<325000x128xf32, #tpu.memory_space<hbm>>
    tpu.enqueue_indirect_dma source(%dma_start3A_173 : memref<325000x128xf32, #tpu.memory_space<hbm>>) target(%dma_start3A_167 : memref<8x128xf32, #tpu.memory_space<vmem>>) offsets(%dma_start3A_170 : memref<8xi32, #tpu.memory_space<vmem>>) semaphore(%arg9 : memref<!tpu.dma_semaphore, #tpu.memory_space<semaphore_mem>>)
    %dma_start3A_174 = arith.constant 1 : i32
    %dma_start3A_175 = arith.constant 0 : i32
    %dma_start3A_176 = arith.constant 512 : i32
    %dma_start3A_177 = tpu.memref_slice %arg7[%dma_start3A_175, %dma_start3A_176] : memref<8x1664xf32, #tpu.memory_space<vmem>> -> memref<8x128xf32, #tpu.memory_space<vmem>>
    %dma_start3A_178 = arith.constant 32 : i32
    %dma_start3A_179 = tpu.memref_slice %arg5[%dma_start3A_174, %dma_start3A_178] : memref<64x128xi32, #tpu.memory_space<vmem>> -> memref<1x8xi32, #tpu.memory_space<vmem>>
    %dma_start3A_180 = tpu.memref_squeeze %dma_start3A_179 : memref<1x8xi32, #tpu.memory_space<vmem>> -> memref<8xi32, #tpu.memory_space<vmem>>
    %dma_start3A_181 = arith.constant 0 : i32
    %dma_start3A_182 = arith.constant 0 : i32
    %dma_start3A_183 = tpu.memref_slice %arg2[%dma_start3A_181, %dma_start3A_182] : memref<325000x128xf32, #tpu.memory_space<hbm>> -> memref<325000x128xf32, #tpu.memory_space<hbm>>
    tpu.enqueue_indirect_dma source(%dma_start3A_183 : memref<325000x128xf32, #tpu.memory_space<hbm>>) target(%dma_start3A_177 : memref<8x128xf32, #tpu.memory_space<vmem>>) offsets(%dma_start3A_180 : memref<8xi32, #tpu.memory_space<vmem>>) semaphore(%arg9 : memref<!tpu.dma_semaphore, #tpu.memory_space<semaphore_mem>>)
    %dma_start3A_184 = arith.constant 1 : i32
    %dma_start3A_185 = arith.constant 0 : i32
    %dma_start3A_186 = arith.constant 640 : i32
    %dma_start3A_187 = tpu.memref_slice %arg7[%dma_start3A_185, %dma_start3A_186] : memref<8x1664xf32, #tpu.memory_space<vmem>> -> memref<8x128xf32, #tpu.memory_space<vmem>>
    %dma_start3A_188 = arith.constant 40 : i32
    %dma_start3A_189 = tpu.memref_slice %arg5[%dma_start3A_184, %dma_start3A_188] : memref<64x128xi32, #tpu.memory_space<vmem>> -> memref<1x8xi32, #tpu.memory_space<vmem>>
    %dma_start3A_190 = tpu.memref_squeeze %dma_start3A_189 : memref<1x8xi32, #tpu.memory_space<vmem>> -> memref<8xi32, #tpu.memory_space<vmem>>
    %dma_start3A_191 = arith.constant 0 : i32
    %dma_start3A_192 = arith.constant 0 : i32
    %dma_start3A_193 = tpu.memref_slice %arg2[%dma_start3A_191, %dma_start3A_192] : memref<325000x128xf32, #tpu.memory_space<hbm>> -> memref<325000x128xf32, #tpu.memory_space<hbm>>
    tpu.enqueue_indirect_dma source(%dma_start3A_193 : memref<325000x128xf32, #tpu.memory_space<hbm>>) target(%dma_start3A_187 : memref<8x128xf32, #tpu.memory_space<vmem>>) offsets(%dma_start3A_190 : memref<8xi32, #tpu.memory_space<vmem>>) semaphore(%arg9 : memref<!tpu.dma_semaphore, #tpu.memory_space<semaphore_mem>>)
    %dma_start3A_194 = arith.constant 1 : i32
    %dma_start3A_195 = arith.constant 0 : i32
    %dma_start3A_196 = arith.constant 768 : i32
    %dma_start3A_197 = tpu.memref_slice %arg7[%dma_start3A_195, %dma_start3A_196] : memref<8x1664xf32, #tpu.memory_space<vmem>> -> memref<8x128xf32, #tpu.memory_space<vmem>>
    %dma_start3A_198 = arith.constant 48 : i32
    %dma_start3A_199 = tpu.memref_slice %arg5[%dma_start3A_194, %dma_start3A_198] : memref<64x128xi32, #tpu.memory_space<vmem>> -> memref<1x8xi32, #tpu.memory_space<vmem>>
    %dma_start3A_200 = tpu.memref_squeeze %dma_start3A_199 : memref<1x8xi32, #tpu.memory_space<vmem>> -> memref<8xi32, #tpu.memory_space<vmem>>
    %dma_start3A_201 = arith.constant 0 : i32
    %dma_start3A_202 = arith.constant 0 : i32
    %dma_start3A_203 = tpu.memref_slice %arg2[%dma_start3A_201, %dma_start3A_202] : memref<325000x128xf32, #tpu.memory_space<hbm>> -> memref<325000x128xf32, #tpu.memory_space<hbm>>
    tpu.enqueue_indirect_dma source(%dma_start3A_203 : memref<325000x128xf32, #tpu.memory_space<hbm>>) target(%dma_start3A_197 : memref<8x128xf32, #tpu.memory_space<vmem>>) offsets(%dma_start3A_200 : memref<8xi32, #tpu.memory_space<vmem>>) semaphore(%arg9 : memref<!tpu.dma_semaphore, #tpu.memory_space<semaphore_mem>>)
    %dma_start3A_204 = arith.constant 1 : i32
    %dma_start3A_205 = arith.constant 0 : i32
    %dma_start3A_206 = arith.constant 896 : i32
    %dma_start3A_207 = tpu.memref_slice %arg7[%dma_start3A_205, %dma_start3A_206] : memref<8x1664xf32, #tpu.memory_space<vmem>> -> memref<8x128xf32, #tpu.memory_space<vmem>>
    %dma_start3A_208 = arith.constant 56 : i32
    %dma_start3A_209 = tpu.memref_slice %arg5[%dma_start3A_204, %dma_start3A_208] : memref<64x128xi32, #tpu.memory_space<vmem>> -> memref<1x8xi32, #tpu.memory_space<vmem>>
    %dma_start3A_210 = tpu.memref_squeeze %dma_start3A_209 : memref<1x8xi32, #tpu.memory_space<vmem>> -> memref<8xi32, #tpu.memory_space<vmem>>
    %dma_start3A_211 = arith.constant 0 : i32
    %dma_start3A_212 = arith.constant 0 : i32
    %dma_start3A_213 = tpu.memref_slice %arg2[%dma_start3A_211, %dma_start3A_212] : memref<325000x128xf32, #tpu.memory_space<hbm>> -> memref<325000x128xf32, #tpu.memory_space<hbm>>
    tpu.enqueue_indirect_dma source(%dma_start3A_213 : memref<325000x128xf32, #tpu.memory_space<hbm>>) target(%dma_start3A_207 : memref<8x128xf32, #tpu.memory_space<vmem>>) offsets(%dma_start3A_210 : memref<8xi32, #tpu.memory_space<vmem>>) semaphore(%arg9 : memref<!tpu.dma_semaphore, #tpu.memory_space<semaphore_mem>>)
    %dma_start3A_214 = arith.constant 1 : i32
    %dma_start3A_215 = arith.constant 0 : i32
    %dma_start3A_216 = arith.constant 1024 : i32
    %dma_start3A_217 = tpu.memref_slice %arg7[%dma_start3A_215, %dma_start3A_216] : memref<8x1664xf32, #tpu.memory_space<vmem>> -> memref<8x128xf32, #tpu.memory_space<vmem>>
    %dma_start3A_218 = arith.constant 64 : i32
    %dma_start3A_219 = tpu.memref_slice %arg5[%dma_start3A_214, %dma_start3A_218] : memref<64x128xi32, #tpu.memory_space<vmem>> -> memref<1x8xi32, #tpu.memory_space<vmem>>
    %dma_start3A_220 = tpu.memref_squeeze %dma_start3A_219 : memref<1x8xi32, #tpu.memory_space<vmem>> -> memref<8xi32, #tpu.memory_space<vmem>>
    %dma_start3A_221 = arith.constant 0 : i32
    %dma_start3A_222 = arith.constant 0 : i32
    %dma_start3A_223 = tpu.memref_slice %arg2[%dma_start3A_221, %dma_start3A_222] : memref<325000x128xf32, #tpu.memory_space<hbm>> -> memref<325000x128xf32, #tpu.memory_space<hbm>>
    tpu.enqueue_indirect_dma source(%dma_start3A_223 : memref<325000x128xf32, #tpu.memory_space<hbm>>) target(%dma_start3A_217 : memref<8x128xf32, #tpu.memory_space<vmem>>) offsets(%dma_start3A_220 : memref<8xi32, #tpu.memory_space<vmem>>) semaphore(%arg9 : memref<!tpu.dma_semaphore, #tpu.memory_space<semaphore_mem>>)
    %dma_start3A_224 = arith.constant 1 : i32
    %dma_start3A_225 = arith.constant 0 : i32
    %dma_start3A_226 = arith.constant 1152 : i32
    %dma_start3A_227 = tpu.memref_slice %arg7[%dma_start3A_225, %dma_start3A_226] : memref<8x1664xf32, #tpu.memory_space<vmem>> -> memref<8x128xf32, #tpu.memory_space<vmem>>
    %dma_start3A_228 = arith.constant 72 : i32
    %dma_start3A_229 = tpu.memref_slice %arg5[%dma_start3A_224, %dma_start3A_228] : memref<64x128xi32, #tpu.memory_space<vmem>> -> memref<1x8xi32, #tpu.memory_space<vmem>>
    %dma_start3A_230 = tpu.memref_squeeze %dma_start3A_229 : memref<1x8xi32, #tpu.memory_space<vmem>> -> memref<8xi32, #tpu.memory_space<vmem>>
    %dma_start3A_231 = arith.constant 0 : i32
    %dma_start3A_232 = arith.constant 0 : i32
    %dma_start3A_233 = tpu.memref_slice %arg2[%dma_start3A_231, %dma_start3A_232] : memref<325000x128xf32, #tpu.memory_space<hbm>> -> memref<325000x128xf32, #tpu.memory_space<hbm>>
    tpu.enqueue_indirect_dma source(%dma_start3A_233 : memref<325000x128xf32, #tpu.memory_space<hbm>>) target(%dma_start3A_227 : memref<8x128xf32, #tpu.memory_space<vmem>>) offsets(%dma_start3A_230 : memref<8xi32, #tpu.memory_space<vmem>>) semaphore(%arg9 : memref<!tpu.dma_semaphore, #tpu.memory_space<semaphore_mem>>)
    %dma_start3A_234 = arith.constant 1 : i32
    %dma_start3A_235 = arith.constant 0 : i32
    %dma_start3A_236 = arith.constant 1280 : i32
    %dma_start3A_237 = tpu.memref_slice %arg7[%dma_start3A_235, %dma_start3A_236] : memref<8x1664xf32, #tpu.memory_space<vmem>> -> memref<8x128xf32, #tpu.memory_space<vmem>>
    %dma_start3A_238 = arith.constant 80 : i32
    %dma_start3A_239 = tpu.memref_slice %arg5[%dma_start3A_234, %dma_start3A_238] : memref<64x128xi32, #tpu.memory_space<vmem>> -> memref<1x8xi32, #tpu.memory_space<vmem>>
    %dma_start3A_240 = tpu.memref_squeeze %dma_start3A_239 : memref<1x8xi32, #tpu.memory_space<vmem>> -> memref<8xi32, #tpu.memory_space<vmem>>
    %dma_start3A_241 = arith.constant 0 : i32
    %dma_start3A_242 = arith.constant 0 : i32
    %dma_start3A_243 = tpu.memref_slice %arg2[%dma_start3A_241, %dma_start3A_242] : memref<325000x128xf32, #tpu.memory_space<hbm>> -> memref<325000x128xf32, #tpu.memory_space<hbm>>
    tpu.enqueue_indirect_dma source(%dma_start3A_243 : memref<325000x128xf32, #tpu.memory_space<hbm>>) target(%dma_start3A_237 : memref<8x128xf32, #tpu.memory_space<vmem>>) offsets(%dma_start3A_240 : memref<8xi32, #tpu.memory_space<vmem>>) semaphore(%arg9 : memref<!tpu.dma_semaphore, #tpu.memory_space<semaphore_mem>>)
    %dma_start3A_244 = arith.constant 1 : i32
    %dma_start3A_245 = arith.constant 0 : i32
    %dma_start3A_246 = arith.constant 1408 : i32
    %dma_start3A_247 = tpu.memref_slice %arg7[%dma_start3A_245, %dma_start3A_246] : memref<8x1664xf32, #tpu.memory_space<vmem>> -> memref<8x128xf32, #tpu.memory_space<vmem>>
    %dma_start3A_248 = arith.constant 88 : i32
    %dma_start3A_249 = tpu.memref_slice %arg5[%dma_start3A_244, %dma_start3A_248] : memref<64x128xi32, #tpu.memory_space<vmem>> -> memref<1x8xi32, #tpu.memory_space<vmem>>
    %dma_start3A_250 = tpu.memref_squeeze %dma_start3A_249 : memref<1x8xi32, #tpu.memory_space<vmem>> -> memref<8xi32, #tpu.memory_space<vmem>>
    %dma_start3A_251 = arith.constant 0 : i32
    %dma_start3A_252 = arith.constant 0 : i32
    %dma_start3A_253 = tpu.memref_slice %arg2[%dma_start3A_251, %dma_start3A_252] : memref<325000x128xf32, #tpu.memory_space<hbm>> -> memref<325000x128xf32, #tpu.memory_space<hbm>>
    tpu.enqueue_indirect_dma source(%dma_start3A_253 : memref<325000x128xf32, #tpu.memory_space<hbm>>) target(%dma_start3A_247 : memref<8x128xf32, #tpu.memory_space<vmem>>) offsets(%dma_start3A_250 : memref<8xi32, #tpu.memory_space<vmem>>) semaphore(%arg9 : memref<!tpu.dma_semaphore, #tpu.memory_space<semaphore_mem>>)
    %dma_start3A_254 = arith.constant 1 : i32
    %dma_start3A_255 = arith.constant 0 : i32
    %dma_start3A_256 = arith.constant 1536 : i32
    %dma_start3A_257 = tpu.memref_slice %arg7[%dma_start3A_255, %dma_start3A_256] : memref<8x1664xf32, #tpu.memory_space<vmem>> -> memref<8x128xf32, #tpu.memory_space<vmem>>
    %dma_start3A_258 = arith.constant 96 : i32
    %dma_start3A_259 = tpu.memref_slice %arg5[%dma_start3A_254, %dma_start3A_258] : memref<64x128xi32, #tpu.memory_space<vmem>> -> memref<1x8xi32, #tpu.memory_space<vmem>>
    %dma_start3A_260 = tpu.memref_squeeze %dma_start3A_259 : memref<1x8xi32, #tpu.memory_space<vmem>> -> memref<8xi32, #tpu.memory_space<vmem>>
    %dma_start3A_261 = arith.constant 0 : i32
    %dma_start3A_262 = arith.constant 0 : i32
    %dma_start3A_263 = tpu.memref_slice %arg2[%dma_start3A_261, %dma_start3A_262] : memref<325000x128xf32, #tpu.memory_space<hbm>> -> memref<325000x128xf32, #tpu.memory_space<hbm>>
    tpu.enqueue_indirect_dma source(%dma_start3A_263 : memref<325000x128xf32, #tpu.memory_space<hbm>>) target(%dma_start3A_257 : memref<8x128xf32, #tpu.memory_space<vmem>>) offsets(%dma_start3A_260 : memref<8xi32, #tpu.memory_space<vmem>>) semaphore(%arg9 : memref<!tpu.dma_semaphore, #tpu.memory_space<semaphore_mem>>)
    %scan3A = arith.constant 0 : i32
    %scan3A_264 = arith.constant 31 : i32
    %scan3A_265 = arith.addi %scan3A, %scan3A_264 : i32
    %scan3A_266 = arith.constant 1 : i32
    scf.for %scan3A_291 = %scan3A to %scan3A_265 step %scan3A_266  : i32 {
      %mul3A_292 = arith.constant 1 : i32
      %mul3A_293 = arith.muli %scan3A_291, %mul3A_292 : i32
      %add3A_294 = arith.constant 0 : i32
      %add3A_295 = arith.addi %add3A_294, %mul3A_293 : i32
      %mul3A_296 = arith.constant 2 : i32
      %mul3A_297 = arith.muli %mul3A_296, %add3A_295 : i32
      %add3A_298 = arith.constant 0 : i32
      %add3A_299 = arith.addi %mul3A_297, %add3A_298 : i32
      %add3A_300 = arith.addi %mul3A_2, %add3A_299 : i32
      %dma_wait3A_301 = arith.constant 0 : i32
      %dma_wait3A_302 = arith.constant 0 : i32
      %dma_wait3A_303 = tpu.memref_slice %arg4[%add3A_300, %dma_wait3A_301, %dma_wait3A_302] : memref<2048x8x1664xf32, #tpu.memory_space<hbm>> -> memref<1x8x1664xf32, #tpu.memory_space<hbm>>
      %dma_wait3A_304 = tpu.memref_squeeze %dma_wait3A_303 : memref<1x8x1664xf32, #tpu.memory_space<hbm>> -> memref<8x1664xf32, #tpu.memory_space<hbm>>
      %dma_wait3A_305 = arith.constant 0 : i32
      %dma_wait3A_306 = arith.constant 0 : i32
      %dma_wait3A_307 = tpu.memref_slice %arg4[%add3A_300, %dma_wait3A_305, %dma_wait3A_306] : memref<2048x8x1664xf32, #tpu.memory_space<hbm>> -> memref<1x8x1664xf32, #tpu.memory_space<hbm>>
      %dma_wait3A_308 = tpu.memref_squeeze %dma_wait3A_307 : memref<1x8x1664xf32, #tpu.memory_space<hbm>> -> memref<8x1664xf32, #tpu.memory_space<hbm>>
      tpu.wait_dma2 semaphore(%arg8 : memref<!tpu.dma_semaphore, #tpu.memory_space<semaphore_mem>>) src(%dma_wait3A_308 : memref<8x1664xf32, #tpu.memory_space<hbm>>) dst(%arg6 : memref<8x1664xf32, #tpu.memory_space<vmem>>)
      %add3A_309 = arith.addi %mul3A_2, %add3A_299 : i32
      "tpu.region"() ({
        %run_scoped3A = tpu.sem_alloc : memref<!tpu.dma_semaphore, #tpu.memory_space<semaphore_mem>>
        %dma_start3A_562 = arith.constant 0 : i32
        %dma_start3A_563 = arith.constant 0 : i32
        %dma_start3A_564 = tpu.memref_slice %arg4[%add3A_309, %dma_start3A_562, %dma_start3A_563] : memref<2048x8x1664xf32, #tpu.memory_space<hbm>> -> memref<1x8x1664xf32, #tpu.memory_space<hbm>>
        %dma_start3A_565 = tpu.memref_squeeze %dma_start3A_564 : memref<1x8x1664xf32, #tpu.memory_space<hbm>> -> memref<8x1664xf32, #tpu.memory_space<hbm>>
        %dma_start3A_566 = arith.constant 0 : i32
        %dma_start3A_567 = arith.constant 0 : i32
        %dma_start3A_568 = tpu.memref_slice %arg4[%add3A_309, %dma_start3A_566, %dma_start3A_567] : memref<2048x8x1664xf32, #tpu.memory_space<hbm>> -> memref<1x8x1664xf32, #tpu.memory_space<hbm>>
        %dma_start3A_569 = tpu.memref_squeeze %dma_start3A_568 : memref<1x8x1664xf32, #tpu.memory_space<hbm>> -> memref<8x1664xf32, #tpu.memory_space<hbm>>
        tpu.enqueue_dma source(%arg6 : memref<8x1664xf32, #tpu.memory_space<vmem>>) target(%dma_start3A_569 : memref<8x1664xf32, #tpu.memory_space<hbm>>) target_semaphore(%run_scoped3A : memref<!tpu.dma_semaphore, #tpu.memory_space<semaphore_mem>>)
        %dma_wait3A_570 = arith.constant 0 : i32
        %dma_wait3A_571 = arith.constant 0 : i32
        %dma_wait3A_572 = tpu.memref_slice %arg4[%add3A_309, %dma_wait3A_570, %dma_wait3A_571] : memref<2048x8x1664xf32, #tpu.memory_space<hbm>> -> memref<1x8x1664xf32, #tpu.memory_space<hbm>>
        %dma_wait3A_573 = tpu.memref_squeeze %dma_wait3A_572 : memref<1x8x1664xf32, #tpu.memory_space<hbm>> -> memref<8x1664xf32, #tpu.memory_space<hbm>>
        %dma_wait3A_574 = arith.constant 0 : i32
        %dma_wait3A_575 = arith.constant 0 : i32
        %dma_wait3A_576 = tpu.memref_slice %arg4[%add3A_309, %dma_wait3A_574, %dma_wait3A_575] : memref<2048x8x1664xf32, #tpu.memory_space<hbm>> -> memref<1x8x1664xf32, #tpu.memory_space<hbm>>
        %dma_wait3A_577 = tpu.memref_squeeze %dma_wait3A_576 : memref<1x8x1664xf32, #tpu.memory_space<hbm>> -> memref<8x1664xf32, #tpu.memory_space<hbm>>
        tpu.wait_dma2 semaphore(%run_scoped3A : memref<!tpu.dma_semaphore, #tpu.memory_space<semaphore_mem>>) src(%arg6 : memref<8x1664xf32, #tpu.memory_space<vmem>>) dst(%dma_wait3A_577 : memref<8x1664xf32, #tpu.memory_space<hbm>>)
        tpu.yield
      }) : () -> ()
      %add3A_310 = arith.constant 2 : i32
      %add3A_311 = arith.addi %add3A_299, %add3A_310 : i32
      %dma_start3A_312 = arith.constant 0 : i32
      %dma_start3A_313 = arith.constant 0 : i32
      %dma_start3A_314 = tpu.memref_slice %arg6[%dma_start3A_312, %dma_start3A_313] : memref<8x1664xf32, #tpu.memory_space<vmem>> -> memref<8x128xf32, #tpu.memory_space<vmem>>
      %dma_start3A_315 = arith.constant 0 : i32
      %dma_start3A_316 = tpu.memref_slice %arg5[%add3A_311, %dma_start3A_315] : memref<64x128xi32, #tpu.memory_space<vmem>> -> memref<1x8xi32, #tpu.memory_space<vmem>>
      %dma_start3A_317 = tpu.memref_squeeze %dma_start3A_316 : memref<1x8xi32, #tpu.memory_space<vmem>> -> memref<8xi32, #tpu.memory_space<vmem>>
      %dma_start3A_318 = arith.constant 0 : i32
      %dma_start3A_319 = arith.constant 0 : i32
      %dma_start3A_320 = tpu.memref_slice %arg2[%dma_start3A_318, %dma_start3A_319] : memref<325000x128xf32, #tpu.memory_space<hbm>> -> memref<325000x128xf32, #tpu.memory_space<hbm>>
      tpu.enqueue_indirect_dma source(%dma_start3A_320 : memref<325000x128xf32, #tpu.memory_space<hbm>>) target(%dma_start3A_314 : memref<8x128xf32, #tpu.memory_space<vmem>>) offsets(%dma_start3A_317 : memref<8xi32, #tpu.memory_space<vmem>>) semaphore(%arg8 : memref<!tpu.dma_semaphore, #tpu.memory_space<semaphore_mem>>)
      %dma_start3A_321 = arith.constant 0 : i32
      %dma_start3A_322 = arith.constant 128 : i32
      %dma_start3A_323 = tpu.memref_slice %arg6[%dma_start3A_321, %dma_start3A_322] : memref<8x1664xf32, #tpu.memory_space<vmem>> -> memref<8x128xf32, #tpu.memory_space<vmem>>
      %dma_start3A_324 = arith.constant 8 : i32
      %dma_start3A_325 = tpu.memref_slice %arg5[%add3A_311, %dma_start3A_324] : memref<64x128xi32, #tpu.memory_space<vmem>> -> memref<1x8xi32, #tpu.memory_space<vmem>>
      %dma_start3A_326 = tpu.memref_squeeze %dma_start3A_325 : memref<1x8xi32, #tpu.memory_space<vmem>> -> memref<8xi32, #tpu.memory_space<vmem>>
      %dma_start3A_327 = arith.constant 0 : i32
      %dma_start3A_328 = arith.constant 0 : i32
      %dma_start3A_329 = tpu.memref_slice %arg2[%dma_start3A_327, %dma_start3A_328] : memref<325000x128xf32, #tpu.memory_space<hbm>> -> memref<325000x128xf32, #tpu.memory_space<hbm>>
      tpu.enqueue_indirect_dma source(%dma_start3A_329 : memref<325000x128xf32, #tpu.memory_space<hbm>>) target(%dma_start3A_323 : memref<8x128xf32, #tpu.memory_space<vmem>>) offsets(%dma_start3A_326 : memref<8xi32, #tpu.memory_space<vmem>>) semaphore(%arg8 : memref<!tpu.dma_semaphore, #tpu.memory_space<semaphore_mem>>)
      %dma_start3A_330 = arith.constant 0 : i32
      %dma_start3A_331 = arith.constant 256 : i32
      %dma_start3A_332 = tpu.memref_slice %arg6[%dma_start3A_330, %dma_start3A_331] : memref<8x1664xf32, #tpu.memory_space<vmem>> -> memref<8x128xf32, #tpu.memory_space<vmem>>
      %dma_start3A_333 = arith.constant 16 : i32
      %dma_start3A_334 = tpu.memref_slice %arg5[%add3A_311, %dma_start3A_333] : memref<64x128xi32, #tpu.memory_space<vmem>> -> memref<1x8xi32, #tpu.memory_space<vmem>>
      %dma_start3A_335 = tpu.memref_squeeze %dma_start3A_334 : memref<1x8xi32, #tpu.memory_space<vmem>> -> memref<8xi32, #tpu.memory_space<vmem>>
      %dma_start3A_336 = arith.constant 0 : i32
      %dma_start3A_337 = arith.constant 0 : i32
      %dma_start3A_338 = tpu.memref_slice %arg2[%dma_start3A_336, %dma_start3A_337] : memref<325000x128xf32, #tpu.memory_space<hbm>> -> memref<325000x128xf32, #tpu.memory_space<hbm>>
      tpu.enqueue_indirect_dma source(%dma_start3A_338 : memref<325000x128xf32, #tpu.memory_space<hbm>>) target(%dma_start3A_332 : memref<8x128xf32, #tpu.memory_space<vmem>>) offsets(%dma_start3A_335 : memref<8xi32, #tpu.memory_space<vmem>>) semaphore(%arg8 : memref<!tpu.dma_semaphore, #tpu.memory_space<semaphore_mem>>)
      %dma_start3A_339 = arith.constant 0 : i32
      %dma_start3A_340 = arith.constant 384 : i32
      %dma_start3A_341 = tpu.memref_slice %arg6[%dma_start3A_339, %dma_start3A_340] : memref<8x1664xf32, #tpu.memory_space<vmem>> -> memref<8x128xf32, #tpu.memory_space<vmem>>
      %dma_start3A_342 = arith.constant 24 : i32
      %dma_start3A_343 = tpu.memref_slice %arg5[%add3A_311, %dma_start3A_342] : memref<64x128xi32, #tpu.memory_space<vmem>> -> memref<1x8xi32, #tpu.memory_space<vmem>>
      %dma_start3A_344 = tpu.memref_squeeze %dma_start3A_343 : memref<1x8xi32, #tpu.memory_space<vmem>> -> memref<8xi32, #tpu.memory_space<vmem>>
      %dma_start3A_345 = arith.constant 0 : i32
      %dma_start3A_346 = arith.constant 0 : i32
      %dma_start3A_347 = tpu.memref_slice %arg2[%dma_start3A_345, %dma_start3A_346] : memref<325000x128xf32, #tpu.memory_space<hbm>> -> memref<325000x128xf32, #tpu.memory_space<hbm>>
      tpu.enqueue_indirect_dma source(%dma_start3A_347 : memref<325000x128xf32, #tpu.memory_space<hbm>>) target(%dma_start3A_341 : memref<8x128xf32, #tpu.memory_space<vmem>>) offsets(%dma_start3A_344 : memref<8xi32, #tpu.memory_space<vmem>>) semaphore(%arg8 : memref<!tpu.dma_semaphore, #tpu.memory_space<semaphore_mem>>)
      %dma_start3A_348 = arith.constant 0 : i32
      %dma_start3A_349 = arith.constant 512 : i32
      %dma_start3A_350 = tpu.memref_slice %arg6[%dma_start3A_348, %dma_start3A_349] : memref<8x1664xf32, #tpu.memory_space<vmem>> -> memref<8x128xf32, #tpu.memory_space<vmem>>
      %dma_start3A_351 = arith.constant 32 : i32
      %dma_start3A_352 = tpu.memref_slice %arg5[%add3A_311, %dma_start3A_351] : memref<64x128xi32, #tpu.memory_space<vmem>> -> memref<1x8xi32, #tpu.memory_space<vmem>>
      %dma_start3A_353 = tpu.memref_squeeze %dma_start3A_352 : memref<1x8xi32, #tpu.memory_space<vmem>> -> memref<8xi32, #tpu.memory_space<vmem>>
      %dma_start3A_354 = arith.constant 0 : i32
      %dma_start3A_355 = arith.constant 0 : i32
      %dma_start3A_356 = tpu.memref_slice %arg2[%dma_start3A_354, %dma_start3A_355] : memref<325000x128xf32, #tpu.memory_space<hbm>> -> memref<325000x128xf32, #tpu.memory_space<hbm>>
      tpu.enqueue_indirect_dma source(%dma_start3A_356 : memref<325000x128xf32, #tpu.memory_space<hbm>>) target(%dma_start3A_350 : memref<8x128xf32, #tpu.memory_space<vmem>>) offsets(%dma_start3A_353 : memref<8xi32, #tpu.memory_space<vmem>>) semaphore(%arg8 : memref<!tpu.dma_semaphore, #tpu.memory_space<semaphore_mem>>)
      %dma_start3A_357 = arith.constant 0 : i32
      %dma_start3A_358 = arith.constant 640 : i32
      %dma_start3A_359 = tpu.memref_slice %arg6[%dma_start3A_357, %dma_start3A_358] : memref<8x1664xf32, #tpu.memory_space<vmem>> -> memref<8x128xf32, #tpu.memory_space<vmem>>
      %dma_start3A_360 = arith.constant 40 : i32
      %dma_start3A_361 = tpu.memref_slice %arg5[%add3A_311, %dma_start3A_360] : memref<64x128xi32, #tpu.memory_space<vmem>> -> memref<1x8xi32, #tpu.memory_space<vmem>>
      %dma_start3A_362 = tpu.memref_squeeze %dma_start3A_361 : memref<1x8xi32, #tpu.memory_space<vmem>> -> memref<8xi32, #tpu.memory_space<vmem>>
      %dma_start3A_363 = arith.constant 0 : i32
      %dma_start3A_364 = arith.constant 0 : i32
      %dma_start3A_365 = tpu.memref_slice %arg2[%dma_start3A_363, %dma_start3A_364] : memref<325000x128xf32, #tpu.memory_space<hbm>> -> memref<325000x128xf32, #tpu.memory_space<hbm>>
      tpu.enqueue_indirect_dma source(%dma_start3A_365 : memref<325000x128xf32, #tpu.memory_space<hbm>>) target(%dma_start3A_359 : memref<8x128xf32, #tpu.memory_space<vmem>>) offsets(%dma_start3A_362 : memref<8xi32, #tpu.memory_space<vmem>>) semaphore(%arg8 : memref<!tpu.dma_semaphore, #tpu.memory_space<semaphore_mem>>)
      %dma_start3A_366 = arith.constant 0 : i32
      %dma_start3A_367 = arith.constant 768 : i32
      %dma_start3A_368 = tpu.memref_slice %arg6[%dma_start3A_366, %dma_start3A_367] : memref<8x1664xf32, #tpu.memory_space<vmem>> -> memref<8x128xf32, #tpu.memory_space<vmem>>
      %dma_start3A_369 = arith.constant 48 : i32
      %dma_start3A_370 = tpu.memref_slice %arg5[%add3A_311, %dma_start3A_369] : memref<64x128xi32, #tpu.memory_space<vmem>> -> memref<1x8xi32, #tpu.memory_space<vmem>>
      %dma_start3A_371 = tpu.memref_squeeze %dma_start3A_370 : memref<1x8xi32, #tpu.memory_space<vmem>> -> memref<8xi32, #tpu.memory_space<vmem>>
      %dma_start3A_372 = arith.constant 0 : i32
      %dma_start3A_373 = arith.constant 0 : i32
      %dma_start3A_374 = tpu.memref_slice %arg2[%dma_start3A_372, %dma_start3A_373] : memref<325000x128xf32, #tpu.memory_space<hbm>> -> memref<325000x128xf32, #tpu.memory_space<hbm>>
      tpu.enqueue_indirect_dma source(%dma_start3A_374 : memref<325000x128xf32, #tpu.memory_space<hbm>>) target(%dma_start3A_368 : memref<8x128xf32, #tpu.memory_space<vmem>>) offsets(%dma_start3A_371 : memref<8xi32, #tpu.memory_space<vmem>>) semaphore(%arg8 : memref<!tpu.dma_semaphore, #tpu.memory_space<semaphore_mem>>)
      %dma_start3A_375 = arith.constant 0 : i32
      %dma_start3A_376 = arith.constant 896 : i32
      %dma_start3A_377 = tpu.memref_slice %arg6[%dma_start3A_375, %dma_start3A_376] : memref<8x1664xf32, #tpu.memory_space<vmem>> -> memref<8x128xf32, #tpu.memory_space<vmem>>
      %dma_start3A_378 = arith.constant 56 : i32
      %dma_start3A_379 = tpu.memref_slice %arg5[%add3A_311, %dma_start3A_378] : memref<64x128xi32, #tpu.memory_space<vmem>> -> memref<1x8xi32, #tpu.memory_space<vmem>>
      %dma_start3A_380 = tpu.memref_squeeze %dma_start3A_379 : memref<1x8xi32, #tpu.memory_space<vmem>> -> memref<8xi32, #tpu.memory_space<vmem>>
      %dma_start3A_381 = arith.constant 0 : i32
      %dma_start3A_382 = arith.constant 0 : i32
      %dma_start3A_383 = tpu.memref_slice %arg2[%dma_start3A_381, %dma_start3A_382] : memref<325000x128xf32, #tpu.memory_space<hbm>> -> memref<325000x128xf32, #tpu.memory_space<hbm>>
      tpu.enqueue_indirect_dma source(%dma_start3A_383 : memref<325000x128xf32, #tpu.memory_space<hbm>>) target(%dma_start3A_377 : memref<8x128xf32, #tpu.memory_space<vmem>>) offsets(%dma_start3A_380 : memref<8xi32, #tpu.memory_space<vmem>>) semaphore(%arg8 : memref<!tpu.dma_semaphore, #tpu.memory_space<semaphore_mem>>)
      %dma_start3A_384 = arith.constant 0 : i32
      %dma_start3A_385 = arith.constant 1024 : i32
      %dma_start3A_386 = tpu.memref_slice %arg6[%dma_start3A_384, %dma_start3A_385] : memref<8x1664xf32, #tpu.memory_space<vmem>> -> memref<8x128xf32, #tpu.memory_space<vmem>>
      %dma_start3A_387 = arith.constant 64 : i32
      %dma_start3A_388 = tpu.memref_slice %arg5[%add3A_311, %dma_start3A_387] : memref<64x128xi32, #tpu.memory_space<vmem>> -> memref<1x8xi32, #tpu.memory_space<vmem>>
      %dma_start3A_389 = tpu.memref_squeeze %dma_start3A_388 : memref<1x8xi32, #tpu.memory_space<vmem>> -> memref<8xi32, #tpu.memory_space<vmem>>
      %dma_start3A_390 = arith.constant 0 : i32
      %dma_start3A_391 = arith.constant 0 : i32
      %dma_start3A_392 = tpu.memref_slice %arg2[%dma_start3A_390, %dma_start3A_391] : memref<325000x128xf32, #tpu.memory_space<hbm>> -> memref<325000x128xf32, #tpu.memory_space<hbm>>
      tpu.enqueue_indirect_dma source(%dma_start3A_392 : memref<325000x128xf32, #tpu.memory_space<hbm>>) target(%dma_start3A_386 : memref<8x128xf32, #tpu.memory_space<vmem>>) offsets(%dma_start3A_389 : memref<8xi32, #tpu.memory_space<vmem>>) semaphore(%arg8 : memref<!tpu.dma_semaphore, #tpu.memory_space<semaphore_mem>>)
      %dma_start3A_393 = arith.constant 0 : i32
      %dma_start3A_394 = arith.constant 1152 : i32
      %dma_start3A_395 = tpu.memref_slice %arg6[%dma_start3A_393, %dma_start3A_394] : memref<8x1664xf32, #tpu.memory_space<vmem>> -> memref<8x128xf32, #tpu.memory_space<vmem>>
      %dma_start3A_396 = arith.constant 72 : i32
      %dma_start3A_397 = tpu.memref_slice %arg5[%add3A_311, %dma_start3A_396] : memref<64x128xi32, #tpu.memory_space<vmem>> -> memref<1x8xi32, #tpu.memory_space<vmem>>
      %dma_start3A_398 = tpu.memref_squeeze %dma_start3A_397 : memref<1x8xi32, #tpu.memory_space<vmem>> -> memref<8xi32, #tpu.memory_space<vmem>>
      %dma_start3A_399 = arith.constant 0 : i32
      %dma_start3A_400 = arith.constant 0 : i32
      %dma_start3A_401 = tpu.memref_slice %arg2[%dma_start3A_399, %dma_start3A_400] : memref<325000x128xf32, #tpu.memory_space<hbm>> -> memref<325000x128xf32, #tpu.memory_space<hbm>>
      tpu.enqueue_indirect_dma source(%dma_start3A_401 : memref<325000x128xf32, #tpu.memory_space<hbm>>) target(%dma_start3A_395 : memref<8x128xf32, #tpu.memory_space<vmem>>) offsets(%dma_start3A_398 : memref<8xi32, #tpu.memory_space<vmem>>) semaphore(%arg8 : memref<!tpu.dma_semaphore, #tpu.memory_space<semaphore_mem>>)
      %dma_start3A_402 = arith.constant 0 : i32
      %dma_start3A_403 = arith.constant 1280 : i32
      %dma_start3A_404 = tpu.memref_slice %arg6[%dma_start3A_402, %dma_start3A_403] : memref<8x1664xf32, #tpu.memory_space<vmem>> -> memref<8x128xf32, #tpu.memory_space<vmem>>
      %dma_start3A_405 = arith.constant 80 : i32
      %dma_start3A_406 = tpu.memref_slice %arg5[%add3A_311, %dma_start3A_405] : memref<64x128xi32, #tpu.memory_space<vmem>> -> memref<1x8xi32, #tpu.memory_space<vmem>>
      %dma_start3A_407 = tpu.memref_squeeze %dma_start3A_406 : memref<1x8xi32, #tpu.memory_space<vmem>> -> memref<8xi32, #tpu.memory_space<vmem>>
      %dma_start3A_408 = arith.constant 0 : i32
      %dma_start3A_409 = arith.constant 0 : i32
      %dma_start3A_410 = tpu.memref_slice %arg2[%dma_start3A_408, %dma_start3A_409] : memref<325000x128xf32, #tpu.memory_space<hbm>> -> memref<325000x128xf32, #tpu.memory_space<hbm>>
      tpu.enqueue_indirect_dma source(%dma_start3A_410 : memref<325000x128xf32, #tpu.memory_space<hbm>>) target(%dma_start3A_404 : memref<8x128xf32, #tpu.memory_space<vmem>>) offsets(%dma_start3A_407 : memref<8xi32, #tpu.memory_space<vmem>>) semaphore(%arg8 : memref<!tpu.dma_semaphore, #tpu.memory_space<semaphore_mem>>)
      %dma_start3A_411 = arith.constant 0 : i32
      %dma_start3A_412 = arith.constant 1408 : i32
      %dma_start3A_413 = tpu.memref_slice %arg6[%dma_start3A_411, %dma_start3A_412] : memref<8x1664xf32, #tpu.memory_space<vmem>> -> memref<8x128xf32, #tpu.memory_space<vmem>>
      %dma_start3A_414 = arith.constant 88 : i32
      %dma_start3A_415 = tpu.memref_slice %arg5[%add3A_311, %dma_start3A_414] : memref<64x128xi32, #tpu.memory_space<vmem>> -> memref<1x8xi32, #tpu.memory_space<vmem>>
      %dma_start3A_416 = tpu.memref_squeeze %dma_start3A_415 : memref<1x8xi32, #tpu.memory_space<vmem>> -> memref<8xi32, #tpu.memory_space<vmem>>
      %dma_start3A_417 = arith.constant 0 : i32
      %dma_start3A_418 = arith.constant 0 : i32
      %dma_start3A_419 = tpu.memref_slice %arg2[%dma_start3A_417, %dma_start3A_418] : memref<325000x128xf32, #tpu.memory_space<hbm>> -> memref<325000x128xf32, #tpu.memory_space<hbm>>
      tpu.enqueue_indirect_dma source(%dma_start3A_419 : memref<325000x128xf32, #tpu.memory_space<hbm>>) target(%dma_start3A_413 : memref<8x128xf32, #tpu.memory_space<vmem>>) offsets(%dma_start3A_416 : memref<8xi32, #tpu.memory_space<vmem>>) semaphore(%arg8 : memref<!tpu.dma_semaphore, #tpu.memory_space<semaphore_mem>>)
      %dma_start3A_420 = arith.constant 0 : i32
      %dma_start3A_421 = arith.constant 1536 : i32
      %dma_start3A_422 = tpu.memref_slice %arg6[%dma_start3A_420, %dma_start3A_421] : memref<8x1664xf32, #tpu.memory_space<vmem>> -> memref<8x128xf32, #tpu.memory_space<vmem>>
      %dma_start3A_423 = arith.constant 96 : i32
      %dma_start3A_424 = tpu.memref_slice %arg5[%add3A_311, %dma_start3A_423] : memref<64x128xi32, #tpu.memory_space<vmem>> -> memref<1x8xi32, #tpu.memory_space<vmem>>
      %dma_start3A_425 = tpu.memref_squeeze %dma_start3A_424 : memref<1x8xi32, #tpu.memory_space<vmem>> -> memref<8xi32, #tpu.memory_space<vmem>>
      %dma_start3A_426 = arith.constant 0 : i32
      %dma_start3A_427 = arith.constant 0 : i32
      %dma_start3A_428 = tpu.memref_slice %arg2[%dma_start3A_426, %dma_start3A_427] : memref<325000x128xf32, #tpu.memory_space<hbm>> -> memref<325000x128xf32, #tpu.memory_space<hbm>>
      tpu.enqueue_indirect_dma source(%dma_start3A_428 : memref<325000x128xf32, #tpu.memory_space<hbm>>) target(%dma_start3A_422 : memref<8x128xf32, #tpu.memory_space<vmem>>) offsets(%dma_start3A_425 : memref<8xi32, #tpu.memory_space<vmem>>) semaphore(%arg8 : memref<!tpu.dma_semaphore, #tpu.memory_space<semaphore_mem>>)
      %mul3A_429 = arith.constant 2 : i32
      %mul3A_430 = arith.muli %mul3A_429, %add3A_295 : i32
      %add3A_431 = arith.constant 1 : i32
      %add3A_432 = arith.addi %mul3A_430, %add3A_431 : i32
      %add3A_433 = arith.addi %mul3A_2, %add3A_432 : i32
      %dma_wait3A_434 = arith.constant 0 : i32
      %dma_wait3A_435 = arith.constant 0 : i32
      %dma_wait3A_436 = tpu.memref_slice %arg4[%add3A_433, %dma_wait3A_434, %dma_wait3A_435] : memref<2048x8x1664xf32, #tpu.memory_space<hbm>> -> memref<1x8x1664xf32, #tpu.memory_space<hbm>>
      %dma_wait3A_437 = tpu.memref_squeeze %dma_wait3A_436 : memref<1x8x1664xf32, #tpu.memory_space<hbm>> -> memref<8x1664xf32, #tpu.memory_space<hbm>>
      %dma_wait3A_438 = arith.constant 0 : i32
      %dma_wait3A_439 = arith.constant 0 : i32
      %dma_wait3A_440 = tpu.memref_slice %arg4[%add3A_433, %dma_wait3A_438, %dma_wait3A_439] : memref<2048x8x1664xf32, #tpu.memory_space<hbm>> -> memref<1x8x1664xf32, #tpu.memory_space<hbm>>
      %dma_wait3A_441 = tpu.memref_squeeze %dma_wait3A_440 : memref<1x8x1664xf32, #tpu.memory_space<hbm>> -> memref<8x1664xf32, #tpu.memory_space<hbm>>
      tpu.wait_dma2 semaphore(%arg9 : memref<!tpu.dma_semaphore, #tpu.memory_space<semaphore_mem>>) src(%dma_wait3A_441 : memref<8x1664xf32, #tpu.memory_space<hbm>>) dst(%arg7 : memref<8x1664xf32, #tpu.memory_space<vmem>>)
      %add3A_442 = arith.addi %mul3A_2, %add3A_432 : i32
      "tpu.region"() ({
        %run_scoped3A = tpu.sem_alloc : memref<!tpu.dma_semaphore, #tpu.memory_space<semaphore_mem>>
        %dma_start3A_562 = arith.constant 0 : i32
        %dma_start3A_563 = arith.constant 0 : i32
        %dma_start3A_564 = tpu.memref_slice %arg4[%add3A_442, %dma_start3A_562, %dma_start3A_563] : memref<2048x8x1664xf32, #tpu.memory_space<hbm>> -> memref<1x8x1664xf32, #tpu.memory_space<hbm>>
        %dma_start3A_565 = tpu.memref_squeeze %dma_start3A_564 : memref<1x8x1664xf32, #tpu.memory_space<hbm>> -> memref<8x1664xf32, #tpu.memory_space<hbm>>
        %dma_start3A_566 = arith.constant 0 : i32
        %dma_start3A_567 = arith.constant 0 : i32
        %dma_start3A_568 = tpu.memref_slice %arg4[%add3A_442, %dma_start3A_566, %dma_start3A_567] : memref<2048x8x1664xf32, #tpu.memory_space<hbm>> -> memref<1x8x1664xf32, #tpu.memory_space<hbm>>
        %dma_start3A_569 = tpu.memref_squeeze %dma_start3A_568 : memref<1x8x1664xf32, #tpu.memory_space<hbm>> -> memref<8x1664xf32, #tpu.memory_space<hbm>>
        tpu.enqueue_dma source(%arg7 : memref<8x1664xf32, #tpu.memory_space<vmem>>) target(%dma_start3A_569 : memref<8x1664xf32, #tpu.memory_space<hbm>>) target_semaphore(%run_scoped3A : memref<!tpu.dma_semaphore, #tpu.memory_space<semaphore_mem>>)
        %dma_wait3A_570 = arith.constant 0 : i32
        %dma_wait3A_571 = arith.constant 0 : i32
        %dma_wait3A_572 = tpu.memref_slice %arg4[%add3A_442, %dma_wait3A_570, %dma_wait3A_571] : memref<2048x8x1664xf32, #tpu.memory_space<hbm>> -> memref<1x8x1664xf32, #tpu.memory_space<hbm>>
        %dma_wait3A_573 = tpu.memref_squeeze %dma_wait3A_572 : memref<1x8x1664xf32, #tpu.memory_space<hbm>> -> memref<8x1664xf32, #tpu.memory_space<hbm>>
        %dma_wait3A_574 = arith.constant 0 : i32
        %dma_wait3A_575 = arith.constant 0 : i32
        %dma_wait3A_576 = tpu.memref_slice %arg4[%add3A_442, %dma_wait3A_574, %dma_wait3A_575] : memref<2048x8x1664xf32, #tpu.memory_space<hbm>> -> memref<1x8x1664xf32, #tpu.memory_space<hbm>>
        %dma_wait3A_577 = tpu.memref_squeeze %dma_wait3A_576 : memref<1x8x1664xf32, #tpu.memory_space<hbm>> -> memref<8x1664xf32, #tpu.memory_space<hbm>>
        tpu.wait_dma2 semaphore(%run_scoped3A : memref<!tpu.dma_semaphore, #tpu.memory_space<semaphore_mem>>) src(%arg7 : memref<8x1664xf32, #tpu.memory_space<vmem>>) dst(%dma_wait3A_577 : memref<8x1664xf32, #tpu.memory_space<hbm>>)
        tpu.yield
      }) : () -> ()
      %add3A_443 = arith.constant 2 : i32
      %add3A_444 = arith.addi %add3A_432, %add3A_443 : i32
      %dma_start3A_445 = arith.constant 0 : i32
      %dma_start3A_446 = arith.constant 0 : i32
      %dma_start3A_447 = tpu.memref_slice %arg7[%dma_start3A_445, %dma_start3A_446] : memref<8x1664xf32, #tpu.memory_space<vmem>> -> memref<8x128xf32, #tpu.memory_space<vmem>>
      %dma_start3A_448 = arith.constant 0 : i32
      %dma_start3A_449 = tpu.memref_slice %arg5[%add3A_444, %dma_start3A_448] : memref<64x128xi32, #tpu.memory_space<vmem>> -> memref<1x8xi32, #tpu.memory_space<vmem>>
      %dma_start3A_450 = tpu.memref_squeeze %dma_start3A_449 : memref<1x8xi32, #tpu.memory_space<vmem>> -> memref<8xi32, #tpu.memory_space<vmem>>
      %dma_start3A_451 = arith.constant 0 : i32
      %dma_start3A_452 = arith.constant 0 : i32
      %dma_start3A_453 = tpu.memref_slice %arg2[%dma_start3A_451, %dma_start3A_452] : memref<325000x128xf32, #tpu.memory_space<hbm>> -> memref<325000x128xf32, #tpu.memory_space<hbm>>
      tpu.enqueue_indirect_dma source(%dma_start3A_453 : memref<325000x128xf32, #tpu.memory_space<hbm>>) target(%dma_start3A_447 : memref<8x128xf32, #tpu.memory_space<vmem>>) offsets(%dma_start3A_450 : memref<8xi32, #tpu.memory_space<vmem>>) semaphore(%arg9 : memref<!tpu.dma_semaphore, #tpu.memory_space<semaphore_mem>>)
      %dma_start3A_454 = arith.constant 0 : i32
      %dma_start3A_455 = arith.constant 128 : i32
      %dma_start3A_456 = tpu.memref_slice %arg7[%dma_start3A_454, %dma_start3A_455] : memref<8x1664xf32, #tpu.memory_space<vmem>> -> memref<8x128xf32, #tpu.memory_space<vmem>>
      %dma_start3A_457 = arith.constant 8 : i32
      %dma_start3A_458 = tpu.memref_slice %arg5[%add3A_444, %dma_start3A_457] : memref<64x128xi32, #tpu.memory_space<vmem>> -> memref<1x8xi32, #tpu.memory_space<vmem>>
      %dma_start3A_459 = tpu.memref_squeeze %dma_start3A_458 : memref<1x8xi32, #tpu.memory_space<vmem>> -> memref<8xi32, #tpu.memory_space<vmem>>
      %dma_start3A_460 = arith.constant 0 : i32
      %dma_start3A_461 = arith.constant 0 : i32
      %dma_start3A_462 = tpu.memref_slice %arg2[%dma_start3A_460, %dma_start3A_461] : memref<325000x128xf32, #tpu.memory_space<hbm>> -> memref<325000x128xf32, #tpu.memory_space<hbm>>
      tpu.enqueue_indirect_dma source(%dma_start3A_462 : memref<325000x128xf32, #tpu.memory_space<hbm>>) target(%dma_start3A_456 : memref<8x128xf32, #tpu.memory_space<vmem>>) offsets(%dma_start3A_459 : memref<8xi32, #tpu.memory_space<vmem>>) semaphore(%arg9 : memref<!tpu.dma_semaphore, #tpu.memory_space<semaphore_mem>>)
      %dma_start3A_463 = arith.constant 0 : i32
      %dma_start3A_464 = arith.constant 256 : i32
      %dma_start3A_465 = tpu.memref_slice %arg7[%dma_start3A_463, %dma_start3A_464] : memref<8x1664xf32, #tpu.memory_space<vmem>> -> memref<8x128xf32, #tpu.memory_space<vmem>>
      %dma_start3A_466 = arith.constant 16 : i32
      %dma_start3A_467 = tpu.memref_slice %arg5[%add3A_444, %dma_start3A_466] : memref<64x128xi32, #tpu.memory_space<vmem>> -> memref<1x8xi32, #tpu.memory_space<vmem>>
      %dma_start3A_468 = tpu.memref_squeeze %dma_start3A_467 : memref<1x8xi32, #tpu.memory_space<vmem>> -> memref<8xi32, #tpu.memory_space<vmem>>
      %dma_start3A_469 = arith.constant 0 : i32
      %dma_start3A_470 = arith.constant 0 : i32
      %dma_start3A_471 = tpu.memref_slice %arg2[%dma_start3A_469, %dma_start3A_470] : memref<325000x128xf32, #tpu.memory_space<hbm>> -> memref<325000x128xf32, #tpu.memory_space<hbm>>
      tpu.enqueue_indirect_dma source(%dma_start3A_471 : memref<325000x128xf32, #tpu.memory_space<hbm>>) target(%dma_start3A_465 : memref<8x128xf32, #tpu.memory_space<vmem>>) offsets(%dma_start3A_468 : memref<8xi32, #tpu.memory_space<vmem>>) semaphore(%arg9 : memref<!tpu.dma_semaphore, #tpu.memory_space<semaphore_mem>>)
      %dma_start3A_472 = arith.constant 0 : i32
      %dma_start3A_473 = arith.constant 384 : i32
      %dma_start3A_474 = tpu.memref_slice %arg7[%dma_start3A_472, %dma_start3A_473] : memref<8x1664xf32, #tpu.memory_space<vmem>> -> memref<8x128xf32, #tpu.memory_space<vmem>>
      %dma_start3A_475 = arith.constant 24 : i32
      %dma_start3A_476 = tpu.memref_slice %arg5[%add3A_444, %dma_start3A_475] : memref<64x128xi32, #tpu.memory_space<vmem>> -> memref<1x8xi32, #tpu.memory_space<vmem>>
      %dma_start3A_477 = tpu.memref_squeeze %dma_start3A_476 : memref<1x8xi32, #tpu.memory_space<vmem>> -> memref<8xi32, #tpu.memory_space<vmem>>
      %dma_start3A_478 = arith.constant 0 : i32
      %dma_start3A_479 = arith.constant 0 : i32
      %dma_start3A_480 = tpu.memref_slice %arg2[%dma_start3A_478, %dma_start3A_479] : memref<325000x128xf32, #tpu.memory_space<hbm>> -> memref<325000x128xf32, #tpu.memory_space<hbm>>
      tpu.enqueue_indirect_dma source(%dma_start3A_480 : memref<325000x128xf32, #tpu.memory_space<hbm>>) target(%dma_start3A_474 : memref<8x128xf32, #tpu.memory_space<vmem>>) offsets(%dma_start3A_477 : memref<8xi32, #tpu.memory_space<vmem>>) semaphore(%arg9 : memref<!tpu.dma_semaphore, #tpu.memory_space<semaphore_mem>>)
      %dma_start3A_481 = arith.constant 0 : i32
      %dma_start3A_482 = arith.constant 512 : i32
      %dma_start3A_483 = tpu.memref_slice %arg7[%dma_start3A_481, %dma_start3A_482] : memref<8x1664xf32, #tpu.memory_space<vmem>> -> memref<8x128xf32, #tpu.memory_space<vmem>>
      %dma_start3A_484 = arith.constant 32 : i32
      %dma_start3A_485 = tpu.memref_slice %arg5[%add3A_444, %dma_start3A_484] : memref<64x128xi32, #tpu.memory_space<vmem>> -> memref<1x8xi32, #tpu.memory_space<vmem>>
      %dma_start3A_486 = tpu.memref_squeeze %dma_start3A_485 : memref<1x8xi32, #tpu.memory_space<vmem>> -> memref<8xi32, #tpu.memory_space<vmem>>
      %dma_start3A_487 = arith.constant 0 : i32
      %dma_start3A_488 = arith.constant 0 : i32
      %dma_start3A_489 = tpu.memref_slice %arg2[%dma_start3A_487, %dma_start3A_488] : memref<325000x128xf32, #tpu.memory_space<hbm>> -> memref<325000x128xf32, #tpu.memory_space<hbm>>
      tpu.enqueue_indirect_dma source(%dma_start3A_489 : memref<325000x128xf32, #tpu.memory_space<hbm>>) target(%dma_start3A_483 : memref<8x128xf32, #tpu.memory_space<vmem>>) offsets(%dma_start3A_486 : memref<8xi32, #tpu.memory_space<vmem>>) semaphore(%arg9 : memref<!tpu.dma_semaphore, #tpu.memory_space<semaphore_mem>>)
      %dma_start3A_490 = arith.constant 0 : i32
      %dma_start3A_491 = arith.constant 640 : i32
      %dma_start3A_492 = tpu.memref_slice %arg7[%dma_start3A_490, %dma_start3A_491] : memref<8x1664xf32, #tpu.memory_space<vmem>> -> memref<8x128xf32, #tpu.memory_space<vmem>>
      %dma_start3A_493 = arith.constant 40 : i32
      %dma_start3A_494 = tpu.memref_slice %arg5[%add3A_444, %dma_start3A_493] : memref<64x128xi32, #tpu.memory_space<vmem>> -> memref<1x8xi32, #tpu.memory_space<vmem>>
      %dma_start3A_495 = tpu.memref_squeeze %dma_start3A_494 : memref<1x8xi32, #tpu.memory_space<vmem>> -> memref<8xi32, #tpu.memory_space<vmem>>
      %dma_start3A_496 = arith.constant 0 : i32
      %dma_start3A_497 = arith.constant 0 : i32
      %dma_start3A_498 = tpu.memref_slice %arg2[%dma_start3A_496, %dma_start3A_497] : memref<325000x128xf32, #tpu.memory_space<hbm>> -> memref<325000x128xf32, #tpu.memory_space<hbm>>
      tpu.enqueue_indirect_dma source(%dma_start3A_498 : memref<325000x128xf32, #tpu.memory_space<hbm>>) target(%dma_start3A_492 : memref<8x128xf32, #tpu.memory_space<vmem>>) offsets(%dma_start3A_495 : memref<8xi32, #tpu.memory_space<vmem>>) semaphore(%arg9 : memref<!tpu.dma_semaphore, #tpu.memory_space<semaphore_mem>>)
      %dma_start3A_499 = arith.constant 0 : i32
      %dma_start3A_500 = arith.constant 768 : i32
      %dma_start3A_501 = tpu.memref_slice %arg7[%dma_start3A_499, %dma_start3A_500] : memref<8x1664xf32, #tpu.memory_space<vmem>> -> memref<8x128xf32, #tpu.memory_space<vmem>>
      %dma_start3A_502 = arith.constant 48 : i32
      %dma_start3A_503 = tpu.memref_slice %arg5[%add3A_444, %dma_start3A_502] : memref<64x128xi32, #tpu.memory_space<vmem>> -> memref<1x8xi32, #tpu.memory_space<vmem>>
      %dma_start3A_504 = tpu.memref_squeeze %dma_start3A_503 : memref<1x8xi32, #tpu.memory_space<vmem>> -> memref<8xi32, #tpu.memory_space<vmem>>
      %dma_start3A_505 = arith.constant 0 : i32
      %dma_start3A_506 = arith.constant 0 : i32
      %dma_start3A_507 = tpu.memref_slice %arg2[%dma_start3A_505, %dma_start3A_506] : memref<325000x128xf32, #tpu.memory_space<hbm>> -> memref<325000x128xf32, #tpu.memory_space<hbm>>
      tpu.enqueue_indirect_dma source(%dma_start3A_507 : memref<325000x128xf32, #tpu.memory_space<hbm>>) target(%dma_start3A_501 : memref<8x128xf32, #tpu.memory_space<vmem>>) offsets(%dma_start3A_504 : memref<8xi32, #tpu.memory_space<vmem>>) semaphore(%arg9 : memref<!tpu.dma_semaphore, #tpu.memory_space<semaphore_mem>>)
      %dma_start3A_508 = arith.constant 0 : i32
      %dma_start3A_509 = arith.constant 896 : i32
      %dma_start3A_510 = tpu.memref_slice %arg7[%dma_start3A_508, %dma_start3A_509] : memref<8x1664xf32, #tpu.memory_space<vmem>> -> memref<8x128xf32, #tpu.memory_space<vmem>>
      %dma_start3A_511 = arith.constant 56 : i32
      %dma_start3A_512 = tpu.memref_slice %arg5[%add3A_444, %dma_start3A_511] : memref<64x128xi32, #tpu.memory_space<vmem>> -> memref<1x8xi32, #tpu.memory_space<vmem>>
      %dma_start3A_513 = tpu.memref_squeeze %dma_start3A_512 : memref<1x8xi32, #tpu.memory_space<vmem>> -> memref<8xi32, #tpu.memory_space<vmem>>
      %dma_start3A_514 = arith.constant 0 : i32
      %dma_start3A_515 = arith.constant 0 : i32
      %dma_start3A_516 = tpu.memref_slice %arg2[%dma_start3A_514, %dma_start3A_515] : memref<325000x128xf32, #tpu.memory_space<hbm>> -> memref<325000x128xf32, #tpu.memory_space<hbm>>
      tpu.enqueue_indirect_dma source(%dma_start3A_516 : memref<325000x128xf32, #tpu.memory_space<hbm>>) target(%dma_start3A_510 : memref<8x128xf32, #tpu.memory_space<vmem>>) offsets(%dma_start3A_513 : memref<8xi32, #tpu.memory_space<vmem>>) semaphore(%arg9 : memref<!tpu.dma_semaphore, #tpu.memory_space<semaphore_mem>>)
      %dma_start3A_517 = arith.constant 0 : i32
      %dma_start3A_518 = arith.constant 1024 : i32
      %dma_start3A_519 = tpu.memref_slice %arg7[%dma_start3A_517, %dma_start3A_518] : memref<8x1664xf32, #tpu.memory_space<vmem>> -> memref<8x128xf32, #tpu.memory_space<vmem>>
      %dma_start3A_520 = arith.constant 64 : i32
      %dma_start3A_521 = tpu.memref_slice %arg5[%add3A_444, %dma_start3A_520] : memref<64x128xi32, #tpu.memory_space<vmem>> -> memref<1x8xi32, #tpu.memory_space<vmem>>
      %dma_start3A_522 = tpu.memref_squeeze %dma_start3A_521 : memref<1x8xi32, #tpu.memory_space<vmem>> -> memref<8xi32, #tpu.memory_space<vmem>>
      %dma_start3A_523 = arith.constant 0 : i32
      %dma_start3A_524 = arith.constant 0 : i32
      %dma_start3A_525 = tpu.memref_slice %arg2[%dma_start3A_523, %dma_start3A_524] : memref<325000x128xf32, #tpu.memory_space<hbm>> -> memref<325000x128xf32, #tpu.memory_space<hbm>>
      tpu.enqueue_indirect_dma source(%dma_start3A_525 : memref<325000x128xf32, #tpu.memory_space<hbm>>) target(%dma_start3A_519 : memref<8x128xf32, #tpu.memory_space<vmem>>) offsets(%dma_start3A_522 : memref<8xi32, #tpu.memory_space<vmem>>) semaphore(%arg9 : memref<!tpu.dma_semaphore, #tpu.memory_space<semaphore_mem>>)
      %dma_start3A_526 = arith.constant 0 : i32
      %dma_start3A_527 = arith.constant 1152 : i32
      %dma_start3A_528 = tpu.memref_slice %arg7[%dma_start3A_526, %dma_start3A_527] : memref<8x1664xf32, #tpu.memory_space<vmem>> -> memref<8x128xf32, #tpu.memory_space<vmem>>
      %dma_start3A_529 = arith.constant 72 : i32
      %dma_start3A_530 = tpu.memref_slice %arg5[%add3A_444, %dma_start3A_529] : memref<64x128xi32, #tpu.memory_space<vmem>> -> memref<1x8xi32, #tpu.memory_space<vmem>>
      %dma_start3A_531 = tpu.memref_squeeze %dma_start3A_530 : memref<1x8xi32, #tpu.memory_space<vmem>> -> memref<8xi32, #tpu.memory_space<vmem>>
      %dma_start3A_532 = arith.constant 0 : i32
      %dma_start3A_533 = arith.constant 0 : i32
      %dma_start3A_534 = tpu.memref_slice %arg2[%dma_start3A_532, %dma_start3A_533] : memref<325000x128xf32, #tpu.memory_space<hbm>> -> memref<325000x128xf32, #tpu.memory_space<hbm>>
      tpu.enqueue_indirect_dma source(%dma_start3A_534 : memref<325000x128xf32, #tpu.memory_space<hbm>>) target(%dma_start3A_528 : memref<8x128xf32, #tpu.memory_space<vmem>>) offsets(%dma_start3A_531 : memref<8xi32, #tpu.memory_space<vmem>>) semaphore(%arg9 : memref<!tpu.dma_semaphore, #tpu.memory_space<semaphore_mem>>)
      %dma_start3A_535 = arith.constant 0 : i32
      %dma_start3A_536 = arith.constant 1280 : i32
      %dma_start3A_537 = tpu.memref_slice %arg7[%dma_start3A_535, %dma_start3A_536] : memref<8x1664xf32, #tpu.memory_space<vmem>> -> memref<8x128xf32, #tpu.memory_space<vmem>>
      %dma_start3A_538 = arith.constant 80 : i32
      %dma_start3A_539 = tpu.memref_slice %arg5[%add3A_444, %dma_start3A_538] : memref<64x128xi32, #tpu.memory_space<vmem>> -> memref<1x8xi32, #tpu.memory_space<vmem>>
      %dma_start3A_540 = tpu.memref_squeeze %dma_start3A_539 : memref<1x8xi32, #tpu.memory_space<vmem>> -> memref<8xi32, #tpu.memory_space<vmem>>
      %dma_start3A_541 = arith.constant 0 : i32
      %dma_start3A_542 = arith.constant 0 : i32
      %dma_start3A_543 = tpu.memref_slice %arg2[%dma_start3A_541, %dma_start3A_542] : memref<325000x128xf32, #tpu.memory_space<hbm>> -> memref<325000x128xf32, #tpu.memory_space<hbm>>
      tpu.enqueue_indirect_dma source(%dma_start3A_543 : memref<325000x128xf32, #tpu.memory_space<hbm>>) target(%dma_start3A_537 : memref<8x128xf32, #tpu.memory_space<vmem>>) offsets(%dma_start3A_540 : memref<8xi32, #tpu.memory_space<vmem>>) semaphore(%arg9 : memref<!tpu.dma_semaphore, #tpu.memory_space<semaphore_mem>>)
      %dma_start3A_544 = arith.constant 0 : i32
      %dma_start3A_545 = arith.constant 1408 : i32
      %dma_start3A_546 = tpu.memref_slice %arg7[%dma_start3A_544, %dma_start3A_545] : memref<8x1664xf32, #tpu.memory_space<vmem>> -> memref<8x128xf32, #tpu.memory_space<vmem>>
      %dma_start3A_547 = arith.constant 88 : i32
      %dma_start3A_548 = tpu.memref_slice %arg5[%add3A_444, %dma_start3A_547] : memref<64x128xi32, #tpu.memory_space<vmem>> -> memref<1x8xi32, #tpu.memory_space<vmem>>
      %dma_start3A_549 = tpu.memref_squeeze %dma_start3A_548 : memref<1x8xi32, #tpu.memory_space<vmem>> -> memref<8xi32, #tpu.memory_space<vmem>>
      %dma_start3A_550 = arith.constant 0 : i32
      %dma_start3A_551 = arith.constant 0 : i32
      %dma_start3A_552 = tpu.memref_slice %arg2[%dma_start3A_550, %dma_start3A_551] : memref<325000x128xf32, #tpu.memory_space<hbm>> -> memref<325000x128xf32, #tpu.memory_space<hbm>>
      tpu.enqueue_indirect_dma source(%dma_start3A_552 : memref<325000x128xf32, #tpu.memory_space<hbm>>) target(%dma_start3A_546 : memref<8x128xf32, #tpu.memory_space<vmem>>) offsets(%dma_start3A_549 : memref<8xi32, #tpu.memory_space<vmem>>) semaphore(%arg9 : memref<!tpu.dma_semaphore, #tpu.memory_space<semaphore_mem>>)
      %dma_start3A_553 = arith.constant 0 : i32
      %dma_start3A_554 = arith.constant 1536 : i32
      %dma_start3A_555 = tpu.memref_slice %arg7[%dma_start3A_553, %dma_start3A_554] : memref<8x1664xf32, #tpu.memory_space<vmem>> -> memref<8x128xf32, #tpu.memory_space<vmem>>
      %dma_start3A_556 = arith.constant 96 : i32
      %dma_start3A_557 = tpu.memref_slice %arg5[%add3A_444, %dma_start3A_556] : memref<64x128xi32, #tpu.memory_space<vmem>> -> memref<1x8xi32, #tpu.memory_space<vmem>>
      %dma_start3A_558 = tpu.memref_squeeze %dma_start3A_557 : memref<1x8xi32, #tpu.memory_space<vmem>> -> memref<8xi32, #tpu.memory_space<vmem>>
      %dma_start3A_559 = arith.constant 0 : i32
      %dma_start3A_560 = arith.constant 0 : i32
      %dma_start3A_561 = tpu.memref_slice %arg2[%dma_start3A_559, %dma_start3A_560] : memref<325000x128xf32, #tpu.memory_space<hbm>> -> memref<325000x128xf32, #tpu.memory_space<hbm>>
      tpu.enqueue_indirect_dma source(%dma_start3A_561 : memref<325000x128xf32, #tpu.memory_space<hbm>>) target(%dma_start3A_555 : memref<8x128xf32, #tpu.memory_space<vmem>>) offsets(%dma_start3A_558 : memref<8xi32, #tpu.memory_space<vmem>>) semaphore(%arg9 : memref<!tpu.dma_semaphore, #tpu.memory_space<semaphore_mem>>)
    }
    %scan3A_267 = arith.constant 31 : i32
    %add3A_268 = arith.constant 62 : i32
    %add3A_269 = arith.addi %mul3A_2, %add3A_268 : i32
    %dma_wait3A = arith.constant 0 : i32
    %dma_wait3A_270 = arith.constant 0 : i32
    %dma_wait3A_271 = tpu.memref_slice %arg4[%add3A_269, %dma_wait3A, %dma_wait3A_270] : memref<2048x8x1664xf32, #tpu.memory_space<hbm>> -> memref<1x8x1664xf32, #tpu.memory_space<hbm>>
    %dma_wait3A_272 = tpu.memref_squeeze %dma_wait3A_271 : memref<1x8x1664xf32, #tpu.memory_space<hbm>> -> memref<8x1664xf32, #tpu.memory_space<hbm>>
    %dma_wait3A_273 = arith.constant 0 : i32
    %dma_wait3A_274 = arith.constant 0 : i32
    %dma_wait3A_275 = tpu.memref_slice %arg4[%add3A_269, %dma_wait3A_273, %dma_wait3A_274] : memref<2048x8x1664xf32, #tpu.memory_space<hbm>> -> memref<1x8x1664xf32, #tpu.memory_space<hbm>>
    %dma_wait3A_276 = tpu.memref_squeeze %dma_wait3A_275 : memref<1x8x1664xf32, #tpu.memory_space<hbm>> -> memref<8x1664xf32, #tpu.memory_space<hbm>>
    tpu.wait_dma2 semaphore(%arg8 : memref<!tpu.dma_semaphore, #tpu.memory_space<semaphore_mem>>) src(%dma_wait3A_276 : memref<8x1664xf32, #tpu.memory_space<hbm>>) dst(%arg6 : memref<8x1664xf32, #tpu.memory_space<vmem>>)
    %add3A_277 = arith.constant 62 : i32
    %add3A_278 = arith.addi %mul3A_2, %add3A_277 : i32
    "tpu.region"() ({
      %run_scoped3A = tpu.sem_alloc : memref<!tpu.dma_semaphore, #tpu.memory_space<semaphore_mem>>
      %dma_start3A_291 = arith.constant 0 : i32
      %dma_start3A_292 = arith.constant 0 : i32
      %dma_start3A_293 = tpu.memref_slice %arg4[%add3A_278, %dma_start3A_291, %dma_start3A_292] : memref<2048x8x1664xf32, #tpu.memory_space<hbm>> -> memref<1x8x1664xf32, #tpu.memory_space<hbm>>
      %dma_start3A_294 = tpu.memref_squeeze %dma_start3A_293 : memref<1x8x1664xf32, #tpu.memory_space<hbm>> -> memref<8x1664xf32, #tpu.memory_space<hbm>>
      %dma_start3A_295 = arith.constant 0 : i32
      %dma_start3A_296 = arith.constant 0 : i32
      %dma_start3A_297 = tpu.memref_slice %arg4[%add3A_278, %dma_start3A_295, %dma_start3A_296] : memref<2048x8x1664xf32, #tpu.memory_space<hbm>> -> memref<1x8x1664xf32, #tpu.memory_space<hbm>>
      %dma_start3A_298 = tpu.memref_squeeze %dma_start3A_297 : memref<1x8x1664xf32, #tpu.memory_space<hbm>> -> memref<8x1664xf32, #tpu.memory_space<hbm>>
      tpu.enqueue_dma source(%arg6 : memref<8x1664xf32, #tpu.memory_space<vmem>>) target(%dma_start3A_298 : memref<8x1664xf32, #tpu.memory_space<hbm>>) target_semaphore(%run_scoped3A : memref<!tpu.dma_semaphore, #tpu.memory_space<semaphore_mem>>)
      %dma_wait3A_299 = arith.constant 0 : i32
      %dma_wait3A_300 = arith.constant 0 : i32
      %dma_wait3A_301 = tpu.memref_slice %arg4[%add3A_278, %dma_wait3A_299, %dma_wait3A_300] : memref<2048x8x1664xf32, #tpu.memory_space<hbm>> -> memref<1x8x1664xf32, #tpu.memory_space<hbm>>
      %dma_wait3A_302 = tpu.memref_squeeze %dma_wait3A_301 : memref<1x8x1664xf32, #tpu.memory_space<hbm>> -> memref<8x1664xf32, #tpu.memory_space<hbm>>
      %dma_wait3A_303 = arith.constant 0 : i32
      %dma_wait3A_304 = arith.constant 0 : i32
      %dma_wait3A_305 = tpu.memref_slice %arg4[%add3A_278, %dma_wait3A_303, %dma_wait3A_304] : memref<2048x8x1664xf32, #tpu.memory_space<hbm>> -> memref<1x8x1664xf32, #tpu.memory_space<hbm>>
      %dma_wait3A_306 = tpu.memref_squeeze %dma_wait3A_305 : memref<1x8x1664xf32, #tpu.memory_space<hbm>> -> memref<8x1664xf32, #tpu.memory_space<hbm>>
      tpu.wait_dma2 semaphore(%run_scoped3A : memref<!tpu.dma_semaphore, #tpu.memory_space<semaphore_mem>>) src(%arg6 : memref<8x1664xf32, #tpu.memory_space<vmem>>) dst(%dma_wait3A_306 : memref<8x1664xf32, #tpu.memory_space<hbm>>)
      tpu.yield
    }) : () -> ()
    %add3A_279 = arith.constant 63 : i32
    %add3A_280 = arith.addi %mul3A_2, %add3A_279 : i32
    %dma_wait3A_281 = arith.constant 0 : i32
    %dma_wait3A_282 = arith.constant 0 : i32
    %dma_wait3A_283 = tpu.memref_slice %arg4[%add3A_280, %dma_wait3A_281, %dma_wait3A_282] : memref<2048x8x1664xf32, #tpu.memory_space<hbm>> -> memref<1x8x1664xf32, #tpu.memory_space<hbm>>
    %dma_wait3A_284 = tpu.memref_squeeze %dma_wait3A_283 : memref<1x8x1664xf32, #tpu.memory_space<hbm>> -> memref<8x1664xf32, #tpu.memory_space<hbm>>
    %dma_wait3A_285 = arith.constant 0 : i32
    %dma_wait3A_286 = arith.constant 0 : i32
    %dma_wait3A_287 = tpu.memref_slice %arg4[%add3A_280, %dma_wait3A_285, %dma_wait3A_286] : memref<2048x8x1664xf32, #tpu.memory_space<hbm>> -> memref<1x8x1664xf32, #tpu.memory_space<hbm>>
    %dma_wait3A_288 = tpu.memref_squeeze %dma_wait3A_287 : memref<1x8x1664xf32, #tpu.memory_space<hbm>> -> memref<8x1664xf32, #tpu.memory_space<hbm>>
    tpu.wait_dma2 semaphore(%arg9 : memref<!tpu.dma_semaphore, #tpu.memory_space<semaphore_mem>>) src(%dma_wait3A_288 : memref<8x1664xf32, #tpu.memory_space<hbm>>) dst(%arg7 : memref<8x1664xf32, #tpu.memory_space<vmem>>)
    %add3A_289 = arith.constant 63 : i32
    %add3A_290 = arith.addi %mul3A_2, %add3A_289 : i32
    "tpu.region"() ({
      %run_scoped3A = tpu.sem_alloc : memref<!tpu.dma_semaphore, #tpu.memory_space<semaphore_mem>>
      %dma_start3A_291 = arith.constant 0 : i32
      %dma_start3A_292 = arith.constant 0 : i32
      %dma_start3A_293 = tpu.memref_slice %arg4[%add3A_290, %dma_start3A_291, %dma_start3A_292] : memref<2048x8x1664xf32, #tpu.memory_space<hbm>> -> memref<1x8x1664xf32, #tpu.memory_space<hbm>>
      %dma_start3A_294 = tpu.memref_squeeze %dma_start3A_293 : memref<1x8x1664xf32, #tpu.memory_space<hbm>> -> memref<8x1664xf32, #tpu.memory_space<hbm>>
      %dma_start3A_295 = arith.constant 0 : i32
      %dma_start3A_296 = arith.constant 0 : i32
      %dma_start3A_297 = tpu.memref_slice %arg4[%add3A_290, %dma_start3A_295, %dma_start3A_296] : memref<2048x8x1664xf32, #tpu.memory_space<hbm>> -> memref<1x8x1664xf32, #tpu.memory_space<hbm>>
      %dma_start3A_298 = tpu.memref_squeeze %dma_start3A_297 : memref<1x8x1664xf32, #tpu.memory_space<hbm>> -> memref<8x1664xf32, #tpu.memory_space<hbm>>
      tpu.enqueue_dma source(%arg7 : memref<8x1664xf32, #tpu.memory_space<vmem>>) target(%dma_start3A_298 : memref<8x1664xf32, #tpu.memory_space<hbm>>) target_semaphore(%run_scoped3A : memref<!tpu.dma_semaphore, #tpu.memory_space<semaphore_mem>>)
      %dma_wait3A_299 = arith.constant 0 : i32
      %dma_wait3A_300 = arith.constant 0 : i32
      %dma_wait3A_301 = tpu.memref_slice %arg4[%add3A_290, %dma_wait3A_299, %dma_wait3A_300] : memref<2048x8x1664xf32, #tpu.memory_space<hbm>> -> memref<1x8x1664xf32, #tpu.memory_space<hbm>>
      %dma_wait3A_302 = tpu.memref_squeeze %dma_wait3A_301 : memref<1x8x1664xf32, #tpu.memory_space<hbm>> -> memref<8x1664xf32, #tpu.memory_space<hbm>>
      %dma_wait3A_303 = arith.constant 0 : i32
      %dma_wait3A_304 = arith.constant 0 : i32
      %dma_wait3A_305 = tpu.memref_slice %arg4[%add3A_290, %dma_wait3A_303, %dma_wait3A_304] : memref<2048x8x1664xf32, #tpu.memory_space<hbm>> -> memref<1x8x1664xf32, #tpu.memory_space<hbm>>
      %dma_wait3A_306 = tpu.memref_squeeze %dma_wait3A_305 : memref<1x8x1664xf32, #tpu.memory_space<hbm>> -> memref<8x1664xf32, #tpu.memory_space<hbm>>
      tpu.wait_dma2 semaphore(%run_scoped3A : memref<!tpu.dma_semaphore, #tpu.memory_space<semaphore_mem>>) src(%arg7 : memref<8x1664xf32, #tpu.memory_space<vmem>>) dst(%dma_wait3A_306 : memref<8x1664xf32, #tpu.memory_space<hbm>>)
      tpu.yield
    }) : () -> ()
    return
  }
}

#map = affine_map<(d0, d1) -> (0, 0)>
#map1 = affine_map<(d0, d1) -> (0, 0, 0)>
module attributes {stable_mosaic.version = 14 : i64} {
  func.func @_sc_gather(%arg0: i32, %arg1: i32, %arg2: memref<325000x128xf32, #tpu.memory_space<hbm>>, %arg3: memref<2048x128xi32, #tpu.memory_space<hbm>>, %arg4: memref<2048x8x1664xf32, #tpu.memory_space<hbm>>, %arg5: memref<64x128xi32, #tpu.memory_space<vmem>>, %arg6: memref<8x1664xf32, #tpu.memory_space<vmem>>, %arg7: memref<8x1664xf32, #tpu.memory_space<vmem>>, %arg8: memref<!tpu.dma_semaphore, #tpu.memory_space<semaphore_mem>>, %arg9: memref<!tpu.dma_semaphore, #tpu.memory_space<semaphore_mem>>) attributes {dimension_semantics = [#tpu.dimension_semantics<core_parallel>, #tpu.dimension_semantics<subcore_parallel>], iteration_bounds = array<i64: 2, 16>, scalar_prefetch = 0 : i64, scratch_operands = 5 : i64, tpu.core_type = #tpu.core_type<sc_vector_subcore>, window_params = [{transform_indices = #map}, {transform_indices = #map}, {transform_indices = #map1}]} {
    %mul3A = arith.constant 2 : i32
    %mul3A_0 = arith.muli %arg1, %mul3A : i32
    %add3A = arith.addi %mul3A_0, %arg0 : i32
    %mul3A_1 = arith.constant 64 : i32
    %mul3A_2 = arith.muli %add3A, %mul3A_1 : i32
    %mul3A_3 = arith.constant 64 : i32
    %mul3A_4 = arith.muli %add3A, %mul3A_3 : i32
    "tpu.region"() ({
      %run_scoped3A = tpu.sem_alloc : memref<!tpu.dma_semaphore, #tpu.memory_space<semaphore_mem>>
      %dma_start3A_291 = arith.constant 0 : i32
      %dma_start3A_292 = tpu.memref_slice %arg3[%mul3A_4, %dma_start3A_291] : memref<2048x128xi32, #tpu.memory_space<hbm>> -> memref<64x128xi32, #tpu.memory_space<hbm>>
      %dma_start3A_293 = arith.constant 0 : i32
      %dma_start3A_294 = tpu.memref_slice %arg3[%mul3A_4, %dma_start3A_293] : memref<2048x128xi32, #tpu.memory_space<hbm>> -> memref<64x128xi32, #tpu.memory_space<hbm>>
      tpu.enqueue_dma source(%dma_start3A_294 : memref<64x128xi32, #tpu.memory_space<hbm>>) target(%arg5 : memref<64x128xi32, #tpu.memory_space<vmem>>) target_semaphore(%run_scoped3A : memref<!tpu.dma_semaphore, #tpu.memory_space<semaphore_mem>>)
      %dma_wait3A_295 = arith.constant 0 : i32
      %dma_wait3A_296 = tpu.memref_slice %arg3[%mul3A_4, %dma_wait3A_295] : memref<2048x128xi32, #tpu.memory_space<hbm>> -> memref<64x128xi32, #tpu.memory_space<hbm>>
      %dma_wait3A_297 = arith.constant 0 : i32
      %dma_wait3A_298 = tpu.memref_slice %arg3[%mul3A_4, %dma_wait3A_297] : memref<2048x128xi32, #tpu.memory_space<hbm>> -> memref<64x128xi32, #tpu.memory_space<hbm>>
      tpu.wait_dma2 semaphore(%run_scoped3A : memref<!tpu.dma_semaphore, #tpu.memory_space<semaphore_mem>>) src(%dma_wait3A_298 : memref<64x128xi32, #tpu.memory_space<hbm>>) dst(%arg5 : memref<64x128xi32, #tpu.memory_space<vmem>>)
      tpu.yield
    }) : () -> ()
    %dma_start3A = arith.constant 0 : i32
    %dma_start3A_5 = arith.constant 0 : i32
    %dma_start3A_6 = arith.constant 0 : i32
    %dma_start3A_7 = tpu.memref_slice %arg6[%dma_start3A_5, %dma_start3A_6] : memref<8x1664xf32, #tpu.memory_space<vmem>> -> memref<8x128xf32, #tpu.memory_space<vmem>>
    %dma_start3A_8 = arith.constant 0 : i32
    %dma_start3A_9 = tpu.memref_slice %arg5[%dma_start3A, %dma_start3A_8] : memref<64x128xi32, #tpu.memory_space<vmem>> -> memref<1x8xi32, #tpu.memory_space<vmem>>
    %dma_start3A_10 = tpu.memref_squeeze %dma_start3A_9 : memref<1x8xi32, #tpu.memory_space<vmem>> -> memref<8xi32, #tpu.memory_space<vmem>>
    %dma_start3A_11 = arith.constant 0 : i32
    %dma_start3A_12 = arith.constant 0 : i32
    %dma_start3A_13 = tpu.memref_slice %arg2[%dma_start3A_11, %dma_start3A_12] : memref<325000x128xf32, #tpu.memory_space<hbm>> -> memref<325000x128xf32, #tpu.memory_space<hbm>>
    tpu.enqueue_indirect_dma source(%dma_start3A_13 : memref<325000x128xf32, #tpu.memory_space<hbm>>) target(%dma_start3A_7 : memref<8x128xf32, #tpu.memory_space<vmem>>) offsets(%dma_start3A_10 : memref<8xi32, #tpu.memory_space<vmem>>) semaphore(%arg8 : memref<!tpu.dma_semaphore, #tpu.memory_space<semaphore_mem>>)
    %dma_start3A_14 = arith.constant 0 : i32
    %dma_start3A_15 = arith.constant 0 : i32
    %dma_start3A_16 = arith.constant 128 : i32
    %dma_start3A_17 = tpu.memref_slice %arg6[%dma_start3A_15, %dma_start3A_16] : memref<8x1664xf32, #tpu.memory_space<vmem>> -> memref<8x128xf32, #tpu.memory_space<vmem>>
    %dma_start3A_18 = arith.constant 8 : i32
    %dma_start3A_19 = tpu.memref_slice %arg5[%dma_start3A_14, %dma_start3A_18] : memref<64x128xi32, #tpu.memory_space<vmem>> -> memref<1x8xi32, #tpu.memory_space<vmem>>
    %dma_start3A_20 = tpu.memref_squeeze %dma_start3A_19 : memref<1x8xi32, #tpu.memory_space<vmem>> -> memref<8xi32, #tpu.memory_space<vmem>>
    %dma_start3A_21 = arith.constant 0 : i32
    %dma_start3A_22 = arith.constant 0 : i32
    %dma_start3A_23 = tpu.memref_slice %arg2[%dma_start3A_21, %dma_start3A_22] : memref<325000x128xf32, #tpu.memory_space<hbm>> -> memref<325000x128xf32, #tpu.memory_space<hbm>>
    tpu.enqueue_indirect_dma source(%dma_start3A_23 : memref<325000x128xf32, #tpu.memory_space<hbm>>) target(%dma_start3A_17 : memref<8x128xf32, #tpu.memory_space<vmem>>) offsets(%dma_start3A_20 : memref<8xi32, #tpu.memory_space<vmem>>) semaphore(%arg8 : memref<!tpu.dma_semaphore, #tpu.memory_space<semaphore_mem>>)
    %dma_start3A_24 = arith.constant 0 : i32
    %dma_start3A_25 = arith.constant 0 : i32
    %dma_start3A_26 = arith.constant 256 : i32
    %dma_start3A_27 = tpu.memref_slice %arg6[%dma_start3A_25, %dma_start3A_26] : memref<8x1664xf32, #tpu.memory_space<vmem>> -> memref<8x128xf32, #tpu.memory_space<vmem>>
    %dma_start3A_28 = arith.constant 16 : i32
    %dma_start3A_29 = tpu.memref_slice %arg5[%dma_start3A_24, %dma_start3A_28] : memref<64x128xi32, #tpu.memory_space<vmem>> -> memref<1x8xi32, #tpu.memory_space<vmem>>
    %dma_start3A_30 = tpu.memref_squeeze %dma_start3A_29 : memref<1x8xi32, #tpu.memory_space<vmem>> -> memref<8xi32, #tpu.memory_space<vmem>>
    %dma_start3A_31 = arith.constant 0 : i32
    %dma_start3A_32 = arith.constant 0 : i32
    %dma_start3A_33 = tpu.memref_slice %arg2[%dma_start3A_31, %dma_start3A_32] : memref<325000x128xf32, #tpu.memory_space<hbm>> -> memref<325000x128xf32, #tpu.memory_space<hbm>>
    tpu.enqueue_indirect_dma source(%dma_start3A_33 : memref<325000x128xf32, #tpu.memory_space<hbm>>) target(%dma_start3A_27 : memref<8x128xf32, #tpu.memory_space<vmem>>) offsets(%dma_start3A_30 : memref<8xi32, #tpu.memory_space<vmem>>) semaphore(%arg8 : memref<!tpu.dma_semaphore, #tpu.memory_space<semaphore_mem>>)
    %dma_start3A_34 = arith.constant 0 : i32
    %dma_start3A_35 = arith.constant 0 : i32
    %dma_start3A_36 = arith.constant 384 : i32
    %dma_start3A_37 = tpu.memref_slice %arg6[%dma_start3A_35, %dma_start3A_36] : memref<8x1664xf32, #tpu.memory_space<vmem>> -> memref<8x128xf32, #tpu.memory_space<vmem>>
    %dma_start3A_38 = arith.constant 24 : i32
    %dma_start3A_39 = tpu.memref_slice %arg5[%dma_start3A_34, %dma_start3A_38] : memref<64x128xi32, #tpu.memory_space<vmem>> -> memref<1x8xi32, #tpu.memory_space<vmem>>
    %dma_start3A_40 = tpu.memref_squeeze %dma_start3A_39 : memref<1x8xi32, #tpu.memory_space<vmem>> -> memref<8xi32, #tpu.memory_space<vmem>>
    %dma_start3A_41 = arith.constant 0 : i32
    %dma_start3A_42 = arith.constant 0 : i32
    %dma_start3A_43 = tpu.memref_slice %arg2[%dma_start3A_41, %dma_start3A_42] : memref<325000x128xf32, #tpu.memory_space<hbm>> -> memref<325000x128xf32, #tpu.memory_space<hbm>>
    tpu.enqueue_indirect_dma source(%dma_start3A_43 : memref<325000x128xf32, #tpu.memory_space<hbm>>) target(%dma_start3A_37 : memref<8x128xf32, #tpu.memory_space<vmem>>) offsets(%dma_start3A_40 : memref<8xi32, #tpu.memory_space<vmem>>) semaphore(%arg8 : memref<!tpu.dma_semaphore, #tpu.memory_space<semaphore_mem>>)
    %dma_start3A_44 = arith.constant 0 : i32
    %dma_start3A_45 = arith.constant 0 : i32
    %dma_start3A_46 = arith.constant 512 : i32
    %dma_start3A_47 = tpu.memref_slice %arg6[%dma_start3A_45, %dma_start3A_46] : memref<8x1664xf32, #tpu.memory_space<vmem>> -> memref<8x128xf32, #tpu.memory_space<vmem>>
    %dma_start3A_48 = arith.constant 32 : i32
    %dma_start3A_49 = tpu.memref_slice %arg5[%dma_start3A_44, %dma_start3A_48] : memref<64x128xi32, #tpu.memory_space<vmem>> -> memref<1x8xi32, #tpu.memory_space<vmem>>
    %dma_start3A_50 = tpu.memref_squeeze %dma_start3A_49 : memref<1x8xi32, #tpu.memory_space<vmem>> -> memref<8xi32, #tpu.memory_space<vmem>>
    %dma_start3A_51 = arith.constant 0 : i32
    %dma_start3A_52 = arith.constant 0 : i32
    %dma_start3A_53 = tpu.memref_slice %arg2[%dma_start3A_51, %dma_start3A_52] : memref<325000x128xf32, #tpu.memory_space<hbm>> -> memref<325000x128xf32, #tpu.memory_space<hbm>>
    tpu.enqueue_indirect_dma source(%dma_start3A_53 : memref<325000x128xf32, #tpu.memory_space<hbm>>) target(%dma_start3A_47 : memref<8x128xf32, #tpu.memory_space<vmem>>) offsets(%dma_start3A_50 : memref<8xi32, #tpu.memory_space<vmem>>) semaphore(%arg8 : memref<!tpu.dma_semaphore, #tpu.memory_space<semaphore_mem>>)
    %dma_start3A_54 = arith.constant 0 : i32
    %dma_start3A_55 = arith.constant 0 : i32
    %dma_start3A_56 = arith.constant 640 : i32
    %dma_start3A_57 = tpu.memref_slice %arg6[%dma_start3A_55, %dma_start3A_56] : memref<8x1664xf32, #tpu.memory_space<vmem>> -> memref<8x128xf32, #tpu.memory_space<vmem>>
    %dma_start3A_58 = arith.constant 40 : i32
    %dma_start3A_59 = tpu.memref_slice %arg5[%dma_start3A_54, %dma_start3A_58] : memref<64x128xi32, #tpu.memory_space<vmem>> -> memref<1x8xi32, #tpu.memory_space<vmem>>
    %dma_start3A_60 = tpu.memref_squeeze %dma_start3A_59 : memref<1x8xi32, #tpu.memory_space<vmem>> -> memref<8xi32, #tpu.memory_space<vmem>>
    %dma_start3A_61 = arith.constant 0 : i32
    %dma_start3A_62 = arith.constant 0 : i32
    %dma_start3A_63 = tpu.memref_slice %arg2[%dma_start3A_61, %dma_start3A_62] : memref<325000x128xf32, #tpu.memory_space<hbm>> -> memref<325000x128xf32, #tpu.memory_space<hbm>>
    tpu.enqueue_indirect_dma source(%dma_start3A_63 : memref<325000x128xf32, #tpu.memory_space<hbm>>) target(%dma_start3A_57 : memref<8x128xf32, #tpu.memory_space<vmem>>) offsets(%dma_start3A_60 : memref<8xi32, #tpu.memory_space<vmem>>) semaphore(%arg8 : memref<!tpu.dma_semaphore, #tpu.memory_space<semaphore_mem>>)
    %dma_start3A_64 = arith.constant 0 : i32
    %dma_start3A_65 = arith.constant 0 : i32
    %dma_start3A_66 = arith.constant 768 : i32
    %dma_start3A_67 = tpu.memref_slice %arg6[%dma_start3A_65, %dma_start3A_66] : memref<8x1664xf32, #tpu.memory_space<vmem>> -> memref<8x128xf32, #tpu.memory_space<vmem>>
    %dma_start3A_68 = arith.constant 48 : i32
    %dma_start3A_69 = tpu.memref_slice %arg5[%dma_start3A_64, %dma_start3A_68] : memref<64x128xi32, #tpu.memory_space<vmem>> -> memref<1x8xi32, #tpu.memory_space<vmem>>
    %dma_start3A_70 = tpu.memref_squeeze %dma_start3A_69 : memref<1x8xi32, #tpu.memory_space<vmem>> -> memref<8xi32, #tpu.memory_space<vmem>>
    %dma_start3A_71 = arith.constant 0 : i32
    %dma_start3A_72 = arith.constant 0 : i32
    %dma_start3A_73 = tpu.memref_slice %arg2[%dma_start3A_71, %dma_start3A_72] : memref<325000x128xf32, #tpu.memory_space<hbm>> -> memref<325000x128xf32, #tpu.memory_space<hbm>>
    tpu.enqueue_indirect_dma source(%dma_start3A_73 : memref<325000x128xf32, #tpu.memory_space<hbm>>) target(%dma_start3A_67 : memref<8x128xf32, #tpu.memory_space<vmem>>) offsets(%dma_start3A_70 : memref<8xi32, #tpu.memory_space<vmem>>) semaphore(%arg8 : memref<!tpu.dma_semaphore, #tpu.memory_space<semaphore_mem>>)
    %dma_start3A_74 = arith.constant 0 : i32
    %dma_start3A_75 = arith.constant 0 : i32
    %dma_start3A_76 = arith.constant 896 : i32
    %dma_start3A_77 = tpu.memref_slice %arg6[%dma_start3A_75, %dma_start3A_76] : memref<8x1664xf32, #tpu.memory_space<vmem>> -> memref<8x128xf32, #tpu.memory_space<vmem>>
    %dma_start3A_78 = arith.constant 56 : i32
    %dma_start3A_79 = tpu.memref_slice %arg5[%dma_start3A_74, %dma_start3A_78] : memref<64x128xi32, #tpu.memory_space<vmem>> -> memref<1x8xi32, #tpu.memory_space<vmem>>
    %dma_start3A_80 = tpu.memref_squeeze %dma_start3A_79 : memref<1x8xi32, #tpu.memory_space<vmem>> -> memref<8xi32, #tpu.memory_space<vmem>>
    %dma_start3A_81 = arith.constant 0 : i32
    %dma_start3A_82 = arith.constant 0 : i32
    %dma_start3A_83 = tpu.memref_slice %arg2[%dma_start3A_81, %dma_start3A_82] : memref<325000x128xf32, #tpu.memory_space<hbm>> -> memref<325000x128xf32, #tpu.memory_space<hbm>>
    tpu.enqueue_indirect_dma source(%dma_start3A_83 : memref<325000x128xf32, #tpu.memory_space<hbm>>) target(%dma_start3A_77 : memref<8x128xf32, #tpu.memory_space<vmem>>) offsets(%dma_start3A_80 : memref<8xi32, #tpu.memory_space<vmem>>) semaphore(%arg8 : memref<!tpu.dma_semaphore, #tpu.memory_space<semaphore_mem>>)
    %dma_start3A_84 = arith.constant 0 : i32
    %dma_start3A_85 = arith.constant 0 : i32
    %dma_start3A_86 = arith.constant 1024 : i32
    %dma_start3A_87 = tpu.memref_slice %arg6[%dma_start3A_85, %dma_start3A_86] : memref<8x1664xf32, #tpu.memory_space<vmem>> -> memref<8x128xf32, #tpu.memory_space<vmem>>
    %dma_start3A_88 = arith.constant 64 : i32
    %dma_start3A_89 = tpu.memref_slice %arg5[%dma_start3A_84, %dma_start3A_88] : memref<64x128xi32, #tpu.memory_space<vmem>> -> memref<1x8xi32, #tpu.memory_space<vmem>>
    %dma_start3A_90 = tpu.memref_squeeze %dma_start3A_89 : memref<1x8xi32, #tpu.memory_space<vmem>> -> memref<8xi32, #tpu.memory_space<vmem>>
    %dma_start3A_91 = arith.constant 0 : i32
    %dma_start3A_92 = arith.constant 0 : i32
    %dma_start3A_93 = tpu.memref_slice %arg2[%dma_start3A_91, %dma_start3A_92] : memref<325000x128xf32, #tpu.memory_space<hbm>> -> memref<325000x128xf32, #tpu.memory_space<hbm>>
    tpu.enqueue_indirect_dma source(%dma_start3A_93 : memref<325000x128xf32, #tpu.memory_space<hbm>>) target(%dma_start3A_87 : memref<8x128xf32, #tpu.memory_space<vmem>>) offsets(%dma_start3A_90 : memref<8xi32, #tpu.memory_space<vmem>>) semaphore(%arg8 : memref<!tpu.dma_semaphore, #tpu.memory_space<semaphore_mem>>)
    %dma_start3A_94 = arith.constant 0 : i32
    %dma_start3A_95 = arith.constant 0 : i32
    %dma_start3A_96 = arith.constant 1152 : i32
    %dma_start3A_97 = tpu.memref_slice %arg6[%dma_start3A_95, %dma_start3A_96] : memref<8x1664xf32, #tpu.memory_space<vmem>> -> memref<8x128xf32, #tpu.memory_space<vmem>>
    %dma_start3A_98 = arith.constant 72 : i32
    %dma_start3A_99 = tpu.memref_slice %arg5[%dma_start3A_94, %dma_start3A_98] : memref<64x128xi32, #tpu.memory_space<vmem>> -> memref<1x8xi32, #tpu.memory_space<vmem>>
    %dma_start3A_100 = tpu.memref_squeeze %dma_start3A_99 : memref<1x8xi32, #tpu.memory_space<vmem>> -> memref<8xi32, #tpu.memory_space<vmem>>
    %dma_start3A_101 = arith.constant 0 : i32
    %dma_start3A_102 = arith.constant 0 : i32
    %dma_start3A_103 = tpu.memref_slice %arg2[%dma_start3A_101, %dma_start3A_102] : memref<325000x128xf32, #tpu.memory_space<hbm>> -> memref<325000x128xf32, #tpu.memory_space<hbm>>
    tpu.enqueue_indirect_dma source(%dma_start3A_103 : memref<325000x128xf32, #tpu.memory_space<hbm>>) target(%dma_start3A_97 : memref<8x128xf32, #tpu.memory_space<vmem>>) offsets(%dma_start3A_100 : memref<8xi32, #tpu.memory_space<vmem>>) semaphore(%arg8 : memref<!tpu.dma_semaphore, #tpu.memory_space<semaphore_mem>>)
    %dma_start3A_104 = arith.constant 0 : i32
    %dma_start3A_105 = arith.constant 0 : i32
    %dma_start3A_106 = arith.constant 1280 : i32
    %dma_start3A_107 = tpu.memref_slice %arg6[%dma_start3A_105, %dma_start3A_106] : memref<8x1664xf32, #tpu.memory_space<vmem>> -> memref<8x128xf32, #tpu.memory_space<vmem>>
    %dma_start3A_108 = arith.constant 80 : i32
    %dma_start3A_109 = tpu.memref_slice %arg5[%dma_start3A_104, %dma_start3A_108] : memref<64x128xi32, #tpu.memory_space<vmem>> -> memref<1x8xi32, #tpu.memory_space<vmem>>
    %dma_start3A_110 = tpu.memref_squeeze %dma_start3A_109 : memref<1x8xi32, #tpu.memory_space<vmem>> -> memref<8xi32, #tpu.memory_space<vmem>>
    %dma_start3A_111 = arith.constant 0 : i32
    %dma_start3A_112 = arith.constant 0 : i32
    %dma_start3A_113 = tpu.memref_slice %arg2[%dma_start3A_111, %dma_start3A_112] : memref<325000x128xf32, #tpu.memory_space<hbm>> -> memref<325000x128xf32, #tpu.memory_space<hbm>>
    tpu.enqueue_indirect_dma source(%dma_start3A_113 : memref<325000x128xf32, #tpu.memory_space<hbm>>) target(%dma_start3A_107 : memref<8x128xf32, #tpu.memory_space<vmem>>) offsets(%dma_start3A_110 : memref<8xi32, #tpu.memory_space<vmem>>) semaphore(%arg8 : memref<!tpu.dma_semaphore, #tpu.memory_space<semaphore_mem>>)
    %dma_start3A_114 = arith.constant 0 : i32
    %dma_start3A_115 = arith.constant 0 : i32
    %dma_start3A_116 = arith.constant 1408 : i32
    %dma_start3A_117 = tpu.memref_slice %arg6[%dma_start3A_115, %dma_start3A_116] : memref<8x1664xf32, #tpu.memory_space<vmem>> -> memref<8x128xf32, #tpu.memory_space<vmem>>
    %dma_start3A_118 = arith.constant 88 : i32
    %dma_start3A_119 = tpu.memref_slice %arg5[%dma_start3A_114, %dma_start3A_118] : memref<64x128xi32, #tpu.memory_space<vmem>> -> memref<1x8xi32, #tpu.memory_space<vmem>>
    %dma_start3A_120 = tpu.memref_squeeze %dma_start3A_119 : memref<1x8xi32, #tpu.memory_space<vmem>> -> memref<8xi32, #tpu.memory_space<vmem>>
    %dma_start3A_121 = arith.constant 0 : i32
    %dma_start3A_122 = arith.constant 0 : i32
    %dma_start3A_123 = tpu.memref_slice %arg2[%dma_start3A_121, %dma_start3A_122] : memref<325000x128xf32, #tpu.memory_space<hbm>> -> memref<325000x128xf32, #tpu.memory_space<hbm>>
    tpu.enqueue_indirect_dma source(%dma_start3A_123 : memref<325000x128xf32, #tpu.memory_space<hbm>>) target(%dma_start3A_117 : memref<8x128xf32, #tpu.memory_space<vmem>>) offsets(%dma_start3A_120 : memref<8xi32, #tpu.memory_space<vmem>>) semaphore(%arg8 : memref<!tpu.dma_semaphore, #tpu.memory_space<semaphore_mem>>)
    %dma_start3A_124 = arith.constant 0 : i32
    %dma_start3A_125 = arith.constant 0 : i32
    %dma_start3A_126 = arith.constant 1536 : i32
    %dma_start3A_127 = tpu.memref_slice %arg6[%dma_start3A_125, %dma_start3A_126] : memref<8x1664xf32, #tpu.memory_space<vmem>> -> memref<8x128xf32, #tpu.memory_space<vmem>>
    %dma_start3A_128 = arith.constant 96 : i32
    %dma_start3A_129 = tpu.memref_slice %arg5[%dma_start3A_124, %dma_start3A_128] : memref<64x128xi32, #tpu.memory_space<vmem>> -> memref<1x8xi32, #tpu.memory_space<vmem>>
    %dma_start3A_130 = tpu.memref_squeeze %dma_start3A_129 : memref<1x8xi32, #tpu.memory_space<vmem>> -> memref<8xi32, #tpu.memory_space<vmem>>
    %dma_start3A_131 = arith.constant 0 : i32
    %dma_start3A_132 = arith.constant 0 : i32
    %dma_start3A_133 = tpu.memref_slice %arg2[%dma_start3A_131, %dma_start3A_132] : memref<325000x128xf32, #tpu.memory_space<hbm>> -> memref<325000x128xf32, #tpu.memory_space<hbm>>
    tpu.enqueue_indirect_dma source(%dma_start3A_133 : memref<325000x128xf32, #tpu.memory_space<hbm>>) target(%dma_start3A_127 : memref<8x128xf32, #tpu.memory_space<vmem>>) offsets(%dma_start3A_130 : memref<8xi32, #tpu.memory_space<vmem>>) semaphore(%arg8 : memref<!tpu.dma_semaphore, #tpu.memory_space<semaphore_mem>>)
    %dma_start3A_134 = arith.constant 1 : i32
    %dma_start3A_135 = arith.constant 0 : i32
    %dma_start3A_136 = arith.constant 0 : i32
    %dma_start3A_137 = tpu.memref_slice %arg7[%dma_start3A_135, %dma_start3A_136] : memref<8x1664xf32, #tpu.memory_space<vmem>> -> memref<8x128xf32, #tpu.memory_space<vmem>>
    %dma_start3A_138 = arith.constant 0 : i32
    %dma_start3A_139 = tpu.memref_slice %arg5[%dma_start3A_134, %dma_start3A_138] : memref<64x128xi32, #tpu.memory_space<vmem>> -> memref<1x8xi32, #tpu.memory_space<vmem>>
    %dma_start3A_140 = tpu.memref_squeeze %dma_start3A_139 : memref<1x8xi32, #tpu.memory_space<vmem>> -> memref<8xi32, #tpu.memory_space<vmem>>
    %dma_start3A_141 = arith.constant 0 : i32
    %dma_start3A_142 = arith.constant 0 : i32
    %dma_start3A_143 = tpu.memref_slice %arg2[%dma_start3A_141, %dma_start3A_142] : memref<325000x128xf32, #tpu.memory_space<hbm>> -> memref<325000x128xf32, #tpu.memory_space<hbm>>
    tpu.enqueue_indirect_dma source(%dma_start3A_143 : memref<325000x128xf32, #tpu.memory_space<hbm>>) target(%dma_start3A_137 : memref<8x128xf32, #tpu.memory_space<vmem>>) offsets(%dma_start3A_140 : memref<8xi32, #tpu.memory_space<vmem>>) semaphore(%arg9 : memref<!tpu.dma_semaphore, #tpu.memory_space<semaphore_mem>>)
    %dma_start3A_144 = arith.constant 1 : i32
    %dma_start3A_145 = arith.constant 0 : i32
    %dma_start3A_146 = arith.constant 128 : i32
    %dma_start3A_147 = tpu.memref_slice %arg7[%dma_start3A_145, %dma_start3A_146] : memref<8x1664xf32, #tpu.memory_space<vmem>> -> memref<8x128xf32, #tpu.memory_space<vmem>>
    %dma_start3A_148 = arith.constant 8 : i32
    %dma_start3A_149 = tpu.memref_slice %arg5[%dma_start3A_144, %dma_start3A_148] : memref<64x128xi32, #tpu.memory_space<vmem>> -> memref<1x8xi32, #tpu.memory_space<vmem>>
    %dma_start3A_150 = tpu.memref_squeeze %dma_start3A_149 : memref<1x8xi32, #tpu.memory_space<vmem>> -> memref<8xi32, #tpu.memory_space<vmem>>
    %dma_start3A_151 = arith.constant 0 : i32
    %dma_start3A_152 = arith.constant 0 : i32
    %dma_start3A_153 = tpu.memref_slice %arg2[%dma_start3A_151, %dma_start3A_152] : memref<325000x128xf32, #tpu.memory_space<hbm>> -> memref<325000x128xf32, #tpu.memory_space<hbm>>
    tpu.enqueue_indirect_dma source(%dma_start3A_153 : memref<325000x128xf32, #tpu.memory_space<hbm>>) target(%dma_start3A_147 : memref<8x128xf32, #tpu.memory_space<vmem>>) offsets(%dma_start3A_150 : memref<8xi32, #tpu.memory_space<vmem>>) semaphore(%arg9 : memref<!tpu.dma_semaphore, #tpu.memory_space<semaphore_mem>>)
    %dma_start3A_154 = arith.constant 1 : i32
    %dma_start3A_155 = arith.constant 0 : i32
    %dma_start3A_156 = arith.constant 256 : i32
    %dma_start3A_157 = tpu.memref_slice %arg7[%dma_start3A_155, %dma_start3A_156] : memref<8x1664xf32, #tpu.memory_space<vmem>> -> memref<8x128xf32, #tpu.memory_space<vmem>>
    %dma_start3A_158 = arith.constant 16 : i32
    %dma_start3A_159 = tpu.memref_slice %arg5[%dma_start3A_154, %dma_start3A_158] : memref<64x128xi32, #tpu.memory_space<vmem>> -> memref<1x8xi32, #tpu.memory_space<vmem>>
    %dma_start3A_160 = tpu.memref_squeeze %dma_start3A_159 : memref<1x8xi32, #tpu.memory_space<vmem>> -> memref<8xi32, #tpu.memory_space<vmem>>
    %dma_start3A_161 = arith.constant 0 : i32
    %dma_start3A_162 = arith.constant 0 : i32
    %dma_start3A_163 = tpu.memref_slice %arg2[%dma_start3A_161, %dma_start3A_162] : memref<325000x128xf32, #tpu.memory_space<hbm>> -> memref<325000x128xf32, #tpu.memory_space<hbm>>
    tpu.enqueue_indirect_dma source(%dma_start3A_163 : memref<325000x128xf32, #tpu.memory_space<hbm>>) target(%dma_start3A_157 : memref<8x128xf32, #tpu.memory_space<vmem>>) offsets(%dma_start3A_160 : memref<8xi32, #tpu.memory_space<vmem>>) semaphore(%arg9 : memref<!tpu.dma_semaphore, #tpu.memory_space<semaphore_mem>>)
    %dma_start3A_164 = arith.constant 1 : i32
    %dma_start3A_165 = arith.constant 0 : i32
    %dma_start3A_166 = arith.constant 384 : i32
    %dma_start3A_167 = tpu.memref_slice %arg7[%dma_start3A_165, %dma_start3A_166] : memref<8x1664xf32, #tpu.memory_space<vmem>> -> memref<8x128xf32, #tpu.memory_space<vmem>>
    %dma_start3A_168 = arith.constant 24 : i32
    %dma_start3A_169 = tpu.memref_slice %arg5[%dma_start3A_164, %dma_start3A_168] : memref<64x128xi32, #tpu.memory_space<vmem>> -> memref<1x8xi32, #tpu.memory_space<vmem>>
    %dma_start3A_170 = tpu.memref_squeeze %dma_start3A_169 : memref<1x8xi32, #tpu.memory_space<vmem>> -> memref<8xi32, #tpu.memory_space<vmem>>
    %dma_start3A_171 = arith.constant 0 : i32
    %dma_start3A_172 = arith.constant 0 : i32
    %dma_start3A_173 = tpu.memref_slice %arg2[%dma_start3A_171, %dma_start3A_172] : memref<325000x128xf32, #tpu.memory_space<hbm>> -> memref<325000x128xf32, #tpu.memory_space<hbm>>
    tpu.enqueue_indirect_dma source(%dma_start3A_173 : memref<325000x128xf32, #tpu.memory_space<hbm>>) target(%dma_start3A_167 : memref<8x128xf32, #tpu.memory_space<vmem>>) offsets(%dma_start3A_170 : memref<8xi32, #tpu.memory_space<vmem>>) semaphore(%arg9 : memref<!tpu.dma_semaphore, #tpu.memory_space<semaphore_mem>>)
    %dma_start3A_174 = arith.constant 1 : i32
    %dma_start3A_175 = arith.constant 0 : i32
    %dma_start3A_176 = arith.constant 512 : i32
    %dma_start3A_177 = tpu.memref_slice %arg7[%dma_start3A_175, %dma_start3A_176] : memref<8x1664xf32, #tpu.memory_space<vmem>> -> memref<8x128xf32, #tpu.memory_space<vmem>>
    %dma_start3A_178 = arith.constant 32 : i32
    %dma_start3A_179 = tpu.memref_slice %arg5[%dma_start3A_174, %dma_start3A_178] : memref<64x128xi32, #tpu.memory_space<vmem>> -> memref<1x8xi32, #tpu.memory_space<vmem>>
    %dma_start3A_180 = tpu.memref_squeeze %dma_start3A_179 : memref<1x8xi32, #tpu.memory_space<vmem>> -> memref<8xi32, #tpu.memory_space<vmem>>
    %dma_start3A_181 = arith.constant 0 : i32
    %dma_start3A_182 = arith.constant 0 : i32
    %dma_start3A_183 = tpu.memref_slice %arg2[%dma_start3A_181, %dma_start3A_182] : memref<325000x128xf32, #tpu.memory_space<hbm>> -> memref<325000x128xf32, #tpu.memory_space<hbm>>
    tpu.enqueue_indirect_dma source(%dma_start3A_183 : memref<325000x128xf32, #tpu.memory_space<hbm>>) target(%dma_start3A_177 : memref<8x128xf32, #tpu.memory_space<vmem>>) offsets(%dma_start3A_180 : memref<8xi32, #tpu.memory_space<vmem>>) semaphore(%arg9 : memref<!tpu.dma_semaphore, #tpu.memory_space<semaphore_mem>>)
    %dma_start3A_184 = arith.constant 1 : i32
    %dma_start3A_185 = arith.constant 0 : i32
    %dma_start3A_186 = arith.constant 640 : i32
    %dma_start3A_187 = tpu.memref_slice %arg7[%dma_start3A_185, %dma_start3A_186] : memref<8x1664xf32, #tpu.memory_space<vmem>> -> memref<8x128xf32, #tpu.memory_space<vmem>>
    %dma_start3A_188 = arith.constant 40 : i32
    %dma_start3A_189 = tpu.memref_slice %arg5[%dma_start3A_184, %dma_start3A_188] : memref<64x128xi32, #tpu.memory_space<vmem>> -> memref<1x8xi32, #tpu.memory_space<vmem>>
    %dma_start3A_190 = tpu.memref_squeeze %dma_start3A_189 : memref<1x8xi32, #tpu.memory_space<vmem>> -> memref<8xi32, #tpu.memory_space<vmem>>
    %dma_start3A_191 = arith.constant 0 : i32
    %dma_start3A_192 = arith.constant 0 : i32
    %dma_start3A_193 = tpu.memref_slice %arg2[%dma_start3A_191, %dma_start3A_192] : memref<325000x128xf32, #tpu.memory_space<hbm>> -> memref<325000x128xf32, #tpu.memory_space<hbm>>
    tpu.enqueue_indirect_dma source(%dma_start3A_193 : memref<325000x128xf32, #tpu.memory_space<hbm>>) target(%dma_start3A_187 : memref<8x128xf32, #tpu.memory_space<vmem>>) offsets(%dma_start3A_190 : memref<8xi32, #tpu.memory_space<vmem>>) semaphore(%arg9 : memref<!tpu.dma_semaphore, #tpu.memory_space<semaphore_mem>>)
    %dma_start3A_194 = arith.constant 1 : i32
    %dma_start3A_195 = arith.constant 0 : i32
    %dma_start3A_196 = arith.constant 768 : i32
    %dma_start3A_197 = tpu.memref_slice %arg7[%dma_start3A_195, %dma_start3A_196] : memref<8x1664xf32, #tpu.memory_space<vmem>> -> memref<8x128xf32, #tpu.memory_space<vmem>>
    %dma_start3A_198 = arith.constant 48 : i32
    %dma_start3A_199 = tpu.memref_slice %arg5[%dma_start3A_194, %dma_start3A_198] : memref<64x128xi32, #tpu.memory_space<vmem>> -> memref<1x8xi32, #tpu.memory_space<vmem>>
    %dma_start3A_200 = tpu.memref_squeeze %dma_start3A_199 : memref<1x8xi32, #tpu.memory_space<vmem>> -> memref<8xi32, #tpu.memory_space<vmem>>
    %dma_start3A_201 = arith.constant 0 : i32
    %dma_start3A_202 = arith.constant 0 : i32
    %dma_start3A_203 = tpu.memref_slice %arg2[%dma_start3A_201, %dma_start3A_202] : memref<325000x128xf32, #tpu.memory_space<hbm>> -> memref<325000x128xf32, #tpu.memory_space<hbm>>
    tpu.enqueue_indirect_dma source(%dma_start3A_203 : memref<325000x128xf32, #tpu.memory_space<hbm>>) target(%dma_start3A_197 : memref<8x128xf32, #tpu.memory_space<vmem>>) offsets(%dma_start3A_200 : memref<8xi32, #tpu.memory_space<vmem>>) semaphore(%arg9 : memref<!tpu.dma_semaphore, #tpu.memory_space<semaphore_mem>>)
    %dma_start3A_204 = arith.constant 1 : i32
    %dma_start3A_205 = arith.constant 0 : i32
    %dma_start3A_206 = arith.constant 896 : i32
    %dma_start3A_207 = tpu.memref_slice %arg7[%dma_start3A_205, %dma_start3A_206] : memref<8x1664xf32, #tpu.memory_space<vmem>> -> memref<8x128xf32, #tpu.memory_space<vmem>>
    %dma_start3A_208 = arith.constant 56 : i32
    %dma_start3A_209 = tpu.memref_slice %arg5[%dma_start3A_204, %dma_start3A_208] : memref<64x128xi32, #tpu.memory_space<vmem>> -> memref<1x8xi32, #tpu.memory_space<vmem>>
    %dma_start3A_210 = tpu.memref_squeeze %dma_start3A_209 : memref<1x8xi32, #tpu.memory_space<vmem>> -> memref<8xi32, #tpu.memory_space<vmem>>
    %dma_start3A_211 = arith.constant 0 : i32
    %dma_start3A_212 = arith.constant 0 : i32
    %dma_start3A_213 = tpu.memref_slice %arg2[%dma_start3A_211, %dma_start3A_212] : memref<325000x128xf32, #tpu.memory_space<hbm>> -> memref<325000x128xf32, #tpu.memory_space<hbm>>
    tpu.enqueue_indirect_dma source(%dma_start3A_213 : memref<325000x128xf32, #tpu.memory_space<hbm>>) target(%dma_start3A_207 : memref<8x128xf32, #tpu.memory_space<vmem>>) offsets(%dma_start3A_210 : memref<8xi32, #tpu.memory_space<vmem>>) semaphore(%arg9 : memref<!tpu.dma_semaphore, #tpu.memory_space<semaphore_mem>>)
    %dma_start3A_214 = arith.constant 1 : i32
    %dma_start3A_215 = arith.constant 0 : i32
    %dma_start3A_216 = arith.constant 1024 : i32
    %dma_start3A_217 = tpu.memref_slice %arg7[%dma_start3A_215, %dma_start3A_216] : memref<8x1664xf32, #tpu.memory_space<vmem>> -> memref<8x128xf32, #tpu.memory_space<vmem>>
    %dma_start3A_218 = arith.constant 64 : i32
    %dma_start3A_219 = tpu.memref_slice %arg5[%dma_start3A_214, %dma_start3A_218] : memref<64x128xi32, #tpu.memory_space<vmem>> -> memref<1x8xi32, #tpu.memory_space<vmem>>
    %dma_start3A_220 = tpu.memref_squeeze %dma_start3A_219 : memref<1x8xi32, #tpu.memory_space<vmem>> -> memref<8xi32, #tpu.memory_space<vmem>>
    %dma_start3A_221 = arith.constant 0 : i32
    %dma_start3A_222 = arith.constant 0 : i32
    %dma_start3A_223 = tpu.memref_slice %arg2[%dma_start3A_221, %dma_start3A_222] : memref<325000x128xf32, #tpu.memory_space<hbm>> -> memref<325000x128xf32, #tpu.memory_space<hbm>>
    tpu.enqueue_indirect_dma source(%dma_start3A_223 : memref<325000x128xf32, #tpu.memory_space<hbm>>) target(%dma_start3A_217 : memref<8x128xf32, #tpu.memory_space<vmem>>) offsets(%dma_start3A_220 : memref<8xi32, #tpu.memory_space<vmem>>) semaphore(%arg9 : memref<!tpu.dma_semaphore, #tpu.memory_space<semaphore_mem>>)
    %dma_start3A_224 = arith.constant 1 : i32
    %dma_start3A_225 = arith.constant 0 : i32
    %dma_start3A_226 = arith.constant 1152 : i32
    %dma_start3A_227 = tpu.memref_slice %arg7[%dma_start3A_225, %dma_start3A_226] : memref<8x1664xf32, #tpu.memory_space<vmem>> -> memref<8x128xf32, #tpu.memory_space<vmem>>
    %dma_start3A_228 = arith.constant 72 : i32
    %dma_start3A_229 = tpu.memref_slice %arg5[%dma_start3A_224, %dma_start3A_228] : memref<64x128xi32, #tpu.memory_space<vmem>> -> memref<1x8xi32, #tpu.memory_space<vmem>>
    %dma_start3A_230 = tpu.memref_squeeze %dma_start3A_229 : memref<1x8xi32, #tpu.memory_space<vmem>> -> memref<8xi32, #tpu.memory_space<vmem>>
    %dma_start3A_231 = arith.constant 0 : i32
    %dma_start3A_232 = arith.constant 0 : i32
    %dma_start3A_233 = tpu.memref_slice %arg2[%dma_start3A_231, %dma_start3A_232] : memref<325000x128xf32, #tpu.memory_space<hbm>> -> memref<325000x128xf32, #tpu.memory_space<hbm>>
    tpu.enqueue_indirect_dma source(%dma_start3A_233 : memref<325000x128xf32, #tpu.memory_space<hbm>>) target(%dma_start3A_227 : memref<8x128xf32, #tpu.memory_space<vmem>>) offsets(%dma_start3A_230 : memref<8xi32, #tpu.memory_space<vmem>>) semaphore(%arg9 : memref<!tpu.dma_semaphore, #tpu.memory_space<semaphore_mem>>)
    %dma_start3A_234 = arith.constant 1 : i32
    %dma_start3A_235 = arith.constant 0 : i32
    %dma_start3A_236 = arith.constant 1280 : i32
    %dma_start3A_237 = tpu.memref_slice %arg7[%dma_start3A_235, %dma_start3A_236] : memref<8x1664xf32, #tpu.memory_space<vmem>> -> memref<8x128xf32, #tpu.memory_space<vmem>>
    %dma_start3A_238 = arith.constant 80 : i32
    %dma_start3A_239 = tpu.memref_slice %arg5[%dma_start3A_234, %dma_start3A_238] : memref<64x128xi32, #tpu.memory_space<vmem>> -> memref<1x8xi32, #tpu.memory_space<vmem>>
    %dma_start3A_240 = tpu.memref_squeeze %dma_start3A_239 : memref<1x8xi32, #tpu.memory_space<vmem>> -> memref<8xi32, #tpu.memory_space<vmem>>
    %dma_start3A_241 = arith.constant 0 : i32
    %dma_start3A_242 = arith.constant 0 : i32
    %dma_start3A_243 = tpu.memref_slice %arg2[%dma_start3A_241, %dma_start3A_242] : memref<325000x128xf32, #tpu.memory_space<hbm>> -> memref<325000x128xf32, #tpu.memory_space<hbm>>
    tpu.enqueue_indirect_dma source(%dma_start3A_243 : memref<325000x128xf32, #tpu.memory_space<hbm>>) target(%dma_start3A_237 : memref<8x128xf32, #tpu.memory_space<vmem>>) offsets(%dma_start3A_240 : memref<8xi32, #tpu.memory_space<vmem>>) semaphore(%arg9 : memref<!tpu.dma_semaphore, #tpu.memory_space<semaphore_mem>>)
    %dma_start3A_244 = arith.constant 1 : i32
    %dma_start3A_245 = arith.constant 0 : i32
    %dma_start3A_246 = arith.constant 1408 : i32
    %dma_start3A_247 = tpu.memref_slice %arg7[%dma_start3A_245, %dma_start3A_246] : memref<8x1664xf32, #tpu.memory_space<vmem>> -> memref<8x128xf32, #tpu.memory_space<vmem>>
    %dma_start3A_248 = arith.constant 88 : i32
    %dma_start3A_249 = tpu.memref_slice %arg5[%dma_start3A_244, %dma_start3A_248] : memref<64x128xi32, #tpu.memory_space<vmem>> -> memref<1x8xi32, #tpu.memory_space<vmem>>
    %dma_start3A_250 = tpu.memref_squeeze %dma_start3A_249 : memref<1x8xi32, #tpu.memory_space<vmem>> -> memref<8xi32, #tpu.memory_space<vmem>>
    %dma_start3A_251 = arith.constant 0 : i32
    %dma_start3A_252 = arith.constant 0 : i32
    %dma_start3A_253 = tpu.memref_slice %arg2[%dma_start3A_251, %dma_start3A_252] : memref<325000x128xf32, #tpu.memory_space<hbm>> -> memref<325000x128xf32, #tpu.memory_space<hbm>>
    tpu.enqueue_indirect_dma source(%dma_start3A_253 : memref<325000x128xf32, #tpu.memory_space<hbm>>) target(%dma_start3A_247 : memref<8x128xf32, #tpu.memory_space<vmem>>) offsets(%dma_start3A_250 : memref<8xi32, #tpu.memory_space<vmem>>) semaphore(%arg9 : memref<!tpu.dma_semaphore, #tpu.memory_space<semaphore_mem>>)
    %dma_start3A_254 = arith.constant 1 : i32
    %dma_start3A_255 = arith.constant 0 : i32
    %dma_start3A_256 = arith.constant 1536 : i32
    %dma_start3A_257 = tpu.memref_slice %arg7[%dma_start3A_255, %dma_start3A_256] : memref<8x1664xf32, #tpu.memory_space<vmem>> -> memref<8x128xf32, #tpu.memory_space<vmem>>
    %dma_start3A_258 = arith.constant 96 : i32
    %dma_start3A_259 = tpu.memref_slice %arg5[%dma_start3A_254, %dma_start3A_258] : memref<64x128xi32, #tpu.memory_space<vmem>> -> memref<1x8xi32, #tpu.memory_space<vmem>>
    %dma_start3A_260 = tpu.memref_squeeze %dma_start3A_259 : memref<1x8xi32, #tpu.memory_space<vmem>> -> memref<8xi32, #tpu.memory_space<vmem>>
    %dma_start3A_261 = arith.constant 0 : i32
    %dma_start3A_262 = arith.constant 0 : i32
    %dma_start3A_263 = tpu.memref_slice %arg2[%dma_start3A_261, %dma_start3A_262] : memref<325000x128xf32, #tpu.memory_space<hbm>> -> memref<325000x128xf32, #tpu.memory_space<hbm>>
    tpu.enqueue_indirect_dma source(%dma_start3A_263 : memref<325000x128xf32, #tpu.memory_space<hbm>>) target(%dma_start3A_257 : memref<8x128xf32, #tpu.memory_space<vmem>>) offsets(%dma_start3A_260 : memref<8xi32, #tpu.memory_space<vmem>>) semaphore(%arg9 : memref<!tpu.dma_semaphore, #tpu.memory_space<semaphore_mem>>)
    %scan3A = arith.constant 0 : i32
    %scan3A_264 = arith.constant 31 : i32
    %scan3A_265 = arith.addi %scan3A, %scan3A_264 : i32
    %scan3A_266 = arith.constant 1 : i32
    scf.for %scan3A_291 = %scan3A to %scan3A_265 step %scan3A_266  : i32 {
      %mul3A_292 = arith.constant 1 : i32
      %mul3A_293 = arith.muli %scan3A_291, %mul3A_292 : i32
      %add3A_294 = arith.constant 0 : i32
      %add3A_295 = arith.addi %add3A_294, %mul3A_293 : i32
      %mul3A_296 = arith.constant 2 : i32
      %mul3A_297 = arith.muli %mul3A_296, %add3A_295 : i32
      %add3A_298 = arith.constant 0 : i32
      %add3A_299 = arith.addi %mul3A_297, %add3A_298 : i32
      %add3A_300 = arith.addi %mul3A_2, %add3A_299 : i32
      %dma_wait3A_301 = arith.constant 0 : i32
      %dma_wait3A_302 = arith.constant 0 : i32
      %dma_wait3A_303 = tpu.memref_slice %arg4[%add3A_300, %dma_wait3A_301, %dma_wait3A_302] : memref<2048x8x1664xf32, #tpu.memory_space<hbm>> -> memref<1x8x1664xf32, #tpu.memory_space<hbm>>
      %dma_wait3A_304 = tpu.memref_squeeze %dma_wait3A_303 : memref<1x8x1664xf32, #tpu.memory_space<hbm>> -> memref<8x1664xf32, #tpu.memory_space<hbm>>
      %dma_wait3A_305 = arith.constant 0 : i32
      %dma_wait3A_306 = arith.constant 0 : i32
      %dma_wait3A_307 = tpu.memref_slice %arg4[%add3A_300, %dma_wait3A_305, %dma_wait3A_306] : memref<2048x8x1664xf32, #tpu.memory_space<hbm>> -> memref<1x8x1664xf32, #tpu.memory_space<hbm>>
      %dma_wait3A_308 = tpu.memref_squeeze %dma_wait3A_307 : memref<1x8x1664xf32, #tpu.memory_space<hbm>> -> memref<8x1664xf32, #tpu.memory_space<hbm>>
      tpu.wait_dma2 semaphore(%arg8 : memref<!tpu.dma_semaphore, #tpu.memory_space<semaphore_mem>>) src(%dma_wait3A_308 : memref<8x1664xf32, #tpu.memory_space<hbm>>) dst(%arg6 : memref<8x1664xf32, #tpu.memory_space<vmem>>)
      %add3A_309 = arith.addi %mul3A_2, %add3A_299 : i32
      "tpu.region"() ({
        %run_scoped3A = tpu.sem_alloc : memref<!tpu.dma_semaphore, #tpu.memory_space<semaphore_mem>>
        %dma_start3A_562 = arith.constant 0 : i32
        %dma_start3A_563 = arith.constant 0 : i32
        %dma_start3A_564 = tpu.memref_slice %arg4[%add3A_309, %dma_start3A_562, %dma_start3A_563] : memref<2048x8x1664xf32, #tpu.memory_space<hbm>> -> memref<1x8x1664xf32, #tpu.memory_space<hbm>>
        %dma_start3A_565 = tpu.memref_squeeze %dma_start3A_564 : memref<1x8x1664xf32, #tpu.memory_space<hbm>> -> memref<8x1664xf32, #tpu.memory_space<hbm>>
        %dma_start3A_566 = arith.constant 0 : i32
        %dma_start3A_567 = arith.constant 0 : i32
        %dma_start3A_568 = tpu.memref_slice %arg4[%add3A_309, %dma_start3A_566, %dma_start3A_567] : memref<2048x8x1664xf32, #tpu.memory_space<hbm>> -> memref<1x8x1664xf32, #tpu.memory_space<hbm>>
        %dma_start3A_569 = tpu.memref_squeeze %dma_start3A_568 : memref<1x8x1664xf32, #tpu.memory_space<hbm>> -> memref<8x1664xf32, #tpu.memory_space<hbm>>
        tpu.enqueue_dma source(%arg6 : memref<8x1664xf32, #tpu.memory_space<vmem>>) target(%dma_start3A_569 : memref<8x1664xf32, #tpu.memory_space<hbm>>) target_semaphore(%run_scoped3A : memref<!tpu.dma_semaphore, #tpu.memory_space<semaphore_mem>>)
        %dma_wait3A_570 = arith.constant 0 : i32
        %dma_wait3A_571 = arith.constant 0 : i32
        %dma_wait3A_572 = tpu.memref_slice %arg4[%add3A_309, %dma_wait3A_570, %dma_wait3A_571] : memref<2048x8x1664xf32, #tpu.memory_space<hbm>> -> memref<1x8x1664xf32, #tpu.memory_space<hbm>>
        %dma_wait3A_573 = tpu.memref_squeeze %dma_wait3A_572 : memref<1x8x1664xf32, #tpu.memory_space<hbm>> -> memref<8x1664xf32, #tpu.memory_space<hbm>>
        %dma_wait3A_574 = arith.constant 0 : i32
        %dma_wait3A_575 = arith.constant 0 : i32
        %dma_wait3A_576 = tpu.memref_slice %arg4[%add3A_309, %dma_wait3A_574, %dma_wait3A_575] : memref<2048x8x1664xf32, #tpu.memory_space<hbm>> -> memref<1x8x1664xf32, #tpu.memory_space<hbm>>
        %dma_wait3A_577 = tpu.memref_squeeze %dma_wait3A_576 : memref<1x8x1664xf32, #tpu.memory_space<hbm>> -> memref<8x1664xf32, #tpu.memory_space<hbm>>
        tpu.wait_dma2 semaphore(%run_scoped3A : memref<!tpu.dma_semaphore, #tpu.memory_space<semaphore_mem>>) src(%arg6 : memref<8x1664xf32, #tpu.memory_space<vmem>>) dst(%dma_wait3A_577 : memref<8x1664xf32, #tpu.memory_space<hbm>>)
        tpu.yield
      }) : () -> ()
      %add3A_310 = arith.constant 2 : i32
      %add3A_311 = arith.addi %add3A_299, %add3A_310 : i32
      %dma_start3A_312 = arith.constant 0 : i32
      %dma_start3A_313 = arith.constant 0 : i32
      %dma_start3A_314 = tpu.memref_slice %arg6[%dma_start3A_312, %dma_start3A_313] : memref<8x1664xf32, #tpu.memory_space<vmem>> -> memref<8x128xf32, #tpu.memory_space<vmem>>
      %dma_start3A_315 = arith.constant 0 : i32
      %dma_start3A_316 = tpu.memref_slice %arg5[%add3A_311, %dma_start3A_315] : memref<64x128xi32, #tpu.memory_space<vmem>> -> memref<1x8xi32, #tpu.memory_space<vmem>>
      %dma_start3A_317 = tpu.memref_squeeze %dma_start3A_316 : memref<1x8xi32, #tpu.memory_space<vmem>> -> memref<8xi32, #tpu.memory_space<vmem>>
      %dma_start3A_318 = arith.constant 0 : i32
      %dma_start3A_319 = arith.constant 0 : i32
      %dma_start3A_320 = tpu.memref_slice %arg2[%dma_start3A_318, %dma_start3A_319] : memref<325000x128xf32, #tpu.memory_space<hbm>> -> memref<325000x128xf32, #tpu.memory_space<hbm>>
      tpu.enqueue_indirect_dma source(%dma_start3A_320 : memref<325000x128xf32, #tpu.memory_space<hbm>>) target(%dma_start3A_314 : memref<8x128xf32, #tpu.memory_space<vmem>>) offsets(%dma_start3A_317 : memref<8xi32, #tpu.memory_space<vmem>>) semaphore(%arg8 : memref<!tpu.dma_semaphore, #tpu.memory_space<semaphore_mem>>)
      %dma_start3A_321 = arith.constant 0 : i32
      %dma_start3A_322 = arith.constant 128 : i32
      %dma_start3A_323 = tpu.memref_slice %arg6[%dma_start3A_321, %dma_start3A_322] : memref<8x1664xf32, #tpu.memory_space<vmem>> -> memref<8x128xf32, #tpu.memory_space<vmem>>
      %dma_start3A_324 = arith.constant 8 : i32
      %dma_start3A_325 = tpu.memref_slice %arg5[%add3A_311, %dma_start3A_324] : memref<64x128xi32, #tpu.memory_space<vmem>> -> memref<1x8xi32, #tpu.memory_space<vmem>>
      %dma_start3A_326 = tpu.memref_squeeze %dma_start3A_325 : memref<1x8xi32, #tpu.memory_space<vmem>> -> memref<8xi32, #tpu.memory_space<vmem>>
      %dma_start3A_327 = arith.constant 0 : i32
      %dma_start3A_328 = arith.constant 0 : i32
      %dma_start3A_329 = tpu.memref_slice %arg2[%dma_start3A_327, %dma_start3A_328] : memref<325000x128xf32, #tpu.memory_space<hbm>> -> memref<325000x128xf32, #tpu.memory_space<hbm>>
      tpu.enqueue_indirect_dma source(%dma_start3A_329 : memref<325000x128xf32, #tpu.memory_space<hbm>>) target(%dma_start3A_323 : memref<8x128xf32, #tpu.memory_space<vmem>>) offsets(%dma_start3A_326 : memref<8xi32, #tpu.memory_space<vmem>>) semaphore(%arg8 : memref<!tpu.dma_semaphore, #tpu.memory_space<semaphore_mem>>)
      %dma_start3A_330 = arith.constant 0 : i32
      %dma_start3A_331 = arith.constant 256 : i32
      %dma_start3A_332 = tpu.memref_slice %arg6[%dma_start3A_330, %dma_start3A_331] : memref<8x1664xf32, #tpu.memory_space<vmem>> -> memref<8x128xf32, #tpu.memory_space<vmem>>
      %dma_start3A_333 = arith.constant 16 : i32
      %dma_start3A_334 = tpu.memref_slice %arg5[%add3A_311, %dma_start3A_333] : memref<64x128xi32, #tpu.memory_space<vmem>> -> memref<1x8xi32, #tpu.memory_space<vmem>>
      %dma_start3A_335 = tpu.memref_squeeze %dma_start3A_334 : memref<1x8xi32, #tpu.memory_space<vmem>> -> memref<8xi32, #tpu.memory_space<vmem>>
      %dma_start3A_336 = arith.constant 0 : i32
      %dma_start3A_337 = arith.constant 0 : i32
      %dma_start3A_338 = tpu.memref_slice %arg2[%dma_start3A_336, %dma_start3A_337] : memref<325000x128xf32, #tpu.memory_space<hbm>> -> memref<325000x128xf32, #tpu.memory_space<hbm>>
      tpu.enqueue_indirect_dma source(%dma_start3A_338 : memref<325000x128xf32, #tpu.memory_space<hbm>>) target(%dma_start3A_332 : memref<8x128xf32, #tpu.memory_space<vmem>>) offsets(%dma_start3A_335 : memref<8xi32, #tpu.memory_space<vmem>>) semaphore(%arg8 : memref<!tpu.dma_semaphore, #tpu.memory_space<semaphore_mem>>)
      %dma_start3A_339 = arith.constant 0 : i32
      %dma_start3A_340 = arith.constant 384 : i32
      %dma_start3A_341 = tpu.memref_slice %arg6[%dma_start3A_339, %dma_start3A_340] : memref<8x1664xf32, #tpu.memory_space<vmem>> -> memref<8x128xf32, #tpu.memory_space<vmem>>
      %dma_start3A_342 = arith.constant 24 : i32
      %dma_start3A_343 = tpu.memref_slice %arg5[%add3A_311, %dma_start3A_342] : memref<64x128xi32, #tpu.memory_space<vmem>> -> memref<1x8xi32, #tpu.memory_space<vmem>>
      %dma_start3A_344 = tpu.memref_squeeze %dma_start3A_343 : memref<1x8xi32, #tpu.memory_space<vmem>> -> memref<8xi32, #tpu.memory_space<vmem>>
      %dma_start3A_345 = arith.constant 0 : i32
      %dma_start3A_346 = arith.constant 0 : i32
      %dma_start3A_347 = tpu.memref_slice %arg2[%dma_start3A_345, %dma_start3A_346] : memref<325000x128xf32, #tpu.memory_space<hbm>> -> memref<325000x128xf32, #tpu.memory_space<hbm>>
      tpu.enqueue_indirect_dma source(%dma_start3A_347 : memref<325000x128xf32, #tpu.memory_space<hbm>>) target(%dma_start3A_341 : memref<8x128xf32, #tpu.memory_space<vmem>>) offsets(%dma_start3A_344 : memref<8xi32, #tpu.memory_space<vmem>>) semaphore(%arg8 : memref<!tpu.dma_semaphore, #tpu.memory_space<semaphore_mem>>)
      %dma_start3A_348 = arith.constant 0 : i32
      %dma_start3A_349 = arith.constant 512 : i32
      %dma_start3A_350 = tpu.memref_slice %arg6[%dma_start3A_348, %dma_start3A_349] : memref<8x1664xf32, #tpu.memory_space<vmem>> -> memref<8x128xf32, #tpu.memory_space<vmem>>
      %dma_start3A_351 = arith.constant 32 : i32
      %dma_start3A_352 = tpu.memref_slice %arg5[%add3A_311, %dma_start3A_351] : memref<64x128xi32, #tpu.memory_space<vmem>> -> memref<1x8xi32, #tpu.memory_space<vmem>>
      %dma_start3A_353 = tpu.memref_squeeze %dma_start3A_352 : memref<1x8xi32, #tpu.memory_space<vmem>> -> memref<8xi32, #tpu.memory_space<vmem>>
      %dma_start3A_354 = arith.constant 0 : i32
      %dma_start3A_355 = arith.constant 0 : i32
      %dma_start3A_356 = tpu.memref_slice %arg2[%dma_start3A_354, %dma_start3A_355] : memref<325000x128xf32, #tpu.memory_space<hbm>> -> memref<325000x128xf32, #tpu.memory_space<hbm>>
      tpu.enqueue_indirect_dma source(%dma_start3A_356 : memref<325000x128xf32, #tpu.memory_space<hbm>>) target(%dma_start3A_350 : memref<8x128xf32, #tpu.memory_space<vmem>>) offsets(%dma_start3A_353 : memref<8xi32, #tpu.memory_space<vmem>>) semaphore(%arg8 : memref<!tpu.dma_semaphore, #tpu.memory_space<semaphore_mem>>)
      %dma_start3A_357 = arith.constant 0 : i32
      %dma_start3A_358 = arith.constant 640 : i32
      %dma_start3A_359 = tpu.memref_slice %arg6[%dma_start3A_357, %dma_start3A_358] : memref<8x1664xf32, #tpu.memory_space<vmem>> -> memref<8x128xf32, #tpu.memory_space<vmem>>
      %dma_start3A_360 = arith.constant 40 : i32
      %dma_start3A_361 = tpu.memref_slice %arg5[%add3A_311, %dma_start3A_360] : memref<64x128xi32, #tpu.memory_space<vmem>> -> memref<1x8xi32, #tpu.memory_space<vmem>>
      %dma_start3A_362 = tpu.memref_squeeze %dma_start3A_361 : memref<1x8xi32, #tpu.memory_space<vmem>> -> memref<8xi32, #tpu.memory_space<vmem>>
      %dma_start3A_363 = arith.constant 0 : i32
      %dma_start3A_364 = arith.constant 0 : i32
      %dma_start3A_365 = tpu.memref_slice %arg2[%dma_start3A_363, %dma_start3A_364] : memref<325000x128xf32, #tpu.memory_space<hbm>> -> memref<325000x128xf32, #tpu.memory_space<hbm>>
      tpu.enqueue_indirect_dma source(%dma_start3A_365 : memref<325000x128xf32, #tpu.memory_space<hbm>>) target(%dma_start3A_359 : memref<8x128xf32, #tpu.memory_space<vmem>>) offsets(%dma_start3A_362 : memref<8xi32, #tpu.memory_space<vmem>>) semaphore(%arg8 : memref<!tpu.dma_semaphore, #tpu.memory_space<semaphore_mem>>)
      %dma_start3A_366 = arith.constant 0 : i32
      %dma_start3A_367 = arith.constant 768 : i32
      %dma_start3A_368 = tpu.memref_slice %arg6[%dma_start3A_366, %dma_start3A_367] : memref<8x1664xf32, #tpu.memory_space<vmem>> -> memref<8x128xf32, #tpu.memory_space<vmem>>
      %dma_start3A_369 = arith.constant 48 : i32
      %dma_start3A_370 = tpu.memref_slice %arg5[%add3A_311, %dma_start3A_369] : memref<64x128xi32, #tpu.memory_space<vmem>> -> memref<1x8xi32, #tpu.memory_space<vmem>>
      %dma_start3A_371 = tpu.memref_squeeze %dma_start3A_370 : memref<1x8xi32, #tpu.memory_space<vmem>> -> memref<8xi32, #tpu.memory_space<vmem>>
      %dma_start3A_372 = arith.constant 0 : i32
      %dma_start3A_373 = arith.constant 0 : i32
      %dma_start3A_374 = tpu.memref_slice %arg2[%dma_start3A_372, %dma_start3A_373] : memref<325000x128xf32, #tpu.memory_space<hbm>> -> memref<325000x128xf32, #tpu.memory_space<hbm>>
      tpu.enqueue_indirect_dma source(%dma_start3A_374 : memref<325000x128xf32, #tpu.memory_space<hbm>>) target(%dma_start3A_368 : memref<8x128xf32, #tpu.memory_space<vmem>>) offsets(%dma_start3A_371 : memref<8xi32, #tpu.memory_space<vmem>>) semaphore(%arg8 : memref<!tpu.dma_semaphore, #tpu.memory_space<semaphore_mem>>)
      %dma_start3A_375 = arith.constant 0 : i32
      %dma_start3A_376 = arith.constant 896 : i32
      %dma_start3A_377 = tpu.memref_slice %arg6[%dma_start3A_375, %dma_start3A_376] : memref<8x1664xf32, #tpu.memory_space<vmem>> -> memref<8x128xf32, #tpu.memory_space<vmem>>
      %dma_start3A_378 = arith.constant 56 : i32
      %dma_start3A_379 = tpu.memref_slice %arg5[%add3A_311, %dma_start3A_378] : memref<64x128xi32, #tpu.memory_space<vmem>> -> memref<1x8xi32, #tpu.memory_space<vmem>>
      %dma_start3A_380 = tpu.memref_squeeze %dma_start3A_379 : memref<1x8xi32, #tpu.memory_space<vmem>> -> memref<8xi32, #tpu.memory_space<vmem>>
      %dma_start3A_381 = arith.constant 0 : i32
      %dma_start3A_382 = arith.constant 0 : i32
      %dma_start3A_383 = tpu.memref_slice %arg2[%dma_start3A_381, %dma_start3A_382] : memref<325000x128xf32, #tpu.memory_space<hbm>> -> memref<325000x128xf32, #tpu.memory_space<hbm>>
      tpu.enqueue_indirect_dma source(%dma_start3A_383 : memref<325000x128xf32, #tpu.memory_space<hbm>>) target(%dma_start3A_377 : memref<8x128xf32, #tpu.memory_space<vmem>>) offsets(%dma_start3A_380 : memref<8xi32, #tpu.memory_space<vmem>>) semaphore(%arg8 : memref<!tpu.dma_semaphore, #tpu.memory_space<semaphore_mem>>)
      %dma_start3A_384 = arith.constant 0 : i32
      %dma_start3A_385 = arith.constant 1024 : i32
      %dma_start3A_386 = tpu.memref_slice %arg6[%dma_start3A_384, %dma_start3A_385] : memref<8x1664xf32, #tpu.memory_space<vmem>> -> memref<8x128xf32, #tpu.memory_space<vmem>>
      %dma_start3A_387 = arith.constant 64 : i32
      %dma_start3A_388 = tpu.memref_slice %arg5[%add3A_311, %dma_start3A_387] : memref<64x128xi32, #tpu.memory_space<vmem>> -> memref<1x8xi32, #tpu.memory_space<vmem>>
      %dma_start3A_389 = tpu.memref_squeeze %dma_start3A_388 : memref<1x8xi32, #tpu.memory_space<vmem>> -> memref<8xi32, #tpu.memory_space<vmem>>
      %dma_start3A_390 = arith.constant 0 : i32
      %dma_start3A_391 = arith.constant 0 : i32
      %dma_start3A_392 = tpu.memref_slice %arg2[%dma_start3A_390, %dma_start3A_391] : memref<325000x128xf32, #tpu.memory_space<hbm>> -> memref<325000x128xf32, #tpu.memory_space<hbm>>
      tpu.enqueue_indirect_dma source(%dma_start3A_392 : memref<325000x128xf32, #tpu.memory_space<hbm>>) target(%dma_start3A_386 : memref<8x128xf32, #tpu.memory_space<vmem>>) offsets(%dma_start3A_389 : memref<8xi32, #tpu.memory_space<vmem>>) semaphore(%arg8 : memref<!tpu.dma_semaphore, #tpu.memory_space<semaphore_mem>>)
      %dma_start3A_393 = arith.constant 0 : i32
      %dma_start3A_394 = arith.constant 1152 : i32
      %dma_start3A_395 = tpu.memref_slice %arg6[%dma_start3A_393, %dma_start3A_394] : memref<8x1664xf32, #tpu.memory_space<vmem>> -> memref<8x128xf32, #tpu.memory_space<vmem>>
      %dma_start3A_396 = arith.constant 72 : i32
      %dma_start3A_397 = tpu.memref_slice %arg5[%add3A_311, %dma_start3A_396] : memref<64x128xi32, #tpu.memory_space<vmem>> -> memref<1x8xi32, #tpu.memory_space<vmem>>
      %dma_start3A_398 = tpu.memref_squeeze %dma_start3A_397 : memref<1x8xi32, #tpu.memory_space<vmem>> -> memref<8xi32, #tpu.memory_space<vmem>>
      %dma_start3A_399 = arith.constant 0 : i32
      %dma_start3A_400 = arith.constant 0 : i32
      %dma_start3A_401 = tpu.memref_slice %arg2[%dma_start3A_399, %dma_start3A_400] : memref<325000x128xf32, #tpu.memory_space<hbm>> -> memref<325000x128xf32, #tpu.memory_space<hbm>>
      tpu.enqueue_indirect_dma source(%dma_start3A_401 : memref<325000x128xf32, #tpu.memory_space<hbm>>) target(%dma_start3A_395 : memref<8x128xf32, #tpu.memory_space<vmem>>) offsets(%dma_start3A_398 : memref<8xi32, #tpu.memory_space<vmem>>) semaphore(%arg8 : memref<!tpu.dma_semaphore, #tpu.memory_space<semaphore_mem>>)
      %dma_start3A_402 = arith.constant 0 : i32
      %dma_start3A_403 = arith.constant 1280 : i32
      %dma_start3A_404 = tpu.memref_slice %arg6[%dma_start3A_402, %dma_start3A_403] : memref<8x1664xf32, #tpu.memory_space<vmem>> -> memref<8x128xf32, #tpu.memory_space<vmem>>
      %dma_start3A_405 = arith.constant 80 : i32
      %dma_start3A_406 = tpu.memref_slice %arg5[%add3A_311, %dma_start3A_405] : memref<64x128xi32, #tpu.memory_space<vmem>> -> memref<1x8xi32, #tpu.memory_space<vmem>>
      %dma_start3A_407 = tpu.memref_squeeze %dma_start3A_406 : memref<1x8xi32, #tpu.memory_space<vmem>> -> memref<8xi32, #tpu.memory_space<vmem>>
      %dma_start3A_408 = arith.constant 0 : i32
      %dma_start3A_409 = arith.constant 0 : i32
      %dma_start3A_410 = tpu.memref_slice %arg2[%dma_start3A_408, %dma_start3A_409] : memref<325000x128xf32, #tpu.memory_space<hbm>> -> memref<325000x128xf32, #tpu.memory_space<hbm>>
      tpu.enqueue_indirect_dma source(%dma_start3A_410 : memref<325000x128xf32, #tpu.memory_space<hbm>>) target(%dma_start3A_404 : memref<8x128xf32, #tpu.memory_space<vmem>>) offsets(%dma_start3A_407 : memref<8xi32, #tpu.memory_space<vmem>>) semaphore(%arg8 : memref<!tpu.dma_semaphore, #tpu.memory_space<semaphore_mem>>)
      %dma_start3A_411 = arith.constant 0 : i32
      %dma_start3A_412 = arith.constant 1408 : i32
      %dma_start3A_413 = tpu.memref_slice %arg6[%dma_start3A_411, %dma_start3A_412] : memref<8x1664xf32, #tpu.memory_space<vmem>> -> memref<8x128xf32, #tpu.memory_space<vmem>>
      %dma_start3A_414 = arith.constant 88 : i32
      %dma_start3A_415 = tpu.memref_slice %arg5[%add3A_311, %dma_start3A_414] : memref<64x128xi32, #tpu.memory_space<vmem>> -> memref<1x8xi32, #tpu.memory_space<vmem>>
      %dma_start3A_416 = tpu.memref_squeeze %dma_start3A_415 : memref<1x8xi32, #tpu.memory_space<vmem>> -> memref<8xi32, #tpu.memory_space<vmem>>
      %dma_start3A_417 = arith.constant 0 : i32
      %dma_start3A_418 = arith.constant 0 : i32
      %dma_start3A_419 = tpu.memref_slice %arg2[%dma_start3A_417, %dma_start3A_418] : memref<325000x128xf32, #tpu.memory_space<hbm>> -> memref<325000x128xf32, #tpu.memory_space<hbm>>
      tpu.enqueue_indirect_dma source(%dma_start3A_419 : memref<325000x128xf32, #tpu.memory_space<hbm>>) target(%dma_start3A_413 : memref<8x128xf32, #tpu.memory_space<vmem>>) offsets(%dma_start3A_416 : memref<8xi32, #tpu.memory_space<vmem>>) semaphore(%arg8 : memref<!tpu.dma_semaphore, #tpu.memory_space<semaphore_mem>>)
      %dma_start3A_420 = arith.constant 0 : i32
      %dma_start3A_421 = arith.constant 1536 : i32
      %dma_start3A_422 = tpu.memref_slice %arg6[%dma_start3A_420, %dma_start3A_421] : memref<8x1664xf32, #tpu.memory_space<vmem>> -> memref<8x128xf32, #tpu.memory_space<vmem>>
      %dma_start3A_423 = arith.constant 96 : i32
      %dma_start3A_424 = tpu.memref_slice %arg5[%add3A_311, %dma_start3A_423] : memref<64x128xi32, #tpu.memory_space<vmem>> -> memref<1x8xi32, #tpu.memory_space<vmem>>
      %dma_start3A_425 = tpu.memref_squeeze %dma_start3A_424 : memref<1x8xi32, #tpu.memory_space<vmem>> -> memref<8xi32, #tpu.memory_space<vmem>>
      %dma_start3A_426 = arith.constant 0 : i32
      %dma_start3A_427 = arith.constant 0 : i32
      %dma_start3A_428 = tpu.memref_slice %arg2[%dma_start3A_426, %dma_start3A_427] : memref<325000x128xf32, #tpu.memory_space<hbm>> -> memref<325000x128xf32, #tpu.memory_space<hbm>>
      tpu.enqueue_indirect_dma source(%dma_start3A_428 : memref<325000x128xf32, #tpu.memory_space<hbm>>) target(%dma_start3A_422 : memref<8x128xf32, #tpu.memory_space<vmem>>) offsets(%dma_start3A_425 : memref<8xi32, #tpu.memory_space<vmem>>) semaphore(%arg8 : memref<!tpu.dma_semaphore, #tpu.memory_space<semaphore_mem>>)
      %mul3A_429 = arith.constant 2 : i32
      %mul3A_430 = arith.muli %mul3A_429, %add3A_295 : i32
      %add3A_431 = arith.constant 1 : i32
      %add3A_432 = arith.addi %mul3A_430, %add3A_431 : i32
      %add3A_433 = arith.addi %mul3A_2, %add3A_432 : i32
      %dma_wait3A_434 = arith.constant 0 : i32
      %dma_wait3A_435 = arith.constant 0 : i32
      %dma_wait3A_436 = tpu.memref_slice %arg4[%add3A_433, %dma_wait3A_434, %dma_wait3A_435] : memref<2048x8x1664xf32, #tpu.memory_space<hbm>> -> memref<1x8x1664xf32, #tpu.memory_space<hbm>>
      %dma_wait3A_437 = tpu.memref_squeeze %dma_wait3A_436 : memref<1x8x1664xf32, #tpu.memory_space<hbm>> -> memref<8x1664xf32, #tpu.memory_space<hbm>>
      %dma_wait3A_438 = arith.constant 0 : i32
      %dma_wait3A_439 = arith.constant 0 : i32
      %dma_wait3A_440 = tpu.memref_slice %arg4[%add3A_433, %dma_wait3A_438, %dma_wait3A_439] : memref<2048x8x1664xf32, #tpu.memory_space<hbm>> -> memref<1x8x1664xf32, #tpu.memory_space<hbm>>
      %dma_wait3A_441 = tpu.memref_squeeze %dma_wait3A_440 : memref<1x8x1664xf32, #tpu.memory_space<hbm>> -> memref<8x1664xf32, #tpu.memory_space<hbm>>
      tpu.wait_dma2 semaphore(%arg9 : memref<!tpu.dma_semaphore, #tpu.memory_space<semaphore_mem>>) src(%dma_wait3A_441 : memref<8x1664xf32, #tpu.memory_space<hbm>>) dst(%arg7 : memref<8x1664xf32, #tpu.memory_space<vmem>>)
      %add3A_442 = arith.addi %mul3A_2, %add3A_432 : i32
      "tpu.region"() ({
        %run_scoped3A = tpu.sem_alloc : memref<!tpu.dma_semaphore, #tpu.memory_space<semaphore_mem>>
        %dma_start3A_562 = arith.constant 0 : i32
        %dma_start3A_563 = arith.constant 0 : i32
        %dma_start3A_564 = tpu.memref_slice %arg4[%add3A_442, %dma_start3A_562, %dma_start3A_563] : memref<2048x8x1664xf32, #tpu.memory_space<hbm>> -> memref<1x8x1664xf32, #tpu.memory_space<hbm>>
        %dma_start3A_565 = tpu.memref_squeeze %dma_start3A_564 : memref<1x8x1664xf32, #tpu.memory_space<hbm>> -> memref<8x1664xf32, #tpu.memory_space<hbm>>
        %dma_start3A_566 = arith.constant 0 : i32
        %dma_start3A_567 = arith.constant 0 : i32
        %dma_start3A_568 = tpu.memref_slice %arg4[%add3A_442, %dma_start3A_566, %dma_start3A_567] : memref<2048x8x1664xf32, #tpu.memory_space<hbm>> -> memref<1x8x1664xf32, #tpu.memory_space<hbm>>
        %dma_start3A_569 = tpu.memref_squeeze %dma_start3A_568 : memref<1x8x1664xf32, #tpu.memory_space<hbm>> -> memref<8x1664xf32, #tpu.memory_space<hbm>>
        tpu.enqueue_dma source(%arg7 : memref<8x1664xf32, #tpu.memory_space<vmem>>) target(%dma_start3A_569 : memref<8x1664xf32, #tpu.memory_space<hbm>>) target_semaphore(%run_scoped3A : memref<!tpu.dma_semaphore, #tpu.memory_space<semaphore_mem>>)
        %dma_wait3A_570 = arith.constant 0 : i32
        %dma_wait3A_571 = arith.constant 0 : i32
        %dma_wait3A_572 = tpu.memref_slice %arg4[%add3A_442, %dma_wait3A_570, %dma_wait3A_571] : memref<2048x8x1664xf32, #tpu.memory_space<hbm>> -> memref<1x8x1664xf32, #tpu.memory_space<hbm>>
        %dma_wait3A_573 = tpu.memref_squeeze %dma_wait3A_572 : memref<1x8x1664xf32, #tpu.memory_space<hbm>> -> memref<8x1664xf32, #tpu.memory_space<hbm>>
        %dma_wait3A_574 = arith.constant 0 : i32
        %dma_wait3A_575 = arith.constant 0 : i32
        %dma_wait3A_576 = tpu.memref_slice %arg4[%add3A_442, %dma_wait3A_574, %dma_wait3A_575] : memref<2048x8x1664xf32, #tpu.memory_space<hbm>> -> memref<1x8x1664xf32, #tpu.memory_space<hbm>>
        %dma_wait3A_577 = tpu.memref_squeeze %dma_wait3A_576 : memref<1x8x1664xf32, #tpu.memory_space<hbm>> -> memref<8x1664xf32, #tpu.memory_space<hbm>>
        tpu.wait_dma2 semaphore(%run_scoped3A : memref<!tpu.dma_semaphore, #tpu.memory_space<semaphore_mem>>) src(%arg7 : memref<8x1664xf32, #tpu.memory_space<vmem>>) dst(%dma_wait3A_577 : memref<8x1664xf32, #tpu.memory_space<hbm>>)
        tpu.yield
      }) : () -> ()
      %add3A_443 = arith.constant 2 : i32
      %add3A_444 = arith.addi %add3A_432, %add3A_443 : i32
      %dma_start3A_445 = arith.constant 0 : i32
      %dma_start3A_446 = arith.constant 0 : i32
      %dma_start3A_447 = tpu.memref_slice %arg7[%dma_start3A_445, %dma_start3A_446] : memref<8x1664xf32, #tpu.memory_space<vmem>> -> memref<8x128xf32, #tpu.memory_space<vmem>>
      %dma_start3A_448 = arith.constant 0 : i32
      %dma_start3A_449 = tpu.memref_slice %arg5[%add3A_444, %dma_start3A_448] : memref<64x128xi32, #tpu.memory_space<vmem>> -> memref<1x8xi32, #tpu.memory_space<vmem>>
      %dma_start3A_450 = tpu.memref_squeeze %dma_start3A_449 : memref<1x8xi32, #tpu.memory_space<vmem>> -> memref<8xi32, #tpu.memory_space<vmem>>
      %dma_start3A_451 = arith.constant 0 : i32
      %dma_start3A_452 = arith.constant 0 : i32
      %dma_start3A_453 = tpu.memref_slice %arg2[%dma_start3A_451, %dma_start3A_452] : memref<325000x128xf32, #tpu.memory_space<hbm>> -> memref<325000x128xf32, #tpu.memory_space<hbm>>
      tpu.enqueue_indirect_dma source(%dma_start3A_453 : memref<325000x128xf32, #tpu.memory_space<hbm>>) target(%dma_start3A_447 : memref<8x128xf32, #tpu.memory_space<vmem>>) offsets(%dma_start3A_450 : memref<8xi32, #tpu.memory_space<vmem>>) semaphore(%arg9 : memref<!tpu.dma_semaphore, #tpu.memory_space<semaphore_mem>>)
      %dma_start3A_454 = arith.constant 0 : i32
      %dma_start3A_455 = arith.constant 128 : i32
      %dma_start3A_456 = tpu.memref_slice %arg7[%dma_start3A_454, %dma_start3A_455] : memref<8x1664xf32, #tpu.memory_space<vmem>> -> memref<8x128xf32, #tpu.memory_space<vmem>>
      %dma_start3A_457 = arith.constant 8 : i32
      %dma_start3A_458 = tpu.memref_slice %arg5[%add3A_444, %dma_start3A_457] : memref<64x128xi32, #tpu.memory_space<vmem>> -> memref<1x8xi32, #tpu.memory_space<vmem>>
      %dma_start3A_459 = tpu.memref_squeeze %dma_start3A_458 : memref<1x8xi32, #tpu.memory_space<vmem>> -> memref<8xi32, #tpu.memory_space<vmem>>
      %dma_start3A_460 = arith.constant 0 : i32
      %dma_start3A_461 = arith.constant 0 : i32
      %dma_start3A_462 = tpu.memref_slice %arg2[%dma_start3A_460, %dma_start3A_461] : memref<325000x128xf32, #tpu.memory_space<hbm>> -> memref<325000x128xf32, #tpu.memory_space<hbm>>
      tpu.enqueue_indirect_dma source(%dma_start3A_462 : memref<325000x128xf32, #tpu.memory_space<hbm>>) target(%dma_start3A_456 : memref<8x128xf32, #tpu.memory_space<vmem>>) offsets(%dma_start3A_459 : memref<8xi32, #tpu.memory_space<vmem>>) semaphore(%arg9 : memref<!tpu.dma_semaphore, #tpu.memory_space<semaphore_mem>>)
      %dma_start3A_463 = arith.constant 0 : i32
      %dma_start3A_464 = arith.constant 256 : i32
      %dma_start3A_465 = tpu.memref_slice %arg7[%dma_start3A_463, %dma_start3A_464] : memref<8x1664xf32, #tpu.memory_space<vmem>> -> memref<8x128xf32, #tpu.memory_space<vmem>>
      %dma_start3A_466 = arith.constant 16 : i32
      %dma_start3A_467 = tpu.memref_slice %arg5[%add3A_444, %dma_start3A_466] : memref<64x128xi32, #tpu.memory_space<vmem>> -> memref<1x8xi32, #tpu.memory_space<vmem>>
      %dma_start3A_468 = tpu.memref_squeeze %dma_start3A_467 : memref<1x8xi32, #tpu.memory_space<vmem>> -> memref<8xi32, #tpu.memory_space<vmem>>
      %dma_start3A_469 = arith.constant 0 : i32
      %dma_start3A_470 = arith.constant 0 : i32
      %dma_start3A_471 = tpu.memref_slice %arg2[%dma_start3A_469, %dma_start3A_470] : memref<325000x128xf32, #tpu.memory_space<hbm>> -> memref<325000x128xf32, #tpu.memory_space<hbm>>
      tpu.enqueue_indirect_dma source(%dma_start3A_471 : memref<325000x128xf32, #tpu.memory_space<hbm>>) target(%dma_start3A_465 : memref<8x128xf32, #tpu.memory_space<vmem>>) offsets(%dma_start3A_468 : memref<8xi32, #tpu.memory_space<vmem>>) semaphore(%arg9 : memref<!tpu.dma_semaphore, #tpu.memory_space<semaphore_mem>>)
      %dma_start3A_472 = arith.constant 0 : i32
      %dma_start3A_473 = arith.constant 384 : i32
      %dma_start3A_474 = tpu.memref_slice %arg7[%dma_start3A_472, %dma_start3A_473] : memref<8x1664xf32, #tpu.memory_space<vmem>> -> memref<8x128xf32, #tpu.memory_space<vmem>>
      %dma_start3A_475 = arith.constant 24 : i32
      %dma_start3A_476 = tpu.memref_slice %arg5[%add3A_444, %dma_start3A_475] : memref<64x128xi32, #tpu.memory_space<vmem>> -> memref<1x8xi32, #tpu.memory_space<vmem>>
      %dma_start3A_477 = tpu.memref_squeeze %dma_start3A_476 : memref<1x8xi32, #tpu.memory_space<vmem>> -> memref<8xi32, #tpu.memory_space<vmem>>
      %dma_start3A_478 = arith.constant 0 : i32
      %dma_start3A_479 = arith.constant 0 : i32
      %dma_start3A_480 = tpu.memref_slice %arg2[%dma_start3A_478, %dma_start3A_479] : memref<325000x128xf32, #tpu.memory_space<hbm>> -> memref<325000x128xf32, #tpu.memory_space<hbm>>
      tpu.enqueue_indirect_dma source(%dma_start3A_480 : memref<325000x128xf32, #tpu.memory_space<hbm>>) target(%dma_start3A_474 : memref<8x128xf32, #tpu.memory_space<vmem>>) offsets(%dma_start3A_477 : memref<8xi32, #tpu.memory_space<vmem>>) semaphore(%arg9 : memref<!tpu.dma_semaphore, #tpu.memory_space<semaphore_mem>>)
      %dma_start3A_481 = arith.constant 0 : i32
      %dma_start3A_482 = arith.constant 512 : i32
      %dma_start3A_483 = tpu.memref_slice %arg7[%dma_start3A_481, %dma_start3A_482] : memref<8x1664xf32, #tpu.memory_space<vmem>> -> memref<8x128xf32, #tpu.memory_space<vmem>>
      %dma_start3A_484 = arith.constant 32 : i32
      %dma_start3A_485 = tpu.memref_slice %arg5[%add3A_444, %dma_start3A_484] : memref<64x128xi32, #tpu.memory_space<vmem>> -> memref<1x8xi32, #tpu.memory_space<vmem>>
      %dma_start3A_486 = tpu.memref_squeeze %dma_start3A_485 : memref<1x8xi32, #tpu.memory_space<vmem>> -> memref<8xi32, #tpu.memory_space<vmem>>
      %dma_start3A_487 = arith.constant 0 : i32
      %dma_start3A_488 = arith.constant 0 : i32
      %dma_start3A_489 = tpu.memref_slice %arg2[%dma_start3A_487, %dma_start3A_488] : memref<325000x128xf32, #tpu.memory_space<hbm>> -> memref<325000x128xf32, #tpu.memory_space<hbm>>
      tpu.enqueue_indirect_dma source(%dma_start3A_489 : memref<325000x128xf32, #tpu.memory_space<hbm>>) target(%dma_start3A_483 : memref<8x128xf32, #tpu.memory_space<vmem>>) offsets(%dma_start3A_486 : memref<8xi32, #tpu.memory_space<vmem>>) semaphore(%arg9 : memref<!tpu.dma_semaphore, #tpu.memory_space<semaphore_mem>>)
      %dma_start3A_490 = arith.constant 0 : i32
      %dma_start3A_491 = arith.constant 640 : i32
      %dma_start3A_492 = tpu.memref_slice %arg7[%dma_start3A_490, %dma_start3A_491] : memref<8x1664xf32, #tpu.memory_space<vmem>> -> memref<8x128xf32, #tpu.memory_space<vmem>>
      %dma_start3A_493 = arith.constant 40 : i32
      %dma_start3A_494 = tpu.memref_slice %arg5[%add3A_444, %dma_start3A_493] : memref<64x128xi32, #tpu.memory_space<vmem>> -> memref<1x8xi32, #tpu.memory_space<vmem>>
      %dma_start3A_495 = tpu.memref_squeeze %dma_start3A_494 : memref<1x8xi32, #tpu.memory_space<vmem>> -> memref<8xi32, #tpu.memory_space<vmem>>
      %dma_start3A_496 = arith.constant 0 : i32
      %dma_start3A_497 = arith.constant 0 : i32
      %dma_start3A_498 = tpu.memref_slice %arg2[%dma_start3A_496, %dma_start3A_497] : memref<325000x128xf32, #tpu.memory_space<hbm>> -> memref<325000x128xf32, #tpu.memory_space<hbm>>
      tpu.enqueue_indirect_dma source(%dma_start3A_498 : memref<325000x128xf32, #tpu.memory_space<hbm>>) target(%dma_start3A_492 : memref<8x128xf32, #tpu.memory_space<vmem>>) offsets(%dma_start3A_495 : memref<8xi32, #tpu.memory_space<vmem>>) semaphore(%arg9 : memref<!tpu.dma_semaphore, #tpu.memory_space<semaphore_mem>>)
      %dma_start3A_499 = arith.constant 0 : i32
      %dma_start3A_500 = arith.constant 768 : i32
      %dma_start3A_501 = tpu.memref_slice %arg7[%dma_start3A_499, %dma_start3A_500] : memref<8x1664xf32, #tpu.memory_space<vmem>> -> memref<8x128xf32, #tpu.memory_space<vmem>>
      %dma_start3A_502 = arith.constant 48 : i32
      %dma_start3A_503 = tpu.memref_slice %arg5[%add3A_444, %dma_start3A_502] : memref<64x128xi32, #tpu.memory_space<vmem>> -> memref<1x8xi32, #tpu.memory_space<vmem>>
      %dma_start3A_504 = tpu.memref_squeeze %dma_start3A_503 : memref<1x8xi32, #tpu.memory_space<vmem>> -> memref<8xi32, #tpu.memory_space<vmem>>
      %dma_start3A_505 = arith.constant 0 : i32
      %dma_start3A_506 = arith.constant 0 : i32
      %dma_start3A_507 = tpu.memref_slice %arg2[%dma_start3A_505, %dma_start3A_506] : memref<325000x128xf32, #tpu.memory_space<hbm>> -> memref<325000x128xf32, #tpu.memory_space<hbm>>
      tpu.enqueue_indirect_dma source(%dma_start3A_507 : memref<325000x128xf32, #tpu.memory_space<hbm>>) target(%dma_start3A_501 : memref<8x128xf32, #tpu.memory_space<vmem>>) offsets(%dma_start3A_504 : memref<8xi32, #tpu.memory_space<vmem>>) semaphore(%arg9 : memref<!tpu.dma_semaphore, #tpu.memory_space<semaphore_mem>>)
      %dma_start3A_508 = arith.constant 0 : i32
      %dma_start3A_509 = arith.constant 896 : i32
      %dma_start3A_510 = tpu.memref_slice %arg7[%dma_start3A_508, %dma_start3A_509] : memref<8x1664xf32, #tpu.memory_space<vmem>> -> memref<8x128xf32, #tpu.memory_space<vmem>>
      %dma_start3A_511 = arith.constant 56 : i32
      %dma_start3A_512 = tpu.memref_slice %arg5[%add3A_444, %dma_start3A_511] : memref<64x128xi32, #tpu.memory_space<vmem>> -> memref<1x8xi32, #tpu.memory_space<vmem>>
      %dma_start3A_513 = tpu.memref_squeeze %dma_start3A_512 : memref<1x8xi32, #tpu.memory_space<vmem>> -> memref<8xi32, #tpu.memory_space<vmem>>
      %dma_start3A_514 = arith.constant 0 : i32
      %dma_start3A_515 = arith.constant 0 : i32
      %dma_start3A_516 = tpu.memref_slice %arg2[%dma_start3A_514, %dma_start3A_515] : memref<325000x128xf32, #tpu.memory_space<hbm>> -> memref<325000x128xf32, #tpu.memory_space<hbm>>
      tpu.enqueue_indirect_dma source(%dma_start3A_516 : memref<325000x128xf32, #tpu.memory_space<hbm>>) target(%dma_start3A_510 : memref<8x128xf32, #tpu.memory_space<vmem>>) offsets(%dma_start3A_513 : memref<8xi32, #tpu.memory_space<vmem>>) semaphore(%arg9 : memref<!tpu.dma_semaphore, #tpu.memory_space<semaphore_mem>>)
      %dma_start3A_517 = arith.constant 0 : i32
      %dma_start3A_518 = arith.constant 1024 : i32
      %dma_start3A_519 = tpu.memref_slice %arg7[%dma_start3A_517, %dma_start3A_518] : memref<8x1664xf32, #tpu.memory_space<vmem>> -> memref<8x128xf32, #tpu.memory_space<vmem>>
      %dma_start3A_520 = arith.constant 64 : i32
      %dma_start3A_521 = tpu.memref_slice %arg5[%add3A_444, %dma_start3A_520] : memref<64x128xi32, #tpu.memory_space<vmem>> -> memref<1x8xi32, #tpu.memory_space<vmem>>
      %dma_start3A_522 = tpu.memref_squeeze %dma_start3A_521 : memref<1x8xi32, #tpu.memory_space<vmem>> -> memref<8xi32, #tpu.memory_space<vmem>>
      %dma_start3A_523 = arith.constant 0 : i32
      %dma_start3A_524 = arith.constant 0 : i32
      %dma_start3A_525 = tpu.memref_slice %arg2[%dma_start3A_523, %dma_start3A_524] : memref<325000x128xf32, #tpu.memory_space<hbm>> -> memref<325000x128xf32, #tpu.memory_space<hbm>>
      tpu.enqueue_indirect_dma source(%dma_start3A_525 : memref<325000x128xf32, #tpu.memory_space<hbm>>) target(%dma_start3A_519 : memref<8x128xf32, #tpu.memory_space<vmem>>) offsets(%dma_start3A_522 : memref<8xi32, #tpu.memory_space<vmem>>) semaphore(%arg9 : memref<!tpu.dma_semaphore, #tpu.memory_space<semaphore_mem>>)
      %dma_start3A_526 = arith.constant 0 : i32
      %dma_start3A_527 = arith.constant 1152 : i32
      %dma_start3A_528 = tpu.memref_slice %arg7[%dma_start3A_526, %dma_start3A_527] : memref<8x1664xf32, #tpu.memory_space<vmem>> -> memref<8x128xf32, #tpu.memory_space<vmem>>
      %dma_start3A_529 = arith.constant 72 : i32
      %dma_start3A_530 = tpu.memref_slice %arg5[%add3A_444, %dma_start3A_529] : memref<64x128xi32, #tpu.memory_space<vmem>> -> memref<1x8xi32, #tpu.memory_space<vmem>>
      %dma_start3A_531 = tpu.memref_squeeze %dma_start3A_530 : memref<1x8xi32, #tpu.memory_space<vmem>> -> memref<8xi32, #tpu.memory_space<vmem>>
      %dma_start3A_532 = arith.constant 0 : i32
      %dma_start3A_533 = arith.constant 0 : i32
      %dma_start3A_534 = tpu.memref_slice %arg2[%dma_start3A_532, %dma_start3A_533] : memref<325000x128xf32, #tpu.memory_space<hbm>> -> memref<325000x128xf32, #tpu.memory_space<hbm>>
      tpu.enqueue_indirect_dma source(%dma_start3A_534 : memref<325000x128xf32, #tpu.memory_space<hbm>>) target(%dma_start3A_528 : memref<8x128xf32, #tpu.memory_space<vmem>>) offsets(%dma_start3A_531 : memref<8xi32, #tpu.memory_space<vmem>>) semaphore(%arg9 : memref<!tpu.dma_semaphore, #tpu.memory_space<semaphore_mem>>)
      %dma_start3A_535 = arith.constant 0 : i32
      %dma_start3A_536 = arith.constant 1280 : i32
      %dma_start3A_537 = tpu.memref_slice %arg7[%dma_start3A_535, %dma_start3A_536] : memref<8x1664xf32, #tpu.memory_space<vmem>> -> memref<8x128xf32, #tpu.memory_space<vmem>>
      %dma_start3A_538 = arith.constant 80 : i32
      %dma_start3A_539 = tpu.memref_slice %arg5[%add3A_444, %dma_start3A_538] : memref<64x128xi32, #tpu.memory_space<vmem>> -> memref<1x8xi32, #tpu.memory_space<vmem>>
      %dma_start3A_540 = tpu.memref_squeeze %dma_start3A_539 : memref<1x8xi32, #tpu.memory_space<vmem>> -> memref<8xi32, #tpu.memory_space<vmem>>
      %dma_start3A_541 = arith.constant 0 : i32
      %dma_start3A_542 = arith.constant 0 : i32
      %dma_start3A_543 = tpu.memref_slice %arg2[%dma_start3A_541, %dma_start3A_542] : memref<325000x128xf32, #tpu.memory_space<hbm>> -> memref<325000x128xf32, #tpu.memory_space<hbm>>
      tpu.enqueue_indirect_dma source(%dma_start3A_543 : memref<325000x128xf32, #tpu.memory_space<hbm>>) target(%dma_start3A_537 : memref<8x128xf32, #tpu.memory_space<vmem>>) offsets(%dma_start3A_540 : memref<8xi32, #tpu.memory_space<vmem>>) semaphore(%arg9 : memref<!tpu.dma_semaphore, #tpu.memory_space<semaphore_mem>>)
      %dma_start3A_544 = arith.constant 0 : i32
      %dma_start3A_545 = arith.constant 1408 : i32
      %dma_start3A_546 = tpu.memref_slice %arg7[%dma_start3A_544, %dma_start3A_545] : memref<8x1664xf32, #tpu.memory_space<vmem>> -> memref<8x128xf32, #tpu.memory_space<vmem>>
      %dma_start3A_547 = arith.constant 88 : i32
      %dma_start3A_548 = tpu.memref_slice %arg5[%add3A_444, %dma_start3A_547] : memref<64x128xi32, #tpu.memory_space<vmem>> -> memref<1x8xi32, #tpu.memory_space<vmem>>
      %dma_start3A_549 = tpu.memref_squeeze %dma_start3A_548 : memref<1x8xi32, #tpu.memory_space<vmem>> -> memref<8xi32, #tpu.memory_space<vmem>>
      %dma_start3A_550 = arith.constant 0 : i32
      %dma_start3A_551 = arith.constant 0 : i32
      %dma_start3A_552 = tpu.memref_slice %arg2[%dma_start3A_550, %dma_start3A_551] : memref<325000x128xf32, #tpu.memory_space<hbm>> -> memref<325000x128xf32, #tpu.memory_space<hbm>>
      tpu.enqueue_indirect_dma source(%dma_start3A_552 : memref<325000x128xf32, #tpu.memory_space<hbm>>) target(%dma_start3A_546 : memref<8x128xf32, #tpu.memory_space<vmem>>) offsets(%dma_start3A_549 : memref<8xi32, #tpu.memory_space<vmem>>) semaphore(%arg9 : memref<!tpu.dma_semaphore, #tpu.memory_space<semaphore_mem>>)
      %dma_start3A_553 = arith.constant 0 : i32
      %dma_start3A_554 = arith.constant 1536 : i32
      %dma_start3A_555 = tpu.memref_slice %arg7[%dma_start3A_553, %dma_start3A_554] : memref<8x1664xf32, #tpu.memory_space<vmem>> -> memref<8x128xf32, #tpu.memory_space<vmem>>
      %dma_start3A_556 = arith.constant 96 : i32
      %dma_start3A_557 = tpu.memref_slice %arg5[%add3A_444, %dma_start3A_556] : memref<64x128xi32, #tpu.memory_space<vmem>> -> memref<1x8xi32, #tpu.memory_space<vmem>>
      %dma_start3A_558 = tpu.memref_squeeze %dma_start3A_557 : memref<1x8xi32, #tpu.memory_space<vmem>> -> memref<8xi32, #tpu.memory_space<vmem>>
      %dma_start3A_559 = arith.constant 0 : i32
      %dma_start3A_560 = arith.constant 0 : i32
      %dma_start3A_561 = tpu.memref_slice %arg2[%dma_start3A_559, %dma_start3A_560] : memref<325000x128xf32, #tpu.memory_space<hbm>> -> memref<325000x128xf32, #tpu.memory_space<hbm>>
      tpu.enqueue_indirect_dma source(%dma_start3A_561 : memref<325000x128xf32, #tpu.memory_space<hbm>>) target(%dma_start3A_555 : memref<8x128xf32, #tpu.memory_space<vmem>>) offsets(%dma_start3A_558 : memref<8xi32, #tpu.memory_space<vmem>>) semaphore(%arg9 : memref<!tpu.dma_semaphore, #tpu.memory_space<semaphore_mem>>)
    }
    %scan3A_267 = arith.constant 31 : i32
    %add3A_268 = arith.constant 62 : i32
    %add3A_269 = arith.addi %mul3A_2, %add3A_268 : i32
    %dma_wait3A = arith.constant 0 : i32
    %dma_wait3A_270 = arith.constant 0 : i32
    %dma_wait3A_271 = tpu.memref_slice %arg4[%add3A_269, %dma_wait3A, %dma_wait3A_270] : memref<2048x8x1664xf32, #tpu.memory_space<hbm>> -> memref<1x8x1664xf32, #tpu.memory_space<hbm>>
    %dma_wait3A_272 = tpu.memref_squeeze %dma_wait3A_271 : memref<1x8x1664xf32, #tpu.memory_space<hbm>> -> memref<8x1664xf32, #tpu.memory_space<hbm>>
    %dma_wait3A_273 = arith.constant 0 : i32
    %dma_wait3A_274 = arith.constant 0 : i32
    %dma_wait3A_275 = tpu.memref_slice %arg4[%add3A_269, %dma_wait3A_273, %dma_wait3A_274] : memref<2048x8x1664xf32, #tpu.memory_space<hbm>> -> memref<1x8x1664xf32, #tpu.memory_space<hbm>>
    %dma_wait3A_276 = tpu.memref_squeeze %dma_wait3A_275 : memref<1x8x1664xf32, #tpu.memory_space<hbm>> -> memref<8x1664xf32, #tpu.memory_space<hbm>>
    tpu.wait_dma2 semaphore(%arg8 : memref<!tpu.dma_semaphore, #tpu.memory_space<semaphore_mem>>) src(%dma_wait3A_276 : memref<8x1664xf32, #tpu.memory_space<hbm>>) dst(%arg6 : memref<8x1664xf32, #tpu.memory_space<vmem>>)
    %add3A_277 = arith.constant 62 : i32
    %add3A_278 = arith.addi %mul3A_2, %add3A_277 : i32
    "tpu.region"() ({
      %run_scoped3A = tpu.sem_alloc : memref<!tpu.dma_semaphore, #tpu.memory_space<semaphore_mem>>
      %dma_start3A_291 = arith.constant 0 : i32
      %dma_start3A_292 = arith.constant 0 : i32
      %dma_start3A_293 = tpu.memref_slice %arg4[%add3A_278, %dma_start3A_291, %dma_start3A_292] : memref<2048x8x1664xf32, #tpu.memory_space<hbm>> -> memref<1x8x1664xf32, #tpu.memory_space<hbm>>
      %dma_start3A_294 = tpu.memref_squeeze %dma_start3A_293 : memref<1x8x1664xf32, #tpu.memory_space<hbm>> -> memref<8x1664xf32, #tpu.memory_space<hbm>>
      %dma_start3A_295 = arith.constant 0 : i32
      %dma_start3A_296 = arith.constant 0 : i32
      %dma_start3A_297 = tpu.memref_slice %arg4[%add3A_278, %dma_start3A_295, %dma_start3A_296] : memref<2048x8x1664xf32, #tpu.memory_space<hbm>> -> memref<1x8x1664xf32, #tpu.memory_space<hbm>>
      %dma_start3A_298 = tpu.memref_squeeze %dma_start3A_297 : memref<1x8x1664xf32, #tpu.memory_space<hbm>> -> memref<8x1664xf32, #tpu.memory_space<hbm>>
      tpu.enqueue_dma source(%arg6 : memref<8x1664xf32, #tpu.memory_space<vmem>>) target(%dma_start3A_298 : memref<8x1664xf32, #tpu.memory_space<hbm>>) target_semaphore(%run_scoped3A : memref<!tpu.dma_semaphore, #tpu.memory_space<semaphore_mem>>)
      %dma_wait3A_299 = arith.constant 0 : i32
      %dma_wait3A_300 = arith.constant 0 : i32
      %dma_wait3A_301 = tpu.memref_slice %arg4[%add3A_278, %dma_wait3A_299, %dma_wait3A_300] : memref<2048x8x1664xf32, #tpu.memory_space<hbm>> -> memref<1x8x1664xf32, #tpu.memory_space<hbm>>
      %dma_wait3A_302 = tpu.memref_squeeze %dma_wait3A_301 : memref<1x8x1664xf32, #tpu.memory_space<hbm>> -> memref<8x1664xf32, #tpu.memory_space<hbm>>
      %dma_wait3A_303 = arith.constant 0 : i32
      %dma_wait3A_304 = arith.constant 0 : i32
      %dma_wait3A_305 = tpu.memref_slice %arg4[%add3A_278, %dma_wait3A_303, %dma_wait3A_304] : memref<2048x8x1664xf32, #tpu.memory_space<hbm>> -> memref<1x8x1664xf32, #tpu.memory_space<hbm>>
      %dma_wait3A_306 = tpu.memref_squeeze %dma_wait3A_305 : memref<1x8x1664xf32, #tpu.memory_space<hbm>> -> memref<8x1664xf32, #tpu.memory_space<hbm>>
      tpu.wait_dma2 semaphore(%run_scoped3A : memref<!tpu.dma_semaphore, #tpu.memory_space<semaphore_mem>>) src(%arg6 : memref<8x1664xf32, #tpu.memory_space<vmem>>) dst(%dma_wait3A_306 : memref<8x1664xf32, #tpu.memory_space<hbm>>)
      tpu.yield
    }) : () -> ()
    %add3A_279 = arith.constant 63 : i32
    %add3A_280 = arith.addi %mul3A_2, %add3A_279 : i32
    %dma_wait3A_281 = arith.constant 0 : i32
    %dma_wait3A_282 = arith.constant 0 : i32
    %dma_wait3A_283 = tpu.memref_slice %arg4[%add3A_280, %dma_wait3A_281, %dma_wait3A_282] : memref<2048x8x1664xf32, #tpu.memory_space<hbm>> -> memref<1x8x1664xf32, #tpu.memory_space<hbm>>
    %dma_wait3A_284 = tpu.memref_squeeze %dma_wait3A_283 : memref<1x8x1664xf32, #tpu.memory_space<hbm>> -> memref<8x1664xf32, #tpu.memory_space<hbm>>
    %dma_wait3A_285 = arith.constant 0 : i32
    %dma_wait3A_286 = arith.constant 0 : i32
    %dma_wait3A_287 = tpu.memref_slice %arg4[%add3A_280, %dma_wait3A_285, %dma_wait3A_286] : memref<2048x8x1664xf32, #tpu.memory_space<hbm>> -> memref<1x8x1664xf32, #tpu.memory_space<hbm>>
    %dma_wait3A_288 = tpu.memref_squeeze %dma_wait3A_287 : memref<1x8x1664xf32, #tpu.memory_space<hbm>> -> memref<8x1664xf32, #tpu.memory_space<hbm>>
    tpu.wait_dma2 semaphore(%arg9 : memref<!tpu.dma_semaphore, #tpu.memory_space<semaphore_mem>>) src(%dma_wait3A_288 : memref<8x1664xf32, #tpu.memory_space<hbm>>) dst(%arg7 : memref<8x1664xf32, #tpu.memory_space<vmem>>)
    %add3A_289 = arith.constant 63 : i32
    %add3A_290 = arith.addi %mul3A_2, %add3A_289 : i32
    "tpu.region"() ({
      %run_scoped3A = tpu.sem_alloc : memref<!tpu.dma_semaphore, #tpu.memory_space<semaphore_mem>>
      %dma_start3A_291 = arith.constant 0 : i32
      %dma_start3A_292 = arith.constant 0 : i32
      %dma_start3A_293 = tpu.memref_slice %arg4[%add3A_290, %dma_start3A_291, %dma_start3A_292] : memref<2048x8x1664xf32, #tpu.memory_space<hbm>> -> memref<1x8x1664xf32, #tpu.memory_space<hbm>>
      %dma_start3A_294 = tpu.memref_squeeze %dma_start3A_293 : memref<1x8x1664xf32, #tpu.memory_space<hbm>> -> memref<8x1664xf32, #tpu.memory_space<hbm>>
      %dma_start3A_295 = arith.constant 0 : i32
      %dma_start3A_296 = arith.constant 0 : i32
      %dma_start3A_297 = tpu.memref_slice %arg4[%add3A_290, %dma_start3A_295, %dma_start3A_296] : memref<2048x8x1664xf32, #tpu.memory_space<hbm>> -> memref<1x8x1664xf32, #tpu.memory_space<hbm>>
      %dma_start3A_298 = tpu.memref_squeeze %dma_start3A_297 : memref<1x8x1664xf32, #tpu.memory_space<hbm>> -> memref<8x1664xf32, #tpu.memory_space<hbm>>
      tpu.enqueue_dma source(%arg7 : memref<8x1664xf32, #tpu.memory_space<vmem>>) target(%dma_start3A_298 : memref<8x1664xf32, #tpu.memory_space<hbm>>) target_semaphore(%run_scoped3A : memref<!tpu.dma_semaphore, #tpu.memory_space<semaphore_mem>>)
      %dma_wait3A_299 = arith.constant 0 : i32
      %dma_wait3A_300 = arith.constant 0 : i32
      %dma_wait3A_301 = tpu.memref_slice %arg4[%add3A_290, %dma_wait3A_299, %dma_wait3A_300] : memref<2048x8x1664xf32, #tpu.memory_space<hbm>> -> memref<1x8x1664xf32, #tpu.memory_space<hbm>>
      %dma_wait3A_302 = tpu.memref_squeeze %dma_wait3A_301 : memref<1x8x1664xf32, #tpu.memory_space<hbm>> -> memref<8x1664xf32, #tpu.memory_space<hbm>>
      %dma_wait3A_303 = arith.constant 0 : i32
      %dma_wait3A_304 = arith.constant 0 : i32
      %dma_wait3A_305 = tpu.memref_slice %arg4[%add3A_290, %dma_wait3A_303, %dma_wait3A_304] : memref<2048x8x1664xf32, #tpu.memory_space<hbm>> -> memref<1x8x1664xf32, #tpu.memory_space<hbm>>
      %dma_wait3A_306 = tpu.memref_squeeze %dma_wait3A_305 : memref<1x8x1664xf32, #tpu.memory_space<hbm>> -> memref<8x1664xf32, #tpu.memory_space<hbm>>
      tpu.wait_dma2 semaphore(%run_scoped3A : memref<!tpu.dma_semaphore, #tpu.memory_space<semaphore_mem>>) src(%arg7 : memref<8x1664xf32, #tpu.memory_space<vmem>>) dst(%dma_wait3A_306 : memref<8x1664xf32, #tpu.memory_space<hbm>>)
      tpu.yield
    }) : () -> ()
    return
  }
}

module attributes {stable_mosaic.version = 14 : i64} {
  func.func @_reformat_body(%arg0: i32, %arg1: memref<1x32x100000xf32, #tpu.memory_space<vmem>>, %arg2: memref<25000x128xf32, #tpu.memory_space<vmem>>) attributes {dimension_semantics = [#tpu.dimension_semantics<arbitrary>], iteration_bounds = array<i64: 13>, scalar_prefetch = 0 : i64, scratch_operands = 0 : i64, tpu.core_type = #tpu.core_type<tc>, window_params = [{transform_indices = @transform_0, window_bounds = array<i64: 1, 32, 100000>}, {transform_indices = @transform_1, window_bounds = array<i64: 25000, 128>}]} {
    %get3A = arith.constant 0 : index
    %get3A_0 = arith.constant 0 : index
    %get3A_1 = arith.constant 0 : index
    %get3A_2 = vector.load %arg1[%get3A, %get3A_0, %get3A_1] : memref<1x32x100000xf32, #tpu.memory_space<vmem>>, vector<1x32x100000xf32>
    %get3A_3 = vector.shape_cast %get3A_2 : vector<1x32x100000xf32> to vector<32x100000xf32>
    %slice3A = vector.extract_strided_slice %get3A_3 {offsets = [0, 0], sizes = [32, 25000], strides = [1, 1]} : vector<32x100000xf32> to vector<32x25000xf32>
    %transpose3A = tpu.transpose %slice3A, [1, 0] : vector<32x25000xf32> -> vector<25000x32xf32>
    %swap3A = arith.constant 0 : index
    %swap3A_4 = arith.constant 0 : index
    %swap3A_5 = vector.load %arg2[%swap3A, %swap3A_4] : memref<25000x128xf32, #tpu.memory_space<vmem>>, vector<25000x32xf32>
    tpu.vector_store %arg2[%swap3A, %swap3A_4], %transpose3A {strides = array<i32>} : memref<25000x128xf32, #tpu.memory_space<vmem>>, vector<25000x32xf32>,
    %slice3A_6 = vector.extract_strided_slice %get3A_3 {offsets = [0, 25000], sizes = [32, 25000], strides = [1, 1]} : vector<32x100000xf32> to vector<32x25000xf32>
    %transpose3A_7 = tpu.transpose %slice3A_6, [1, 0] : vector<32x25000xf32> -> vector<25000x32xf32>
    %swap3A_8 = arith.constant 0 : index
    %swap3A_9 = arith.constant 32 : index
    %swap3A_10 = vector.load %arg2[%swap3A_8, %swap3A_9] : memref<25000x128xf32, #tpu.memory_space<vmem>>, vector<25000x32xf32>
    tpu.vector_store %arg2[%swap3A_8, %swap3A_9], %transpose3A_7 {strides = array<i32>} : memref<25000x128xf32, #tpu.memory_space<vmem>>, vector<25000x32xf32>,
    %slice3A_11 = vector.extract_strided_slice %get3A_3 {offsets = [0, 50000], sizes = [32, 25000], strides = [1, 1]} : vector<32x100000xf32> to vector<32x25000xf32>
    %transpose3A_12 = tpu.transpose %slice3A_11, [1, 0] : vector<32x25000xf32> -> vector<25000x32xf32>
    %swap3A_13 = arith.constant 0 : index
    %swap3A_14 = arith.constant 64 : index
    %swap3A_15 = vector.load %arg2[%swap3A_13, %swap3A_14] : memref<25000x128xf32, #tpu.memory_space<vmem>>, vector<25000x32xf32>
    tpu.vector_store %arg2[%swap3A_13, %swap3A_14], %transpose3A_12 {strides = array<i32>} : memref<25000x128xf32, #tpu.memory_space<vmem>>, vector<25000x32xf32>,
    %slice3A_16 = vector.extract_strided_slice %get3A_3 {offsets = [0, 75000], sizes = [32, 25000], strides = [1, 1]} : vector<32x100000xf32> to vector<32x25000xf32>
    %transpose3A_17 = tpu.transpose %slice3A_16, [1, 0] : vector<32x25000xf32> -> vector<25000x32xf32>
    %swap3A_18 = arith.constant 0 : index
    %swap3A_19 = arith.constant 96 : index
    %swap3A_20 = vector.load %arg2[%swap3A_18, %swap3A_19] : memref<25000x128xf32, #tpu.memory_space<vmem>>, vector<25000x32xf32>
    tpu.vector_store %arg2[%swap3A_18, %swap3A_19], %transpose3A_17 {strides = array<i32>} : memref<25000x128xf32, #tpu.memory_space<vmem>>, vector<25000x32xf32>,
    return
  }
  func.func @transform_0(%arg0: i32) -> (i32, i32, i32) {
    %add3A = arith.constant 0 : i32
    %add3A_0 = arith.addi %add3A, %arg0 : i32
    %c0_i32 = arith.constant 0 : i32
    %c0_i32_1 = arith.constant 0 : i32
    %c0_i32_2 = arith.constant 0 : i32
    return %add3A_0, %c0_i32, %c0_i32_1 : i32, i32, i32
  }
  func.func @transform_1(%arg0: i32) -> (i32, i32) {
    %c0_i32 = arith.constant 0 : i32
    %c0_i32_0 = arith.constant 0 : i32
    return %arg0, %c0_i32 : i32, i32
  }
}

module attributes {stable_mosaic.version = 14 : i64} {
  func.func @_reformat_body(%arg0: i32, %arg1: memref<1x32x100000xf32, #tpu.memory_space<vmem>>, %arg2: memref<25000x128xf32, #tpu.memory_space<vmem>>) attributes {dimension_semantics = [#tpu.dimension_semantics<arbitrary>], iteration_bounds = array<i64: 13>, scalar_prefetch = 0 : i64, scratch_operands = 0 : i64, tpu.core_type = #tpu.core_type<tc>, window_params = [{transform_indices = @transform_0, window_bounds = array<i64: 1, 32, 100000>}, {transform_indices = @transform_1, window_bounds = array<i64: 25000, 128>}]} {
    %get3A = arith.constant 0 : index
    %get3A_0 = arith.constant 0 : index
    %get3A_1 = arith.constant 0 : index
    %get3A_2 = vector.load %arg1[%get3A, %get3A_0, %get3A_1] : memref<1x32x100000xf32, #tpu.memory_space<vmem>>, vector<1x32x100000xf32>
    %get3A_3 = vector.shape_cast %get3A_2 : vector<1x32x100000xf32> to vector<32x100000xf32>
    %slice3A = vector.extract_strided_slice %get3A_3 {offsets = [0, 0], sizes = [32, 25000], strides = [1, 1]} : vector<32x100000xf32> to vector<32x25000xf32>
    %transpose3A = tpu.transpose %slice3A, [1, 0] : vector<32x25000xf32> -> vector<25000x32xf32>
    %swap3A = arith.constant 0 : index
    %swap3A_4 = arith.constant 0 : index
    %swap3A_5 = vector.load %arg2[%swap3A, %swap3A_4] : memref<25000x128xf32, #tpu.memory_space<vmem>>, vector<25000x32xf32>
    tpu.vector_store %arg2[%swap3A, %swap3A_4], %transpose3A {strides = array<i32>} : memref<25000x128xf32, #tpu.memory_space<vmem>>, vector<25000x32xf32>,
    %slice3A_6 = vector.extract_strided_slice %get3A_3 {offsets = [0, 25000], sizes = [32, 25000], strides = [1, 1]} : vector<32x100000xf32> to vector<32x25000xf32>
    %transpose3A_7 = tpu.transpose %slice3A_6, [1, 0] : vector<32x25000xf32> -> vector<25000x32xf32>
    %swap3A_8 = arith.constant 0 : index
    %swap3A_9 = arith.constant 32 : index
    %swap3A_10 = vector.load %arg2[%swap3A_8, %swap3A_9] : memref<25000x128xf32, #tpu.memory_space<vmem>>, vector<25000x32xf32>
    tpu.vector_store %arg2[%swap3A_8, %swap3A_9], %transpose3A_7 {strides = array<i32>} : memref<25000x128xf32, #tpu.memory_space<vmem>>, vector<25000x32xf32>,
    %slice3A_11 = vector.extract_strided_slice %get3A_3 {offsets = [0, 50000], sizes = [32, 25000], strides = [1, 1]} : vector<32x100000xf32> to vector<32x25000xf32>
    %transpose3A_12 = tpu.transpose %slice3A_11, [1, 0] : vector<32x25000xf32> -> vector<25000x32xf32>
    %swap3A_13 = arith.constant 0 : index
    %swap3A_14 = arith.constant 64 : index
    %swap3A_15 = vector.load %arg2[%swap3A_13, %swap3A_14] : memref<25000x128xf32, #tpu.memory_space<vmem>>, vector<25000x32xf32>
    tpu.vector_store %arg2[%swap3A_13, %swap3A_14], %transpose3A_12 {strides = array<i32>} : memref<25000x128xf32, #tpu.memory_space<vmem>>, vector<25000x32xf32>,
    %slice3A_16 = vector.extract_strided_slice %get3A_3 {offsets = [0, 75000], sizes = [32, 25000], strides = [1, 1]} : vector<32x100000xf32> to vector<32x25000xf32>
    %transpose3A_17 = tpu.transpose %slice3A_16, [1, 0] : vector<32x25000xf32> -> vector<25000x32xf32>
    %swap3A_18 = arith.constant 0 : index
    %swap3A_19 = arith.constant 96 : index
    %swap3A_20 = vector.load %arg2[%swap3A_18, %swap3A_19] : memref<25000x128xf32, #tpu.memory_space<vmem>>, vector<25000x32xf32>
    tpu.vector_store %arg2[%swap3A_18, %swap3A_19], %transpose3A_17 {strides = array<i32>} : memref<25000x128xf32, #tpu.memory_space<vmem>>, vector<25000x32xf32>,
    return
  }
  func.func @transform_0(%arg0: i32) -> (i32, i32, i32) {
    %add3A = arith.constant 13 : i32
    %add3A_0 = arith.addi %add3A, %arg0 : i32
    %c0_i32 = arith.constant 0 : i32
    %c0_i32_1 = arith.constant 0 : i32
    %c0_i32_2 = arith.constant 0 : i32
    return %add3A_0, %c0_i32, %c0_i32_1 : i32, i32, i32
  }
  func.func @transform_1(%arg0: i32) -> (i32, i32) {
    %c0_i32 = arith.constant 0 : i32
    %c0_i32_0 = arith.constant 0 : i32
    return %arg0, %c0_i32 : i32, i32
  }
}

module attributes {stable_mosaic.version = 14 : i64} {
  func.func @_mlp_body(%arg0: i32, %arg1: memref<512x1664xf32, #tpu.memory_space<vmem>>, %arg2: memref<512x1664xf32, #tpu.memory_space<vmem>>, %arg3: memref<512x26xi32, #tpu.memory_space<vmem>>, %arg4: memref<512x13xf32, #tpu.memory_space<vmem>>, %arg5: memref<1664x128xf32, #tpu.memory_space<vmem>>, %arg6: memref<1664x128xf32, #tpu.memory_space<vmem>>, %arg7: memref<13x128xf32, #tpu.memory_space<vmem>>, %arg8: memref<1x128xf32, #tpu.memory_space<vmem>>, %arg9: memref<128x1xf32, #tpu.memory_space<vmem>>, %arg10: memref<1x1xf32, #tpu.memory_space<vmem>>, %arg11: memref<512x1xf32, #tpu.memory_space<vmem>>) attributes {dimension_semantics = [#tpu.dimension_semantics<arbitrary>], iteration_bounds = array<i64: 32>, scalar_prefetch = 0 : i64, scratch_operands = 0 : i64, tpu.core_type = #tpu.core_type<tc>, window_params = [{transform_indices = @transform_0, window_bounds = array<i64: 512, 1664>}, {transform_indices = @transform_1, window_bounds = array<i64: 512, 1664>}, {transform_indices = @transform_2, window_bounds = array<i64: 512, 26>}, {transform_indices = @transform_3, window_bounds = array<i64: 512, 13>}, {pipeline_mode = #tpu.pipeline_mode<synchronous>, transform_indices = @transform_4, window_bounds = array<i64: 1664, 128>}, {pipeline_mode = #tpu.pipeline_mode<synchronous>, transform_indices = @transform_5, window_bounds = array<i64: 1664, 128>}, {pipeline_mode = #tpu.pipeline_mode<synchronous>, transform_indices = @transform_6, window_bounds = array<i64: 13, 128>}, {pipeline_mode = #tpu.pipeline_mode<synchronous>, transform_indices = @transform_7, window_bounds = array<i64: 1, 128>}, {pipeline_mode = #tpu.pipeline_mode<synchronous>, transform_indices = @transform_8, window_bounds = array<i64: 128, 1>}, {pipeline_mode = #tpu.pipeline_mode<synchronous>, transform_indices = @transform_9, window_bounds = array<i64: 1, 1>}, {transform_indices = @transform_10, window_bounds = array<i64: 512, 1>}]} {
    %get3A = arith.constant 0 : index
    %get3A_0 = arith.constant 0 : index
    %get3A_1 = vector.load %arg3[%get3A, %get3A_0] : memref<512x26xi32, #tpu.memory_space<vmem>>, vector<512x26xi32>
    %jit3A = arith.constant 25000 : i32
    %div3A = vector.broadcast %jit3A : i32 to vector<512x26xi32>
    %div3A_2 = arith.divsi %get3A_1, %div3A : vector<512x26xi32>
    %sign3A = arith.constant 0 : i32
    %sign3A_3 = vector.broadcast %sign3A : i32 to vector<512x26xi32>
    %sign3A_4 = arith.cmpi sgt, %get3A_1, %sign3A_3 : vector<512x26xi32>
    %sign3A_5 = arith.extui %sign3A_4 : vector<512x26xi1> to vector<512x26xi32>
    %sign3A_6 = arith.constant 0 : i32
    %sign3A_7 = vector.broadcast %sign3A_6 : i32 to vector<512x26xi32>
    %sign3A_8 = arith.cmpi slt, %get3A_1, %sign3A_7 : vector<512x26xi32>
    %sign3A_9 = arith.extui %sign3A_8 : vector<512x26xi1> to vector<512x26xi32>
    %sign3A_10 = arith.subi %sign3A_5, %sign3A_9 : vector<512x26xi32>
    %sign3A_11 = arith.constant 0 : i32
    %sign3A_12 = arith.cmpi sgt, %jit3A, %sign3A_11 : i32
    %sign3A_13 = arith.extui %sign3A_12 : i1 to i32
    %sign3A_14 = arith.constant 0 : i32
    %sign3A_15 = arith.cmpi slt, %jit3A, %sign3A_14 : i32
    %sign3A_16 = arith.extui %sign3A_15 : i1 to i32
    %sign3A_17 = arith.subi %sign3A_13, %sign3A_16 : i32
    %ne3A = vector.broadcast %sign3A_17 : i32 to vector<512x26xi32>
    %ne3A_18 = arith.cmpi ne, %sign3A_10, %ne3A : vector<512x26xi32>
    %rem3A = vector.broadcast %jit3A : i32 to vector<512x26xi32>
    %rem3A_19 = arith.remsi %get3A_1, %rem3A : vector<512x26xi32>
    %ne3A_20 = arith.constant 0 : i32
    %ne3A_21 = vector.broadcast %ne3A_20 : i32 to vector<512x26xi32>
    %ne3A_22 = arith.cmpi ne, %rem3A_19, %ne3A_21 : vector<512x26xi32>
    %and3A = arith.andi %ne3A_18, %ne3A_22 : vector<512x26xi1>
    %sub3A = arith.constant 1 : i32
    %sub3A_23 = vector.broadcast %sub3A : i32 to vector<512x26xi32>
    %sub3A_24 = arith.subi %div3A_2, %sub3A_23 : vector<512x26xi32>
    %select_n3A = arith.select %and3A, %sub3A_24, %div3A_2 : vector<512x26xi1>, vector<512x26xi32>
    %iota3A = tpu.iota {dimensions = array<i32: 1>} : vector<512x1664xi32>
    %jit3A_25 = arith.constant 128 : i32
    %eq3A = arith.constant 0 : i32
    %eq3A_26 = arith.cmpi eq, %jit3A_25, %eq3A : i32
    %jit3A_27 = arith.constant 1 : i32
    %select_n3A_28 = arith.select %eq3A_26, %jit3A_27, %jit3A_25 : i32
    %rem3A_29 = vector.broadcast %select_n3A_28 : i32 to vector<512x1664xi32>
    %rem3A_30 = arith.remsi %iota3A, %rem3A_29 : vector<512x1664xi32>
    %ne3A_31 = arith.constant 0 : i32
    %ne3A_32 = vector.broadcast %ne3A_31 : i32 to vector<512x1664xi32>
    %ne3A_33 = arith.cmpi ne, %rem3A_30, %ne3A_32 : vector<512x1664xi32>
    %lt3A = arith.constant 0 : i32
    %lt3A_34 = vector.broadcast %lt3A : i32 to vector<512x1664xi32>
    %lt3A_35 = arith.cmpi slt, %rem3A_30, %lt3A_34 : vector<512x1664xi32>
    %lt3A_36 = arith.constant 0 : i32
    %lt3A_37 = arith.cmpi slt, %select_n3A_28, %lt3A_36 : i32
    %ne3A_38 = vector.broadcast %lt3A_37 : i1 to vector<512x1664xi1>
    %ne3A_39 = vector.broadcast %ne3A_38 : vector<512x1664xi1> to vector<512x1664xi1>
    %ne3A_40 = arith.xori %lt3A_35, %ne3A_39 : vector<512x1664xi1>
    %and3A_41 = arith.andi %ne3A_40, %ne3A_33 : vector<512x1664xi1>
    %add3A = vector.broadcast %select_n3A_28 : i32 to vector<512x1664xi32>
    %add3A_42 = arith.addi %rem3A_30, %add3A : vector<512x1664xi32>
    %select_n3A_43 = arith.select %and3A_41, %add3A_42, %rem3A_30 : vector<512x1664xi1>, vector<512x1664xi32>
    %jit3A_44 = arith.constant 32 : i32
    %div3A_45 = vector.broadcast %jit3A_44 : i32 to vector<512x1664xi32>
    %div3A_46 = arith.divsi %select_n3A_43, %div3A_45 : vector<512x1664xi32>
    %sign3A_47 = arith.constant 0 : i32
    %sign3A_48 = vector.broadcast %sign3A_47 : i32 to vector<512x1664xi32>
    %sign3A_49 = arith.cmpi sgt, %select_n3A_43, %sign3A_48 : vector<512x1664xi32>
    %sign3A_50 = arith.extui %sign3A_49 : vector<512x1664xi1> to vector<512x1664xi32>
    %sign3A_51 = arith.constant 0 : i32
    %sign3A_52 = vector.broadcast %sign3A_51 : i32 to vector<512x1664xi32>
    %sign3A_53 = arith.cmpi slt, %select_n3A_43, %sign3A_52 : vector<512x1664xi32>
    %sign3A_54 = arith.extui %sign3A_53 : vector<512x1664xi1> to vector<512x1664xi32>
    %sign3A_55 = arith.subi %sign3A_50, %sign3A_54 : vector<512x1664xi32>
    %sign3A_56 = arith.constant 0 : i32
    %sign3A_57 = arith.cmpi sgt, %jit3A_44, %sign3A_56 : i32
    %sign3A_58 = arith.extui %sign3A_57 : i1 to i32
    %sign3A_59 = arith.constant 0 : i32
    %sign3A_60 = arith.cmpi slt, %jit3A_44, %sign3A_59 : i32
    %sign3A_61 = arith.extui %sign3A_60 : i1 to i32
    %sign3A_62 = arith.subi %sign3A_58, %sign3A_61 : i32
    %ne3A_63 = vector.broadcast %sign3A_62 : i32 to vector<512x1664xi32>
    %ne3A_64 = arith.cmpi ne, %sign3A_55, %ne3A_63 : vector<512x1664xi32>
    %rem3A_65 = vector.broadcast %jit3A_44 : i32 to vector<512x1664xi32>
    %rem3A_66 = arith.remsi %select_n3A_43, %rem3A_65 : vector<512x1664xi32>
    %ne3A_67 = arith.constant 0 : i32
    %ne3A_68 = vector.broadcast %ne3A_67 : i32 to vector<512x1664xi32>
    %ne3A_69 = arith.cmpi ne, %rem3A_66, %ne3A_68 : vector<512x1664xi32>
    %and3A_70 = arith.andi %ne3A_64, %ne3A_69 : vector<512x1664xi1>
    %sub3A_71 = arith.constant 1 : i32
    %sub3A_72 = vector.broadcast %sub3A_71 : i32 to vector<512x1664xi32>
    %sub3A_73 = arith.subi %div3A_46, %sub3A_72 : vector<512x1664xi32>
    %select_n3A_74 = arith.select %and3A_70, %sub3A_73, %div3A_46 : vector<512x1664xi1>, vector<512x1664xi32>
    %get3A_75 = arith.constant 0 : index
    %get3A_76 = arith.constant 0 : index
    %get3A_77 = vector.load %arg4[%get3A_75, %get3A_76] : memref<512x13xf32, #tpu.memory_space<vmem>>, vector<512x13xf32>
    %get3A_78 = arith.constant 0 : index
    %get3A_79 = arith.constant 0 : index
    %get3A_80 = vector.load %arg7[%get3A_78, %get3A_79] : memref<13x128xf32, #tpu.memory_space<vmem>>, vector<13x128xf32>
    %dot_general3A = arith.constant dense<0.000000e+00> : vector<512x128xf32>
    %dot_general3A_81 = tpu.matmul %get3A_77, %get3A_80, %dot_general3A {dimension_numbers = #tpu.dot_dimension_numbers<[1], [0], [0], [1], [0, 0, 1, 1], [], []>, transpose_lhs_hint = false} : vector<512x13xf32>, vector<13x128xf32>, vector<512x128xf32> -> vector<512x128xf32>
    %slice3A = vector.extract_strided_slice %select_n3A {offsets = [0, 0], sizes = [512, 13], strides = [1, 1]} : vector<512x26xi32> to vector<512x13xi32>
    %reshape3A = vector.shape_cast %slice3A : vector<512x13xi32> to vector<512x13x1xi32>
    %broadcast_in_dim3A = vector.shape_cast %reshape3A : vector<512x13x1xi32> to vector<512x13x1xi32>
    %broadcast_in_dim3A_82 = vector.broadcast %broadcast_in_dim3A : vector<512x13x1xi32> to vector<512x13x128xi32>
    %reshape3A_83 = vector.shape_cast %broadcast_in_dim3A_82 : vector<512x13x128xi32> to vector<512x1664xi32>
    %eq3A_84 = arith.cmpi eq, %select_n3A_74, %reshape3A_83 : vector<512x1664xi32>
    %get3A_85 = arith.constant 0 : index
    %get3A_86 = arith.constant 0 : index
    %get3A_87 = vector.load %arg1[%get3A_85, %get3A_86] : memref<512x1664xf32, #tpu.memory_space<vmem>>, vector<512x1664xf32>
    %jit3A_88 = arith.constant 0.000000e+00 : f32
    %broadcast_in_dim3A_89 = vector.broadcast %jit3A_88 : f32 to vector<512x1664xf32>
    %select_n3A_90 = arith.select %eq3A_84, %get3A_87, %broadcast_in_dim3A_89 : vector<512x1664xi1>, vector<512x1664xf32>
    %get3A_91 = arith.constant 0 : index
    %get3A_92 = arith.constant 0 : index
    %get3A_93 = vector.load %arg5[%get3A_91, %get3A_92] : memref<1664x128xf32, #tpu.memory_space<vmem>>, vector<1664x128xf32>
    %dot_general3A_94 = arith.constant dense<0.000000e+00> : vector<512x128xf32>
    %dot_general3A_95 = tpu.matmul %select_n3A_90, %get3A_93, %dot_general3A_94 {dimension_numbers = #tpu.dot_dimension_numbers<[1], [0], [0], [1], [0, 0, 1, 1], [], []>, transpose_lhs_hint = false} : vector<512x1664xf32>, vector<1664x128xf32>, vector<512x128xf32> -> vector<512x128xf32>
    %add3A_96 = arith.addf %dot_general3A_81, %dot_general3A_95 : vector<512x128xf32>
    %slice3A_97 = vector.extract_strided_slice %select_n3A {offsets = [0, 13], sizes = [512, 13], strides = [1, 1]} : vector<512x26xi32> to vector<512x13xi32>
    %reshape3A_98 = vector.shape_cast %slice3A_97 : vector<512x13xi32> to vector<512x13x1xi32>
    %broadcast_in_dim3A_99 = vector.shape_cast %reshape3A_98 : vector<512x13x1xi32> to vector<512x13x1xi32>
    %broadcast_in_dim3A_100 = vector.broadcast %broadcast_in_dim3A_99 : vector<512x13x1xi32> to vector<512x13x128xi32>
    %reshape3A_101 = vector.shape_cast %broadcast_in_dim3A_100 : vector<512x13x128xi32> to vector<512x1664xi32>
    %eq3A_102 = arith.cmpi eq, %select_n3A_74, %reshape3A_101 : vector<512x1664xi32>
    %get3A_103 = arith.constant 0 : index
    %get3A_104 = arith.constant 0 : index
    %get3A_105 = vector.load %arg2[%get3A_103, %get3A_104] : memref<512x1664xf32, #tpu.memory_space<vmem>>, vector<512x1664xf32>
    %jit3A_106 = arith.constant 0.000000e+00 : f32
    %broadcast_in_dim3A_107 = vector.broadcast %jit3A_106 : f32 to vector<512x1664xf32>
    %select_n3A_108 = arith.select %eq3A_102, %get3A_105, %broadcast_in_dim3A_107 : vector<512x1664xi1>, vector<512x1664xf32>
    %get3A_109 = arith.constant 0 : index
    %get3A_110 = arith.constant 0 : index
    %get3A_111 = vector.load %arg6[%get3A_109, %get3A_110] : memref<1664x128xf32, #tpu.memory_space<vmem>>, vector<1664x128xf32>
    %dot_general3A_112 = arith.constant dense<0.000000e+00> : vector<512x128xf32>
    %dot_general3A_113 = tpu.matmul %select_n3A_108, %get3A_111, %dot_general3A_112 {dimension_numbers = #tpu.dot_dimension_numbers<[1], [0], [0], [1], [0, 0, 1, 1], [], []>, transpose_lhs_hint = false} : vector<512x1664xf32>, vector<1664x128xf32>, vector<512x128xf32> -> vector<512x128xf32>
    %add3A_114 = arith.addf %add3A_96, %dot_general3A_113 : vector<512x128xf32>
    %get3A_115 = arith.constant 0 : index
    %get3A_116 = arith.constant 0 : index
    %get3A_117 = vector.load %arg8[%get3A_115, %get3A_116] : memref<1x128xf32, #tpu.memory_space<vmem>>, vector<1x128xf32>
    %add3A_118 = vector.broadcast %get3A_117 : vector<1x128xf32> to vector<512x128xf32>
    %add3A_119 = arith.addf %add3A_114, %add3A_118 : vector<512x128xf32>
    %max3A = arith.constant 0.000000e+00 : f32
    %max3A_120 = vector.broadcast %max3A : f32 to vector<512x128xf32>
    %max3A_121 = arith.maximumf %add3A_119, %max3A_120 : vector<512x128xf32>
    %get3A_122 = arith.constant 0 : index
    %get3A_123 = arith.constant 0 : index
    %get3A_124 = vector.load %arg9[%get3A_122, %get3A_123] : memref<128x1xf32, #tpu.memory_space<vmem>>, vector<128x1xf32>
    %dot_general3A_125 = arith.constant dense<0.000000e+00> : vector<512x1xf32>
    %dot_general3A_126 = tpu.matmul %max3A_121, %get3A_124, %dot_general3A_125 {dimension_numbers = #tpu.dot_dimension_numbers<[1], [0], [0], [1], [0, 0, 1, 1], [], []>, transpose_lhs_hint = false} : vector<512x128xf32>, vector<128x1xf32>, vector<512x1xf32> -> vector<512x1xf32>
    %get3A_127 = arith.constant 0 : index
    %get3A_128 = arith.constant 0 : index
    %get3A_129 = vector.load %arg10[%get3A_127, %get3A_128] : memref<1x1xf32, #tpu.memory_space<vmem>>, vector<1x1xf32>
    %add3A_130 = vector.broadcast %get3A_129 : vector<1x1xf32> to vector<512x1xf32>
    %add3A_131 = arith.addf %dot_general3A_126, %add3A_130 : vector<512x1xf32>
    %logistic3A = arith.negf %add3A_131 : vector<512x1xf32>
    %logistic3A_132 = math.exp %logistic3A : vector<512x1xf32>
    %logistic3A_133 = arith.constant 1.000000e+00 : f32
    %logistic3A_134 = vector.broadcast %logistic3A_133 : f32 to vector<512x1xf32>
    %logistic3A_135 = arith.addf %logistic3A_134, %logistic3A_132 : vector<512x1xf32>
    %logistic3A_136 = arith.divf %logistic3A_134, %logistic3A_135 : vector<512x1xf32>
    %swap3A = arith.constant 0 : index
    %swap3A_137 = arith.constant 0 : index
    %swap3A_138 = vector.load %arg11[%swap3A, %swap3A_137] : memref<512x1xf32, #tpu.memory_space<vmem>>, vector<512x1xf32>
    tpu.vector_store %arg11[%swap3A, %swap3A_137], %logistic3A_136 {strides = array<i32>} : memref<512x1xf32, #tpu.memory_space<vmem>>, vector<512x1xf32>,
    return
  }
  func.func @transform_0(%arg0: i32) -> (i32, i32) {
    %c0_i32 = arith.constant 0 : i32
    %c0_i32_0 = arith.constant 0 : i32
    return %arg0, %c0_i32 : i32, i32
  }
  func.func @transform_1(%arg0: i32) -> (i32, i32) {
    %c0_i32 = arith.constant 0 : i32
    %c0_i32_0 = arith.constant 0 : i32
    return %arg0, %c0_i32 : i32, i32
  }
  func.func @transform_2(%arg0: i32) -> (i32, i32) {
    %c0_i32 = arith.constant 0 : i32
    %c0_i32_0 = arith.constant 0 : i32
    return %arg0, %c0_i32 : i32, i32
  }
  func.func @transform_3(%arg0: i32) -> (i32, i32) {
    %c0_i32 = arith.constant 0 : i32
    %c0_i32_0 = arith.constant 0 : i32
    return %arg0, %c0_i32 : i32, i32
  }
  func.func @transform_4(%arg0: i32) -> (i32, i32) {
    %c0_i32 = arith.constant 0 : i32
    %c0_i32_0 = arith.constant 0 : i32
    %c0_i32_1 = arith.constant 0 : i32
    return %c0_i32, %c0_i32_0 : i32, i32
  }
  func.func @transform_5(%arg0: i32) -> (i32, i32) {
    %c0_i32 = arith.constant 0 : i32
    %c0_i32_0 = arith.constant 0 : i32
    %c0_i32_1 = arith.constant 0 : i32
    return %c0_i32, %c0_i32_0 : i32, i32
  }
  func.func @transform_6(%arg0: i32) -> (i32, i32) {
    %c0_i32 = arith.constant 0 : i32
    %c0_i32_0 = arith.constant 0 : i32
    %c0_i32_1 = arith.constant 0 : i32
    return %c0_i32, %c0_i32_0 : i32, i32
  }
  func.func @transform_7(%arg0: i32) -> (i32, i32) {
    %c0_i32 = arith.constant 0 : i32
    %c0_i32_0 = arith.constant 0 : i32
    %c0_i32_1 = arith.constant 0 : i32
    return %c0_i32, %c0_i32_0 : i32, i32
  }
  func.func @transform_8(%arg0: i32) -> (i32, i32) {
    %c0_i32 = arith.constant 0 : i32
    %c0_i32_0 = arith.constant 0 : i32
    %c0_i32_1 = arith.constant 0 : i32
    return %c0_i32, %c0_i32_0 : i32, i32
  }
  func.func @transform_9(%arg0: i32) -> (i32, i32) {
    %c0_i32 = arith.constant 0 : i32
    %c0_i32_0 = arith.constant 0 : i32
    %c0_i32_1 = arith.constant 0 : i32
    return %c0_i32, %c0_i32_0 : i32, i32
  }
  func.func @transform_10(%arg0: i32) -> (i32, i32) {
    %c0_i32 = arith.constant 0 : i32
    %c0_i32_0 = arith.constant 0 : i32
    return %arg0, %c0_i32 : i32, i32
  }
}

</mosaic_0001>

<sc_bundles>
// kernel: kernel.10.cloned.1.call-start
scs
__scs_entry_jumppad:
0x0: {  	(pc) =	sbr.rel $0x88, $3  }
0x1: {  	(tag) =	ssettag $0x0;
	lr =	simm.s32 $0x1  }
0x2: {  	[smem:$0x3F9A] =	sst lr;
	_ =	strace $0xD0000000  }
0x3: {  	_ = 	snop  }
0x4: {  	_ = 	snop  }
0x5: {  	_ = 	snop  }
0x6: {  	_ = 	snop  }
0x7: {  	_ = 	snop  }
__scs_overlays_trampoline_lowered:
0x8: {  	[smem:$0x3FA9] =	sst s0  }
0x9: {  	[smem:$0x3FAA] =	sst s1  }
0xa: {  	[smem:$0x3FAB] =	sst s2  }
0xb: {  	[smem:$0x3FAC] =	sst s3  }
0xc: {  	[smem:$0x3FAD] =	sst s4  }
0xd: {  	[smem:$0x3FAE] =	sst s5  }
0xe: {  	[smem:$0x3FAF] =	sst s6  }
0xf: {  	[smem:$0x3FB0] =	sst s7  }
0x10: {  	[smem:$0x3FB1] =	sst s8  }
0x11: {  	[smem:$0x3FB2] =	sst s9;
	s0 =	simm.s32 @!p0 $0x0  }
0x12: {  	s1 =	sld [smem:$0x3F98];
	s0 =	simm.s32 @p0 $0x1  }
0x13: {  	[smem:$0x3FB3] =	sst s0;
	s0 =	simm.s32 @!p1 $0x0  }
0x14: {  	s2 =	sld [smem:$0x3F97];
	s0 =	simm.s32 @p1 $0x1  }
0x15: {  	[smem:$0x3FB4] =	sst s0;
	s0 =	simm.s32 @!p2 $0x0  }
0x16: {  	s3 =	sld [smem:$0x3FDB];
	s0 =	simm.s32 @p2 $0x1  }
0x17: {  	s4 =	simm.s32 $0x1BF5;
	[smem:$0x3FB6] =	sst s0  }
0x18: {  	s0 =	sld [smem:$0x3F99];
	_ =	swait.ge [sflag:s4], $0x0  }
0x19: {  	s7 =	sld [smem:$0x3F9A]  }
0x1a: {  	s8 =	sadd.s32 $0xFFFFE003, lr  }
0x1b: {  	s9 =	sadd.s32 $0xFFFFFEF7, lr;
	s5 =	simm.s32 $0xFFFFFFFF;
	p2 =	slt.u32 s8, $0xFFFFF086  }
0x1c: {  	p1 =	slt.u32 s9, $0xF7A;
	s5 =	simm.s32 @!p2 $0x0  }
0x1d: {  	s5 =	simm.s32 @p1 $0x1;
	p0 =	seq.s32 s7, s2  }
0x1e: {  	s7 =	smul.u32 @!p0 $0xF7A, s2;
	p2 =	seq.s32 @!p0 s5, $0x0  }
0x1f: {  	s9 =	smul.u32 $0xF7A, s1;
	s8 =	simm.s32 @!p0 $0x1BF5;
	p2 =	por !p2, p0  }
0x20: {  	[sflag:s8] =	ssyncset.s32 @!p0 $0xFFFFF086;
	s6 =	sadd.s32 @!p0 s3, s7;
	s7 =	simm.s32 @!p0 $0x108  }
0x21: {  	s3 =	sadd.s32 s3, s9;
	s6 =	sadd.s32 @!p0 $0x88, s6;
	s7 =	simm.s32 @p2 $0x1082  }
0x22: {  	[simem:s7], [sflag:s8] =	dma.local @!p0 [hbm:s6], $0xF7A  }
0x23: {  	s9 =	sor.u32 $0xD0000000, s2;
	s6 =	simm.s32 $0x108;
	_ =	swait.ge @!p0 [sflag:s8], $0x0  }
0x24: {  	s3 =	sadd.s32 $0x88, s3;
	s6 =	simm.s32 @!p1 $0x1082;
	[sflag:s4] =	ssyncset.s32 $0xFFFFF086  }
0x25: {  	[simem:s6], [sflag:s4] =	dma.local [hbm:s3], $0xF7A  }
0x26: {  	[smem:$0x3F9A] =	sst s1;
	(tag) =	ssettag s2;
	_ =	strace s9  }
0x27: {  	s1 =	sld [smem:$0x3FAA]  }
0x28: {  	s2 =	sld [smem:$0x3FAB]  }
0x29: {  	s4 =	sld [smem:$0x3FAD]  }
0x2a: {  	p0 =	seq.s32 s5, $0x0;
	s5 =	sld [smem:$0x3FAE]  }
0x2b: {  	s6 =	sld [smem:$0x3FAF]  }
0x2c: {  	s7 =	sld [smem:$0x3FB0]  }
0x2d: {  	s3 =	simm.s32 $0x108;
	s8 =	sld [smem:$0x3FB1]  }
0x2e: {  	s3 =	simm.s32 @!p0 $0x1082;
	s9 =	sld [smem:$0x3FB2]  }
0x2f: {  	lr =	sadd.s32 s0, s3;
	s0 =	sld [smem:$0x3FA9]  }
0x30: {  	s3 =	sld [smem:$0x3FAC]  }
0x31: {  	[smem:$0x3FB5] =	sst s10  }
0x32: {  	s10 =	sld [smem:$0x3FB3];
	_ =	sdelay $0x3  }
0x33: {  	p0 =	seq.s32 s10, $0x1;
	s10 =	sld [smem:$0x3FB5];
	_ =	sdelay $0x3  }
0x34: {  	[smem:$0x3FB5] =	sst s10  }
0x35: {  	s10 =	sld [smem:$0x3FB4];
	_ =	sdelay $0x3  }
0x36: {  	p1 =	seq.s32 s10, $0x1;
	s10 =	sld [smem:$0x3FB5];
	_ =	sdelay $0x3  }
0x37: {  	[smem:$0x3FB5] =	sst s10  }
0x38: {  	s10 =	sld [smem:$0x3FB6]  }
0x39: {  	_ = 	snop;
	(pc) =	sbr.ind lr, $3  }
0x3a: {  	_ = 	snop  }
0x3b: {  	_ = 	snop  }
0x3c: {  	p2 =	seq.s32 s10, $0x1;
	s10 =	sld [smem:$0x3FB5]  }
0x3d: {  	_ =	shalt  }
0x3e: {  	_ =	shalt  }
0x3f: {  	_ =	shalt  }
0x40: {  	_ =	shalt  }
0x41: {  	_ =	shalt  }
0x42: {  	_ =	shalt  }
0x43: {  	_ =	shalt  }
0x44: {  	_ =	shalt  }
0x45: {  	_ =	shalt  }
0x46: {  	_ =	shalt  }
0x47: {  	_ =	shalt  }
0x48: {  	_ =	shalt  }
0x49: {  	_ =	shalt  }
0x4a: {  	_ =	shalt  }
0x4b: {  	_ =	shalt  }
0x4c: {  	_ =	shalt  }
0x4d: {  	_ =	shalt  }
0x4e: {  	_ =	shalt  }
0x4f: {  	_ =	shalt  }
0x50: {  	_ =	shalt  }
0x51: {  	_ =	shalt  }
0x52: {  	_ =	shalt  }
0x53: {  	_ =	shalt  }
0x54: {  	_ =	shalt  }
0x55: {  	_ =	shalt  }
0x56: {  	_ =	shalt  }
0x57: {  	_ =	shalt  }
0x58: {  	_ =	shalt  }
0x59: {  	_ =	shalt  }
0x5a: {  	_ =	shalt  }
0x5b: {  	_ =	shalt  }
0x5c: {  	_ =	shalt  }
0x5d: {  	_ =	shalt  }
0x5e: {  	_ =	shalt  }
0x5f: {  	_ =	shalt  }
0x60: {  	_ =	shalt  }
0x61: {  	_ =	shalt  }
0x62: {  	_ =	shalt  }
0x63: {  	_ =	shalt  }
0x64: {  	_ =	shalt  }
0x65: {  	_ =	shalt  }
0x66: {  	_ =	shalt  }
0x67: {  	_ =	shalt  }
0x68: {  	_ =	shalt  }
0x69: {  	_ =	shalt  }
0x6a: {  	_ =	shalt  }
0x6b: {  	_ =	shalt  }
0x6c: {  	_ =	shalt  }
0x6d: {  	_ =	shalt  }
0x6e: {  	_ =	shalt  }
0x6f: {  	_ =	shalt  }
0x70: {  	_ =	shalt  }
0x71: {  	_ =	shalt  }
0x72: {  	_ =	shalt  }
0x73: {  	_ =	shalt  }
0x74: {  	_ =	shalt  }
0x75: {  	_ =	shalt  }
0x76: {  	_ =	shalt  }
0x77: {  	_ =	shalt  }
0x78: {  	_ =	shalt  }
0x79: {  	_ =	shalt  }
0x7a: {  	_ =	shalt  }
0x7b: {  	_ =	shalt  }
0x7c: {  	_ =	shalt  }
0x7d: {  	_ =	shalt  }
0x7e: {  	_ =	shalt  }
0x7f: {  	_ =	shalt  }
0x80: {  	_ =	shalt  }
0x81: {  	_ =	shalt  }
0x82: {  	_ =	shalt  }
0x83: {  	_ =	shalt  }
0x84: {  	_ =	shalt  }
0x85: {  	_ =	shalt  }
0x86: {  	_ =	shalt  }
0x87: {  	_ =	shalt  }
.Lfunc_end0:
.L_simem_size_0:
called_computation.1_lowered:
.L_overlay_start_0:
0x88: {  	s2 =	sld [smem:$0x3FD9]  }
0x89: {  	s3 =	sld [smem:$0x3FFE];
	_ =	sdelay $0x1  }
0x8a: {  	s1 =	srdreg.scid  }
0x8b: {  	s0 =	sand.u32 $0x1, s1  }
0x8c: {  	s17 =	sshll.u32 s0, $0xA;
	s2 =	sadd.s32 s3, s2  }
0x8d: {  	s2 =	sadd.s32 s2, s17  }
0x8e: {  	[smem:$0x3FC1] =	sst s2  }
0x8f: {  	_ = 	snop  }
0x90: {  	(tm) =	ssettm $0x1  }
0x91: {  	s18 =	sld [smem:$0x3FFB];
	_ =	sdelay $0x3  }
0x92: {  	_ =	strace s18  }
0x93: {  	s2 =	sld [smem:$0x3FFC];
	_ =	sdelay $0x3  }
0x94: {  	_ =	strace s2  }
0x95: {  	s2 =	sld [smem:$0x3FFD];
	_ =	sdelay $0x3  }
0x96: {  	_ =	strace s2  }
0x97: {  	_ =	strace $0x8FFFFFFF  }
0x98: {  	s19 =	sld [smem:$0x3FDB];
	_ =	sdelay $0x1  }
0x99: {  	s20 =	simm.s32 $_scs_section_size  }
0x9a: {  	s4 =	simm.s32 $_size__tile_overlayer_lowered;
	s5 =	simm.s32 $_tile_overlayer_lowered  }
0x9b: {  	s6 =	simm.s32 $0x1BFF;
	s21 =	sshll.u32 s5, $0x1;
	s3 =	sadd.s32 s20, s19  }
0x9c: {  	s22 =	simm.s32 $0x0;
	s4 =	sshll.u32 s4, $0x1;
	s5 =	sadd.s32 s21, s3  }
0x9d: {  	[timem:s22], [sflag:s6] =	dma.local [hbm:s5], s4  }
0x9e: {  	_ =	swait.ge [sflag:s6], s4  }
0x9f: {  	s4 =	ssub.s32 $0x0, s4;
	[sflag:s6] =	ssyncset.done $0x0  }
0xa0: {  	[sflag:s6] =	ssyncadd.s32 s4;
	_ =	sdelay $0x1  }
0xa1: {  	s23 =	simm.s32 $0x1B8B  }
0xa2: {  	_ =	swait.ge [sflag:s23], $0x1  }
0xa3: {  	[sflag:s23] =	ssyncset.done $0x0  }
0xa4: {  	[sflag:s23] =	ssyncadd.s32 $0xFFFFFFFF  }
0xa5: {  	s4 =	sld [smem:$0x0]  }
0xa6: {  	s5 =	sand.u32 $0xFFFFFFFE, s1  }
0xa7: {  	p0 =	sne.s32 s1, s5  }
0xa8: {  	s5 =	sshll.u32 @p0 s5, $0xE  }
0xa9: {  	s5 =	sadd.s32 @p0 $0x11B8D, s5;
	s6 =	sshll.u32 @p0 s4, $0x11  }
0xaa: {  	s5 =	sor.u32 @p0 s6, s5  }
0xab: {  	[sflag:s5] =	ssyncadd.remote.s32 @p0 $0x1;
	_ =	sdelay $0x1  }
0xac: {  	s5 =	simm.s32 @p0 $0x1B8D  }
0xad: {  	_ =	swait.eq @p0 [sflag:s5], $0x1  }
0xae: {  	[sflag:s5] =	ssyncadd.s32 @p0 $0xFFFFFFFF  }
0xaf: {  	s6 =	sshll.u32 @!p0 s1, $0xE  }
0xb0: {  	s6 =	sor.u32 @!p0 $0x4000, s6;
	s5 =	simm.s32 @!p0 $0x1B8D  }
0xb1: {  	s4 =	sshll.u32 @!p0 s4, $0x11;
	s6 =	sadd.s32 @!p0 $0x11B8D, s6;
	_ =	swait.eq @!p0 [sflag:s5], $0x1  }
0xb2: {  	s4 =	sor.u32 @!p0 s4, s6;
	[sflag:s5] =	ssyncadd.s32 @!p0 $0xFFFFFFFF  }
0xb3: {  	s25 =	simm.s32 $0x1B8E;
	s24 =	sld [smem:$0x3FFE];
	[sflag:s4] =	ssyncadd.remote.s32 @!p0 $0x1  }
0xb4: {  	s26 =	simm.s32 $execute0_lowered;
	[smem:$0x3FD2] =	sst s25  }
0xb5: {  	s5 =	sshll.u32 s26, $0x1;
	_ =	strace $0x80000049;
	[dreg:$0x1] =	wrdreg $0xFFFFFFFF  }
0xb6: {  	s28 =	simm.s32 $_size_execute0_lowered;
	s3 =	sadd.s32 s3, s5;
	[dreg:$0x0] =	wrdreg $0x0  }
0xb7: {  	s5 =	sshll.u32 s28, $0x1;
	[dreg:$0x2] =	wrdreg s3  }
0xb8: {  	[dreg:$0x3] =	wrdreg s5  }
0xb9: {  	[dreg:$0x4] =	wrdreg $0xC0  }
0xba: {  	_ =	task [dreg:s22], $0x5FFFF  }
0xbb: {  	[dreg:$0x1] =	wrdreg $0xFFFFFFFF  }
0xbc: {  	[dreg:$0x0] =	wrdreg $0x60  }
0xbd: {  	[dreg:$0x2] =	wrdreg s24  }
0xbe: {  	[dreg:$0x3] =	wrdreg $0xA  }
0xbf: {  	_ =	task.clear_ibuf [dreg:s22], $0x4FFFF;
	_ =	strace $0x90000049  }
0xc0: {  	s29 =	simm.s32 $0xA;
	_ =	strace $0x8000004B  }
0xc1: {  	_ =	swait.ge [sflag:s29], $0x1  }
0xc2: {  	[sflag:s29] =	ssyncadd.s32 $0xFFFFFFFF  }
0xc3: {  	_ =	strace $0x9000004B  }
0xc4: {  	_ =	sfence  }
0xc5: {  	s30 =	sld [smem:$0x0];
	_ =	sdelay $0x2  }
0xc6: {  	s31 =	sshll.u32 s1, $0xD;
	s1 =	sshrl.u32 s1, $0x2  }
0xc7: {  	s4 =	sand.u32 $0x4000, s31;
	s1 =	sadd.s32 s1, s30  }
0xc8: {  	s0 =	sor.u32 s4, s0;
	s1 =	sshll.u32 s1, $0x11  }
0xc9: {  	s0 =	sor.u32 s1, s0  }
0xca: {  	s0 =	sadd.s32 $0x8F2B, s0  }
0xcb: {  	[sflag:s0] =	ssyncadd.remote.s32 $0x1  }
0xcc: {  	_ =	sfence.sel $0xFFFF  }
0xcd: {  	[dreg:$0x0] =	wrdreg $0xFFFFFFFF;
	(pc) =	sbr.abs _section_cstart, $3  }
0xce: {  	[dreg:$0x1] =	wrdreg $0xFFFFFFFF  }
0xcf: {  	_ =	task.clear_ibuf [dreg:s22], $0x2FFFF;
	_ =	strace $0x9FFFFFFF  }
0xd0: {  	(tm) =	ssettm $0x7FFFFFFF  }
0xd1: {  	_ =	shalt  }
tec
execute0_lowered:
.L_overlay_start_1:
0x0: {  	(tag) =	ssettag $0x1  }
0x1: {  	s0 =	rddreg [dreg:$0x0]  }
0x2: {  	s1 =	srdreg.scid;
	s2 =	simm.s32 $0x0;
	s8 =	stileid.u32  }
0x3: {  	s9 =	simm.s32 $0x3;
	s10 =	simm.s32 $0x8;
	s18 =	simm.s32 $0x2400  }
0x4: {  	s20 =	simm.s32 $0x2800;
	s22 =	simm.s32 $0x2C00;
	s24 =	simm.s32 $0x3000  }
0x5: {  	s15 =	simm.s32 $0x3C00;
	s23 =	simm.s32 $0x4000;
	s28 =	simm.s32 $0x4400  }
0x6: {  	s17 =	simm.s32 $0x4C00;
	s19 =	simm.s32 $0x5400;
	s13 =	simm.s32 $0x5800  }
0x7: {  	s29 =	simm.s32 $0x5C00;
	s21 =	simm.s32 $0x6000;
	s31 =	simm.s32 $0x7800  }
0x8: {  	s16 =	simm.s32 $0x7C00;
	s12 =	simm.s32 $0x2;
	s11 =	simm.s32 $0x0  }
0x9: {  	s1 =	sand.u32 $0x1, s1;
	[smem:$0x7FF] =	sst s2;
	s4 =	sshll.u32 s8, $0x7  }
0xa: {  	s3 =	sadd.s32 $0x847600, s0;
	s25 =	smul.u32 $0x34000, s8;
	s2 =	simm.s32 $0x7400  }
0xb: {  	s8 =	simm.s32 $0x1;
	s5 =	sshll.u32 s1, $0x6;
	_ =	strace $0x8000004A  }
0xc: {  	s6 =	ssub.s32 $0x2, s1;
	s1 =	smul.u32 $0x1A000, s1;
	s4 =	sor.u32 s5, s4  }
0xd: {  	s7 =	sshrl.u32 s6, $0x1;
	s5 =	sshll.u32 s4, $0x4;
	s4 =	smul.u32 $0x3400, s4  }
0xe: {  	s6 =	ssub.s32 s6, s7;
	s7 =	simm.s32 $0x7000;
	s5 =	sadd.s32 s5, s0  }
0xf: {  	s0 =	sadd.s32 $0xD3D000, s0;
	s30 =	smax.u32 s6, $0x1;
	s4 =	sshrl.u32 s4, $0x3  }
0x10: {  	s5 =	sadd.s32 $0x4F7600, s5;
	[dreg:$0x5] =	wrdreg s30;
	s4 =	sadd.s32 s0, s4  }
0x11: {  	s6 =	simm.s32 $0x6C00;
	[dreg:$0x2] =	wrdreg s5;
	s26 =	sadd.s32 $0x19300, s4  }
0x12: {  	s0 =	sadd.s32 s25, s0;
	s4 =	sadd.s32 $0x19980, s4;
	[dreg:$0x3] =	wrdreg s26  }
0x13: {  	s25 =	simm.s32 $0x5000;
	s0 =	sadd.s32 s1, s0;
	[dreg:$0x4] =	wrdreg s4  }
0x14: {  	s5 =	simm.s32 $0x6800;
	s1 =	simm.s32 $0x3800;
	[dreg:$0x6] =	wrdreg s0  }
0x15: {  	s26 =	simm.s32 $0x3400;
	s0 =	simm.s32 $0x4800;
	s4 =	simm.s32 $0x6400  }
.LBB2_1:
0x16: {  	[dreg:$0x7] =	wrdreg s11  }
0x17: {  	s14 =	rddreg [dreg:$0x2];
	s30 =	simm.s32 $0x0  }
0x18: {  	[tilespmem:s30], [sflag:$0x3] =	stream.linear.gather [hbm4b:s14+s30], $0x2000, $0x38;
	[tilespmem:$0x8800] =	vst v63  }
0x19: {  	_ =	swait.ge [sflag:s9], $0x2000  }
0x1a: {  	[sflag:s9] =	ssyncset.done $0x0  }
0x1b: {  	s11 =	simm.s32 $0x2000;
	[sflag:s9] =	ssyncadd.s32 $0xFFFFE000  }
0x1c: {  	[tilespmem:s11], [sflag:$0x1] =	stream.indirect.gather [hbm4b:s3+s10], $0x80, s30, s10, $0xb8;
	[tilespmem:$0x8800] =	vst v63  }
0x1d: {  	_ = 	snop  }
0x1e: {  	[tilespmem:s18], [sflag:$0x1] =	stream.indirect.gather [hbm4b:s3+s10], $0x80, s10, s10, $0xb8;
	[tilespmem:$0x8800] =	vst v63  }
0x1f: {  	s14 =	simm.s32 $0x10  }
0x20: {  	[tilespmem:s20], [sflag:$0x1] =	stream.indirect.gather [hbm4b:s3+s10], $0x80, s14, s10, $0xb8;
	[tilespmem:$0x8800] =	vst v63  }
0x21: {  	s14 =	simm.s32 $0x18  }
0x22: {  	[tilespmem:s22], [sflag:$0x1] =	stream.indirect.gather [hbm4b:s3+s10], $0x80, s14, s10, $0xb8;
	[tilespmem:$0x8800] =	vst v63  }
0x23: {  	s14 =	simm.s32 $0x20  }
0x24: {  	[tilespmem:s24], [sflag:$0x1] =	stream.indirect.gather [hbm4b:s3+s10], $0x80, s14, s10, $0xb8;
	[tilespmem:$0x8800] =	vst v63  }
0x25: {  	s14 =	simm.s32 $0x28  }
0x26: {  	[tilespmem:s26], [sflag:$0x1] =	stream.indirect.gather [hbm4b:s3+s10], $0x80, s14, s10, $0xb8;
	[tilespmem:$0x8800] =	vst v63  }
0x27: {  	s14 =	simm.s32 $0x30  }
0x28: {  	[tilespmem:s1], [sflag:$0x1] =	stream.indirect.gather [hbm4b:s3+s10], $0x80, s14, s10, $0xb8;
	[tilespmem:$0x8800] =	vst v63  }
0x29: {  	s14 =	simm.s32 $0x38  }
0x2a: {  	[tilespmem:s15], [sflag:$0x1] =	stream.indirect.gather [hbm4b:s3+s10], $0x80, s14, s10, $0xb8;
	[tilespmem:$0x8800] =	vst v63  }
0x2b: {  	s14 =	simm.s32 $0x40  }
0x2c: {  	[tilespmem:s23], [sflag:$0x1] =	stream.indirect.gather [hbm4b:s3+s10], $0x80, s14, s10, $0xb8;
	[tilespmem:$0x8800] =	vst v63  }
0x2d: {  	s14 =	simm.s32 $0x48  }
0x2e: {  	[tilespmem:s28], [sflag:$0x1] =	stream.indirect.gather [hbm4b:s3+s10], $0x80, s14, s10, $0xb8;
	[tilespmem:$0x8800] =	vst v63  }
0x2f: {  	s14 =	simm.s32 $0x50  }
0x30: {  	[tilespmem:s0], [sflag:$0x1] =	stream.indirect.gather [hbm4b:s3+s10], $0x80, s14, s10, $0xb8;
	[tilespmem:$0x8800] =	vst v63  }
0x31: {  	s14 =	simm.s32 $0x58  }
0x32: {  	[tilespmem:s17], [sflag:$0x1] =	stream.indirect.gather [hbm4b:s3+s10], $0x80, s14, s10, $0xb8;
	[tilespmem:$0x8800] =	vst v63  }
0x33: {  	s14 =	simm.s32 $0x60  }
0x34: {  	[tilespmem:s25], [sflag:$0x1] =	stream.indirect.gather [hbm4b:s3+s10], $0x80, s14, s10, $0xb8;
	[tilespmem:$0x8800] =	vst v63  }
0x35: {  	s14 =	simm.s32 $0x80  }
0x36: {  	[tilespmem:s19], [sflag:$0x2] =	stream.indirect.gather [hbm4b:s3+s10], $0x80, s14, s10, $0xb8;
	[tilespmem:$0x8800] =	vst v63  }
0x37: {  	s14 =	simm.s32 $0x88  }
0x38: {  	[tilespmem:s13], [sflag:$0x2] =	stream.indirect.gather [hbm4b:s3+s10], $0x80, s14, s10, $0xb8;
	[tilespmem:$0x8800] =	vst v63  }
0x39: {  	s14 =	simm.s32 $0x90  }
0x3a: {  	[tilespmem:s29], [sflag:$0x2] =	stream.indirect.gather [hbm4b:s3+s10], $0x80, s14, s10, $0xb8;
	[tilespmem:$0x8800] =	vst v63  }
0x3b: {  	s14 =	simm.s32 $0x98  }
0x3c: {  	[tilespmem:s21], [sflag:$0x2] =	stream.indirect.gather [hbm4b:s3+s10], $0x80, s14, s10, $0xb8;
	[tilespmem:$0x8800] =	vst v63  }
0x3d: {  	s14 =	simm.s32 $0xA0  }
0x3e: {  	[tilespmem:s4], [sflag:$0x2] =	stream.indirect.gather [hbm4b:s3+s10], $0x80, s14, s10, $0xb8;
	[tilespmem:$0x8800] =	vst v63  }
0x3f: {  	s14 =	simm.s32 $0xA8  }
0x40: {  	[tilespmem:s5], [sflag:$0x2] =	stream.indirect.gather [hbm4b:s3+s10], $0x80, s14, s10, $0xb8;
	[tilespmem:$0x8800] =	vst v63  }
0x41: {  	s14 =	simm.s32 $0xB0  }
0x42: {  	[tilespmem:s6], [sflag:$0x2] =	stream.indirect.gather [hbm4b:s3+s10], $0x80, s14, s10, $0xb8;
	[tilespmem:$0x8800] =	vst v63  }
0x43: {  	s14 =	simm.s32 $0xB8  }
0x44: {  	[tilespmem:s7], [sflag:$0x2] =	stream.indirect.gather [hbm4b:s3+s10], $0x80, s14, s10, $0xb8;
	[tilespmem:$0x8800] =	vst v63  }
0x45: {  	s14 =	simm.s32 $0xC0  }
0x46: {  	[tilespmem:s2], [sflag:$0x2] =	stream.indirect.gather [hbm4b:s3+s10], $0x80, s14, s10, $0xb8;
	[tilespmem:$0x8800] =	vst v63  }
0x47: {  	s14 =	simm.s32 $0xC8  }
0x48: {  	[tilespmem:s31], [sflag:$0x2] =	stream.indirect.gather [hbm4b:s3+s10], $0x80, s14, s10, $0xb8;
	[tilespmem:$0x8800] =	vst v63  }
0x49: {  	s14 =	simm.s32 $0xD0  }
0x4a: {  	[tilespmem:s16], [sflag:$0x2] =	stream.indirect.gather [hbm4b:s3+s10], $0x80, s14, s10, $0xb8;
	[tilespmem:$0x8800] =	vst v63  }
0x4b: {  	s16 =	simm.s32 $0x8000;
	s14 =	simm.s32 $0xD8  }
0x4c: {  	[tilespmem:s16], [sflag:$0x2] =	stream.indirect.gather [hbm4b:s3+s10], $0x80, s14, s10, $0xb8;
	[tilespmem:$0x8800] =	vst v63  }
0x4d: {  	s14 =	simm.s32 $0x8400;
	s16 =	simm.s32 $0xE0  }
0x4e: {  	[tilespmem:s14], [sflag:$0x2] =	stream.indirect.gather [hbm4b:s3+s10], $0x80, s16, s10, $0xb8;
	[tilespmem:$0x8800] =	vst v63  }
0x4f: {  	_ =	swait.ge [sflag:s8], $0x3400  }
0x50: {  	[sflag:s8] =	ssyncset.done $0x0  }
0x51: {  	s16 =	rddreg [dreg:$0x6];
	[sflag:s8] =	ssyncadd.s32 $0xFFFFCC00  }
0x52: {  	[hbm4b:s16+s30] =	stream.linear.scatter [tilespmem:s11], [sflag:$0x3], $0x3400, $0x38;
	[tilespmem:$0x8800] =	vst v63  }
0x53: {  	_ =	swait.ge [sflag:s9], $0x3400  }
0x54: {  	[sflag:s9] =	ssyncset.done $0x0  }
0x55: {  	s14 =	simm.s32 $0x100;
	[sflag:s9] =	ssyncadd.s32 $0xFFFFCC00  }
0x56: {  	[tilespmem:s11], [sflag:$0x1] =	stream.indirect.gather [hbm4b:s3+s10], $0x80, s14, s10, $0xb8;
	[tilespmem:$0x8800] =	vst v63  }
0x57: {  	s11 =	simm.s32 $0x108  }
0x58: {  	[tilespmem:s18], [sflag:$0x1] =	stream.indirect.gather [hbm4b:s3+s10], $0x80, s11, s10, $0xb8;
	[tilespmem:$0x8800] =	vst v63  }
0x59: {  	s18 =	simm.s32 $0x110  }
0x5a: {  	[tilespmem:s20], [sflag:$0x1] =	stream.indirect.gather [hbm4b:s3+s10], $0x80, s18, s10, $0xb8;
	[tilespmem:$0x8800] =	vst v63  }
0x5b: {  	s20 =	simm.s32 $0x118  }
0x5c: {  	[tilespmem:s22], [sflag:$0x1] =	stream.indirect.gather [hbm4b:s3+s10], $0x80, s20, s10, $0xb8;
	[tilespmem:$0x8800] =	vst v63  }
0x5d: {  	s22 =	simm.s32 $0x120  }
0x5e: {  	[tilespmem:s24], [sflag:$0x1] =	stream.indirect.gather [hbm4b:s3+s10], $0x80, s22, s10, $0xb8;
	[tilespmem:$0x8800] =	vst v63  }
0x5f: {  	s24 =	simm.s32 $0x128  }
0x60: {  	[tilespmem:s26], [sflag:$0x1] =	stream.indirect.gather [hbm4b:s3+s10], $0x80, s24, s10, $0xb8;
	[tilespmem:$0x8800] =	vst v63  }
0x61: {  	s26 =	simm.s32 $0x130  }
0x62: {  	[tilespmem:s1], [sflag:$0x1] =	stream.indirect.gather [hbm4b:s3+s10], $0x80, s26, s10, $0xb8;
	[tilespmem:$0x8800] =	vst v63  }
0x63: {  	s11 =	simm.s32 $0x138  }
0x64: {  	[tilespmem:s15], [sflag:$0x1] =	stream.indirect.gather [hbm4b:s3+s10], $0x80, s11, s10, $0xb8;
	[tilespmem:$0x8800] =	vst v63  }
0x65: {  	s18 =	simm.s32 $0x140  }
0x66: {  	[tilespmem:s23], [sflag:$0x1] =	stream.indirect.gather [hbm4b:s3+s10], $0x80, s18, s10, $0xb8;
	[tilespmem:$0x8800] =	vst v63  }
0x67: {  	s20 =	simm.s32 $0x148  }
0x68: {  	[tilespmem:s28], [sflag:$0x1] =	stream.indirect.gather [hbm4b:s3+s10], $0x80, s20, s10, $0xb8;
	[tilespmem:$0x8800] =	vst v63  }
0x69: {  	s22 =	simm.s32 $0x150  }
0x6a: {  	[tilespmem:s0], [sflag:$0x1] =	stream.indirect.gather [hbm4b:s3+s10], $0x80, s22, s10, $0xb8;
	[tilespmem:$0x8800] =	vst v63  }
0x6b: {  	s23 =	simm.s32 $0x158  }
0x6c: {  	[tilespmem:s17], [sflag:$0x1] =	stream.indirect.gather [hbm4b:s3+s10], $0x80, s23, s10, $0xb8;
	[tilespmem:$0x8800] =	vst v63  }
0x6d: {  	s24 =	simm.s32 $0x160  }
0x6e: {  	[tilespmem:s25], [sflag:$0x1] =	stream.indirect.gather [hbm4b:s3+s10], $0x80, s24, s10, $0xb8;
	[tilespmem:$0x8800] =	vst v63  }
0x6f: {  	_ =	swait.ge [sflag:s12], $0x3400  }
0x70: {  	[sflag:s12] =	ssyncset.done $0x0  }
0x71: {  	s26 =	sadd.s32 $0x680, s16;
	[sflag:s12] =	ssyncadd.s32 $0xFFFFCC00  }
0x72: {  	[hbm4b:s26+s30] =	stream.linear.scatter [tilespmem:s19], [sflag:$0x3], $0x3400, $0x38;
	[tilespmem:$0x8800] =	vst v63  }
0x73: {  	_ =	swait.ge [sflag:s9], $0x3400  }
0x74: {  	[sflag:s9] =	ssyncset.done $0x0  }
0x75: {  	s0 =	simm.s32 $0x180;
	[sflag:s9] =	ssyncadd.s32 $0xFFFFCC00  }
0x76: {  	[tilespmem:s19], [sflag:$0x2] =	stream.indirect.gather [hbm4b:s3+s10], $0x80, s0, s10, $0xb8;
	[tilespmem:$0x8800] =	vst v63  }
0x77: {  	s1 =	simm.s32 $0x188  }
0x78: {  	[tilespmem:s13], [sflag:$0x2] =	stream.indirect.gather [hbm4b:s3+s10], $0x80, s1, s10, $0xb8;
	[tilespmem:$0x8800] =	vst v63  }
0x79: {  	s14 =	simm.s32 $0x400;
	s16 =	sadd.s32 $0xD00, s16;
	s11 =	simm.s32 $0x190  }
0x7a: {  	[tilespmem:s29], [sflag:$0x2] =	stream.indirect.gather [hbm4b:s3+s10], $0x80, s11, s10, $0xb8;
	[tilespmem:$0x8800] =	vst v63  }
0x7b: {  	s15 =	simm.s32 $0x1A0;
	s18 =	simm.s32 $0x1B0;
	s13 =	simm.s32 $0x198  }
0x7c: {  	[tilespmem:s21], [sflag:$0x2] =	stream.indirect.gather [hbm4b:s3+s10], $0x80, s13, s10, $0xb8;
	[tilespmem:$0x8800] =	vst v63  }
0x7d: {  	s20 =	simm.s32 $0x1B8;
	s28 =	simm.s32 $0x4400;
	s22 =	simm.s32 $0x1C8  }
0x7e: {  	[tilespmem:s4], [sflag:$0x2] =	stream.indirect.gather [hbm4b:s3+s10], $0x80, s15, s10, $0xb8;
	[tilespmem:$0x8800] =	vst v63  }
0x7f: {  	s17 =	simm.s32 $0x1A8;
	s23 =	simm.s32 $0x1D0;
	s24 =	simm.s32 $0x7C00  }
0x80: {  	[tilespmem:s5], [sflag:$0x2] =	stream.indirect.gather [hbm4b:s3+s10], $0x80, s17, s10, $0xb8;
	[tilespmem:$0x8800] =	vst v63  }
0x81: {  	s25 =	simm.s32 $0x1D8;
	s26 =	simm.s32 $0x8000;
	s30 =	simm.s32 $0x5C00  }
0x82: {  	[tilespmem:s6], [sflag:$0x2] =	stream.indirect.gather [hbm4b:s3+s10], $0x80, s18, s10, $0xb8;
	[tilespmem:$0x8800] =	vst v63  }
0x83: {  	s0 =	simm.s32 $0x4800;
	s1 =	simm.s32 $0x3800;
	s29 =	simm.s32 $0x3000  }
0x84: {  	[tilespmem:s7], [sflag:$0x2] =	stream.indirect.gather [hbm4b:s3+s10], $0x80, s20, s10, $0xb8;
	[tilespmem:$0x8800] =	vst v63  }
0x85: {  	s21 =	simm.s32 $0x1C0;
	s13 =	simm.s32 $0x5800;
	s15 =	simm.s32 $0x3C00  }
0x86: {  	[tilespmem:s2], [sflag:$0x2] =	stream.indirect.gather [hbm4b:s3+s10], $0x80, s21, s10, $0xb8;
	[tilespmem:$0x8800] =	vst v63  }
0x87: {  	s4 =	simm.s32 $0x6400;
	s17 =	simm.s32 $0x4C00;
	s5 =	simm.s32 $0x6800  }
0x88: {  	[tilespmem:s31], [sflag:$0x2] =	stream.indirect.gather [hbm4b:s3+s10], $0x80, s22, s10, $0xb8;
	[tilespmem:$0x8800] =	vst v63  }
0x89: {  	s18 =	simm.s32 $0x1E0;
	s6 =	simm.s32 $0x6C00;
	s7 =	simm.s32 $0x7000  }
0x8a: {  	[tilespmem:s24], [sflag:$0x2] =	stream.indirect.gather [hbm4b:s3+s10], $0x80, s23, s10, $0xb8;
	[tilespmem:$0x8800] =	vst v63  }
0x8b: {  	s21 =	simm.s32 $0x6000;
	s2 =	simm.s32 $0x7400;
	s31 =	simm.s32 $0x3400  }
0x8c: {  	[tilespmem:s26], [sflag:$0x2] =	stream.indirect.gather [hbm4b:s3+s10], $0x80, s25, s10, $0xb8;
	[tilespmem:$0x8800] =	vst v63  }
0x8d: {  	s23 =	simm.s32 $0x4000;
	s24 =	simm.s32 $0x2800;
	s25 =	simm.s32 $0x5000  }
.LBB2_2:
0x8e: {  	s11 =	simm.s32 $0x8400  }
0x8f: {  	[tilespmem:s11], [sflag:$0x2] =	stream.indirect.gather [hbm4b:s3+s10], $0x80, s18, s10, $0xb8;
	[tilespmem:$0x8800] =	vst v63  }
0x90: {  	s18 =	smov.u32 s14  }
0x91: {  	p0 =	sne.s32 s14, $0x7800;
	s14 =	sadd.s32 $0x400, s14;
	_ =	swait.ge [sflag:s8], $0x3400  }
0x92: {  	[sflag:s8] =	ssyncset.done $0x0  }
0x93: {  	s22 =	simm.s32 $0x2000;
	s11 =	simm.s32 $0x0;
	[sflag:s8] =	ssyncadd.s32 $0xFFFFCC00  }
0x94: {  	[hbm4b:s16+s11] =	stream.linear.scatter [tilespmem:s22], [sflag:$0x3], $0x3400, $0x38;
	[tilespmem:$0x8800] =	vst v63  }
0x95: {  	_ =	swait.ge [sflag:s9], $0x3400  }
0x96: {  	s18 =	sshra.s32 s18, $0x2;
	[sflag:s9] =	ssyncset.done $0x0  }
0x97: {  	s26 =	simm.s32 $0x2000;
	s20 =	sadd.s32 $0x100, s18;
	[sflag:s9] =	ssyncadd.s32 $0xFFFFCC00  }
0x98: {  	[tilespmem:s22], [sflag:$0x1] =	stream.indirect.gather [hbm4b:s3+s10], $0x80, s20, s10, $0xb8;
	[tilespmem:$0x8800] =	vst v63  }
0x99: {  	s20 =	sadd.s32 $0x108, s18;
	s22 =	simm.s32 $0x2400  }
0x9a: {  	[tilespmem:s22], [sflag:$0x1] =	stream.indirect.gather [hbm4b:s3+s10], $0x80, s20, s10, $0xb8;
	[tilespmem:$0x8800] =	vst v63  }
0x9b: {  	s20 =	sadd.s32 $0x110, s18  }
0x9c: {  	[tilespmem:s24], [sflag:$0x1] =	stream.indirect.gather [hbm4b:s3+s10], $0x80, s20, s10, $0xb8;
	[tilespmem:$0x8800] =	vst v63  }
0x9d: {  	s22 =	simm.s32 $0x2C00;
	s20 =	sadd.s32 $0x118, s18  }
0x9e: {  	[tilespmem:s22], [sflag:$0x1] =	stream.indirect.gather [hbm4b:s3+s10], $0x80, s20, s10, $0xb8;
	[tilespmem:$0x8800] =	vst v63  }
0x9f: {  	s20 =	sadd.s32 $0x120, s18  }
0xa0: {  	[tilespmem:s29], [sflag:$0x1] =	stream.indirect.gather [hbm4b:s3+s10], $0x80, s20, s10, $0xb8;
	[tilespmem:$0x8800] =	vst v63  }
0xa1: {  	s20 =	sadd.s32 $0x128, s18  }
0xa2: {  	[tilespmem:s31], [sflag:$0x1] =	stream.indirect.gather [hbm4b:s3+s10], $0x80, s20, s10, $0xb8;
	[tilespmem:$0x8800] =	vst v63  }
0xa3: {  	s20 =	sadd.s32 $0x130, s18  }
0xa4: {  	[tilespmem:s1], [sflag:$0x1] =	stream.indirect.gather [hbm4b:s3+s10], $0x80, s20, s10, $0xb8;
	[tilespmem:$0x8800] =	vst v63  }
0xa5: {  	s20 =	sadd.s32 $0x138, s18  }
0xa6: {  	[tilespmem:s15], [sflag:$0x1] =	stream.indirect.gather [hbm4b:s3+s10], $0x80, s20, s10, $0xb8;
	[tilespmem:$0x8800] =	vst v63  }
0xa7: {  	s20 =	sadd.s32 $0x140, s18  }
0xa8: {  	[tilespmem:s23], [sflag:$0x1] =	stream.indirect.gather [hbm4b:s3+s10], $0x80, s20, s10, $0xb8;
	[tilespmem:$0x8800] =	vst v63  }
0xa9: {  	s20 =	sadd.s32 $0x148, s18  }
0xaa: {  	[tilespmem:s28], [sflag:$0x1] =	stream.indirect.gather [hbm4b:s3+s10], $0x80, s20, s10, $0xb8;
	[tilespmem:$0x8800] =	vst v63  }
0xab: {  	s20 =	sadd.s32 $0x150, s18  }
0xac: {  	[tilespmem:s0], [sflag:$0x1] =	stream.indirect.gather [hbm4b:s3+s10], $0x80, s20, s10, $0xb8;
	[tilespmem:$0x8800] =	vst v63  }
0xad: {  	s20 =	sadd.s32 $0x158, s18  }
0xae: {  	[tilespmem:s17], [sflag:$0x1] =	stream.indirect.gather [hbm4b:s3+s10], $0x80, s20, s10, $0xb8;
	[tilespmem:$0x8800] =	vst v63  }
0xaf: {  	s20 =	sadd.s32 $0x160, s18  }
0xb0: {  	[tilespmem:s25], [sflag:$0x1] =	stream.indirect.gather [hbm4b:s3+s10], $0x80, s20, s10, $0xb8;
	[tilespmem:$0x8800] =	vst v63  }
0xb1: {  	_ =	swait.ge [sflag:s12], $0x3400  }
0xb2: {  	[sflag:s12] =	ssyncset.done $0x0  }
0xb3: {  	s20 =	sadd.s32 $0x680, s16;
	[sflag:s12] =	ssyncadd.s32 $0xFFFFCC00  }
0xb4: {  	[hbm4b:s20+s11] =	stream.linear.scatter [tilespmem:s19], [sflag:$0x3], $0x3400, $0x38;
	[tilespmem:$0x8800] =	vst v63  }
0xb5: {  	_ =	swait.ge [sflag:s9], $0x3400  }
0xb6: {  	[sflag:s9] =	ssyncset.done $0x0  }
0xb7: {  	s20 =	sadd.s32 $0x180, s18;
	[sflag:s9] =	ssyncadd.s32 $0xFFFFCC00  }
0xb8: {  	[tilespmem:s19], [sflag:$0x2] =	stream.indirect.gather [hbm4b:s3+s10], $0x80, s20, s10, $0xb8;
	[tilespmem:$0x8800] =	vst v63  }
0xb9: {  	s20 =	sadd.s32 $0x188, s18  }
0xba: {  	[tilespmem:s13], [sflag:$0x2] =	stream.indirect.gather [hbm4b:s3+s10], $0x80, s20, s10, $0xb8;
	[tilespmem:$0x8800] =	vst v63  }
0xbb: {  	s20 =	sadd.s32 $0x190, s18  }
0xbc: {  	[tilespmem:s30], [sflag:$0x2] =	stream.indirect.gather [hbm4b:s3+s10], $0x80, s20, s10, $0xb8;
	[tilespmem:$0x8800] =	vst v63  }
0xbd: {  	s20 =	sadd.s32 $0x198, s18  }
0xbe: {  	[tilespmem:s21], [sflag:$0x2] =	stream.indirect.gather [hbm4b:s3+s10], $0x80, s20, s10, $0xb8;
	[tilespmem:$0x8800] =	vst v63  }
0xbf: {  	s20 =	sadd.s32 $0x1A0, s18  }
0xc0: {  	[tilespmem:s4], [sflag:$0x2] =	stream.indirect.gather [hbm4b:s3+s10], $0x80, s20, s10, $0xb8;
	[tilespmem:$0x8800] =	vst v63  }
0xc1: {  	s20 =	sadd.s32 $0x1A8, s18  }
0xc2: {  	[tilespmem:s5], [sflag:$0x2] =	stream.indirect.gather [hbm4b:s3+s10], $0x80, s20, s10, $0xb8;
	[tilespmem:$0x8800] =	vst v63  }
0xc3: {  	s20 =	sadd.s32 $0x1B0, s18  }
0xc4: {  	[tilespmem:s6], [sflag:$0x2] =	stream.indirect.gather [hbm4b:s3+s10], $0x80, s20, s10, $0xb8;
	[tilespmem:$0x8800] =	vst v63  }
0xc5: {  	s20 =	sadd.s32 $0x1B8, s18  }
0xc6: {  	[tilespmem:s7], [sflag:$0x2] =	stream.indirect.gather [hbm4b:s3+s10], $0x80, s20, s10, $0xb8;
	[tilespmem:$0x8800] =	vst v63  }
0xc7: {  	s20 =	sadd.s32 $0x1C0, s18  }
0xc8: {  	[tilespmem:s2], [sflag:$0x2] =	stream.indirect.gather [hbm4b:s3+s10], $0x80, s20, s10, $0xb8;
	[tilespmem:$0x8800] =	vst v63  }
0xc9: {  	s11 =	simm.s32 $0x7800;
	s20 =	sadd.s32 $0x1C8, s18  }
0xca: {  	[tilespmem:s11], [sflag:$0x2] =	stream.indirect.gather [hbm4b:s3+s10], $0x80, s20, s10, $0xb8;
	[tilespmem:$0x8800] =	vst v63  }
.Ltmp0:
0xcb: {  	s20 =	sadd.s32 $0x1D0, s18;
	s11 =	simm.s32 $0x7C00;
	(pc) =	sbr.rel @p0 .LBB2_2-.Ltmp0, $4  }
0xcc: {  	[tilespmem:s11], [sflag:$0x2] =	stream.indirect.gather [hbm4b:s3+s10], $0x80, s20, s10, $0xb8;
	[tilespmem:$0x8800] =	vst v63  }
0xcd: {  	s20 =	sadd.s32 $0x1D8, s18;
	s11 =	simm.s32 $0x8000  }
0xce: {  	[tilespmem:s11], [sflag:$0x2] =	stream.indirect.gather [hbm4b:s3+s10], $0x80, s20, s10, $0xb8;
	[tilespmem:$0x8800] =	vst v63  }
0xcf: {  	s16 =	sadd.s32 $0xD00, s16;
	s18 =	sadd.s32 $0x1E0, s18  }
0xd0: {  	s0 =	simm.s32 $0x8400  }
0xd1: {  	[tilespmem:s0], [sflag:$0x2] =	stream.indirect.gather [hbm4b:s3+s10], $0x80, s18, s10, $0xb8;
	[tilespmem:$0x8800] =	vst v63  }
0xd2: {  	_ =	swait.ge [sflag:s8], $0x3400  }
0xd3: {  	[sflag:s8] =	ssyncset.done $0x0  }
0xd4: {  	s25 =	simm.s32 $0x0;
	s14 =	rddreg [dreg:$0x3];
	[sflag:s8] =	ssyncadd.s32 $0xFFFFCC00  }
0xd5: {  	[hbm4b:s14+s25] =	stream.linear.scatter [tilespmem:s26], [sflag:$0x3], $0x3400, $0x38;
	[tilespmem:$0x8800] =	vst v63  }
0xd6: {  	_ =	swait.ge [sflag:s9], $0x3400  }
0xd7: {  	[sflag:s9] =	ssyncset.done $0x0  }
0xd8: {  	[sflag:s9] =	ssyncadd.s32 $0xFFFFCC00  }
0xd9: {  	_ =	swait.ge [sflag:s12], $0x3400  }
0xda: {  	s20 =	simm.s32 $0x2800;
	s22 =	simm.s32 $0x2C00;
	[sflag:s12] =	ssyncset.done $0x0  }
0xdb: {  	s24 =	simm.s32 $0x3000;
	s26 =	rddreg [dreg:$0x4];
	[sflag:s12] =	ssyncadd.s32 $0xFFFFCC00  }
0xdc: {  	[hbm4b:s26+s25] =	stream.linear.scatter [tilespmem:s19], [sflag:$0x3], $0x3400, $0x38;
	[tilespmem:$0x8800] =	vst v63  }
0xdd: {  	s1 =	simm.s32 $0x3800;
	s15 =	simm.s32 $0x3C00;
	_ =	swait.ge [sflag:s9], $0x3400  }
0xde: {  	s23 =	simm.s32 $0x4000;
	s28 =	simm.s32 $0x4400;
	s11 =	rddreg [dreg:$0x7]  }
0xdf: {  	s17 =	simm.s32 $0x4C00;
	s30 =	rddreg [dreg:$0x5];
	s11 =	sadd.s32 $0x1, s11  }
0xe0: {  	s13 =	simm.s32 $0x5800;
	s29 =	simm.s32 $0x5C00;
	p0 =	sne.s32 s11, s30  }
.Ltmp1:
0xe1: {  	s21 =	simm.s32 $0x6000;
	s4 =	simm.s32 $0x6400;
	(pc) =	sbr.rel @p0 .LBB2_1-.Ltmp1, $4  }
0xe2: {  	s5 =	simm.s32 $0x6800;
	s6 =	simm.s32 $0x6C00;
	s7 =	simm.s32 $0x7000  }
0xe3: {  	s2 =	simm.s32 $0x7400;
	s31 =	simm.s32 $0x7800;
	s16 =	simm.s32 $0x7C00  }
0xe4: {  	s18 =	simm.s32 $0x2400;
	s0 =	simm.s32 $0x4800;
	[sflag:s9] =	ssyncset.done $0x0  }
0xe5: {  	s26 =	simm.s32 $0x3400;
	s25 =	simm.s32 $0x5000;
	[sflag:s9] =	ssyncadd.s32 $0xFFFFCC00  }
0xe6: {  	_ =	sfence.sel $0x180000  }
0xe7: {  	[bflag:$0x0] =	sbarrier.arrive $0xFFFF  }
0xe8: {  	_ =	strace $0x9000004A  }
0xe9: {  	s0 =	stileid.u32;
	[bflag:$0x2] =	sbarrier.arrive $0xFFFF  }
0xea: {  	p0 =	sne.s32 s0, $0x0;
	s0 =	rddreg [dreg:$0x1]  }
0xeb: {  	s0 =	sadd.s32 @!p0 $0x100000, s0  }
0xec: {  	[sflag:s0] =	ssyncadd.tile.s32 @!p0 $0x1;
	_ =	shalt  }
.Lfunc_end2:
_tile_overlayer_lowered:
.L_overlay_start_2:
0xed: {  	(tag) =	ssettag $0x2  }
0xee: {  	s0 =	rddreg [dreg:$0x0];
	s2 =	stileid.u32  }
0xef: {  	s1 =	rddreg [dreg:$0x1];
	p0 =	sne.s32 s2, $0x0  }
0xf0: {  	s3 =	rddreg [dreg:$0x2];
	[bflag:$0x3] =	sbarrier.arrive $0xFFFF;
	s2 =	simm.s32 @!p0 $0x1C03  }
0xf1: {  	[timem:s3], [sflag:s2] =	dma.local @!p0 [hbm:s0], s1  }
0xf2: {  	s0 =	simm.s32 @!p0 $0x3  }
0xf3: {  	_ =	swait.ge @!p0 [sflag:s0], s1  }
0xf4: {  	s1 =	ssub.s32 @!p0 $0x0, s1;
	[sflag:s0] =	ssyncset.done @!p0 $0x0  }
0xf5: {  	[sflag:s0] =	ssyncadd.s32 @!p0 s1  }
0xf6: {  	[bflag:$0x3] =	sbarrier.arrive $0xFFFF  }
0xf7: {  	_ =	shalt  }

// kernel: kernel.7.cloned.1.call-start
scs
__scs_entry_jumppad:
0x0: {  	(pc) =	sbr.rel $0x88, $3  }
0x1: {  	(tag) =	ssettag $0x0;
	lr =	simm.s32 $0x1  }
0x2: {  	[smem:$0x3F9A] =	sst lr;
	_ =	strace $0xD0000000  }
0x3: {  	_ = 	snop  }
0x4: {  	_ = 	snop  }
0x5: {  	_ = 	snop  }
0x6: {  	_ = 	snop  }
0x7: {  	_ = 	snop  }
__scs_overlays_trampoline_lowered:
0x8: {  	[smem:$0x3FA9] =	sst s0  }
0x9: {  	[smem:$0x3FAA] =	sst s1  }
0xa: {  	[smem:$0x3FAB] =	sst s2  }
0xb: {  	[smem:$0x3FAC] =	sst s3  }
0xc: {  	[smem:$0x3FAD] =	sst s4  }
0xd: {  	[smem:$0x3FAE] =	sst s5  }
0xe: {  	[smem:$0x3FAF] =	sst s6  }
0xf: {  	[smem:$0x3FB0] =	sst s7  }
0x10: {  	[smem:$0x3FB1] =	sst s8  }
0x11: {  	[smem:$0x3FB2] =	sst s9;
	s0 =	simm.s32 @!p0 $0x0  }
0x12: {  	s1 =	sld [smem:$0x3F98];
	s0 =	simm.s32 @p0 $0x1  }
0x13: {  	[smem:$0x3FB3] =	sst s0;
	s0 =	simm.s32 @!p1 $0x0  }
0x14: {  	s2 =	sld [smem:$0x3F97];
	s0 =	simm.s32 @p1 $0x1  }
0x15: {  	[smem:$0x3FB4] =	sst s0;
	s0 =	simm.s32 @!p2 $0x0  }
0x16: {  	s3 =	sld [smem:$0x3FDB];
	s0 =	simm.s32 @p2 $0x1  }
0x17: {  	s4 =	simm.s32 $0x1BF5;
	[smem:$0x3FB6] =	sst s0  }
0x18: {  	s0 =	sld [smem:$0x3F99];
	_ =	swait.ge [sflag:s4], $0x0  }
0x19: {  	s7 =	sld [smem:$0x3F9A]  }
0x1a: {  	s8 =	sadd.s32 $0xFFFFE003, lr  }
0x1b: {  	s9 =	sadd.s32 $0xFFFFFEF7, lr;
	s5 =	simm.s32 $0xFFFFFFFF;
	p2 =	slt.u32 s8, $0xFFFFF086  }
0x1c: {  	p1 =	slt.u32 s9, $0xF7A;
	s5 =	simm.s32 @!p2 $0x0  }
0x1d: {  	s5 =	simm.s32 @p1 $0x1;
	p0 =	seq.s32 s7, s2  }
0x1e: {  	s7 =	smul.u32 @!p0 $0xF7A, s2;
	p2 =	seq.s32 @!p0 s5, $0x0  }
0x1f: {  	s9 =	smul.u32 $0xF7A, s1;
	s8 =	simm.s32 @!p0 $0x1BF5;
	p2 =	por !p2, p0  }
0x20: {  	[sflag:s8] =	ssyncset.s32 @!p0 $0xFFFFF086;
	s6 =	sadd.s32 @!p0 s3, s7;
	s7 =	simm.s32 @!p0 $0x108  }
0x21: {  	s3 =	sadd.s32 s3, s9;
	s6 =	sadd.s32 @!p0 $0x88, s6;
	s7 =	simm.s32 @p2 $0x1082  }
0x22: {  	[simem:s7], [sflag:s8] =	dma.local @!p0 [hbm:s6], $0xF7A  }
0x23: {  	s9 =	sor.u32 $0xD0000000, s2;
	s6 =	simm.s32 $0x108;
	_ =	swait.ge @!p0 [sflag:s8], $0x0  }
0x24: {  	s3 =	sadd.s32 $0x88, s3;
	s6 =	simm.s32 @!p1 $0x1082;
	[sflag:s4] =	ssyncset.s32 $0xFFFFF086  }
0x25: {  	[simem:s6], [sflag:s4] =	dma.local [hbm:s3], $0xF7A  }
0x26: {  	[smem:$0x3F9A] =	sst s1;
	(tag) =	ssettag s2;
	_ =	strace s9  }
0x27: {  	s1 =	sld [smem:$0x3FAA]  }
0x28: {  	s2 =	sld [smem:$0x3FAB]  }
0x29: {  	s4 =	sld [smem:$0x3FAD]  }
0x2a: {  	p0 =	seq.s32 s5, $0x0;
	s5 =	sld [smem:$0x3FAE]  }
0x2b: {  	s6 =	sld [smem:$0x3FAF]  }
0x2c: {  	s7 =	sld [smem:$0x3FB0]  }
0x2d: {  	s3 =	simm.s32 $0x108;
	s8 =	sld [smem:$0x3FB1]  }
0x2e: {  	s3 =	simm.s32 @!p0 $0x1082;
	s9 =	sld [smem:$0x3FB2]  }
0x2f: {  	lr =	sadd.s32 s0, s3;
	s0 =	sld [smem:$0x3FA9]  }
0x30: {  	s3 =	sld [smem:$0x3FAC]  }
0x31: {  	[smem:$0x3FB5] =	sst s10  }
0x32: {  	s10 =	sld [smem:$0x3FB3];
	_ =	sdelay $0x3  }
0x33: {  	p0 =	seq.s32 s10, $0x1;
	s10 =	sld [smem:$0x3FB5];
	_ =	sdelay $0x3  }
0x34: {  	[smem:$0x3FB5] =	sst s10  }
0x35: {  	s10 =	sld [smem:$0x3FB4];
	_ =	sdelay $0x3  }
0x36: {  	p1 =	seq.s32 s10, $0x1;
	s10 =	sld [smem:$0x3FB5];
	_ =	sdelay $0x3  }
0x37: {  	[smem:$0x3FB5] =	sst s10  }
0x38: {  	s10 =	sld [smem:$0x3FB6]  }
0x39: {  	_ = 	snop;
	(pc) =	sbr.ind lr, $3  }
0x3a: {  	_ = 	snop  }
0x3b: {  	_ = 	snop  }
0x3c: {  	p2 =	seq.s32 s10, $0x1;
	s10 =	sld [smem:$0x3FB5]  }
0x3d: {  	_ =	shalt  }
0x3e: {  	_ =	shalt  }
0x3f: {  	_ =	shalt  }
0x40: {  	_ =	shalt  }
0x41: {  	_ =	shalt  }
0x42: {  	_ =	shalt  }
0x43: {  	_ =	shalt  }
0x44: {  	_ =	shalt  }
0x45: {  	_ =	shalt  }
0x46: {  	_ =	shalt  }
0x47: {  	_ =	shalt  }
0x48: {  	_ =	shalt  }
0x49: {  	_ =	shalt  }
0x4a: {  	_ =	shalt  }
0x4b: {  	_ =	shalt  }
0x4c: {  	_ =	shalt  }
0x4d: {  	_ =	shalt  }
0x4e: {  	_ =	shalt  }
0x4f: {  	_ =	shalt  }
0x50: {  	_ =	shalt  }
0x51: {  	_ =	shalt  }
0x52: {  	_ =	shalt  }
0x53: {  	_ =	shalt  }
0x54: {  	_ =	shalt  }
0x55: {  	_ =	shalt  }
0x56: {  	_ =	shalt  }
0x57: {  	_ =	shalt  }
0x58: {  	_ =	shalt  }
0x59: {  	_ =	shalt  }
0x5a: {  	_ =	shalt  }
0x5b: {  	_ =	shalt  }
0x5c: {  	_ =	shalt  }
0x5d: {  	_ =	shalt  }
0x5e: {  	_ =	shalt  }
0x5f: {  	_ =	shalt  }
0x60: {  	_ =	shalt  }
0x61: {  	_ =	shalt  }
0x62: {  	_ =	shalt  }
0x63: {  	_ =	shalt  }
0x64: {  	_ =	shalt  }
0x65: {  	_ =	shalt  }
0x66: {  	_ =	shalt  }
0x67: {  	_ =	shalt  }
0x68: {  	_ =	shalt  }
0x69: {  	_ =	shalt  }
0x6a: {  	_ =	shalt  }
0x6b: {  	_ =	shalt  }
0x6c: {  	_ =	shalt  }
0x6d: {  	_ =	shalt  }
0x6e: {  	_ =	shalt  }
0x6f: {  	_ =	shalt  }
0x70: {  	_ =	shalt  }
0x71: {  	_ =	shalt  }
0x72: {  	_ =	shalt  }
0x73: {  	_ =	shalt  }
0x74: {  	_ =	shalt  }
0x75: {  	_ =	shalt  }
0x76: {  	_ =	shalt  }
0x77: {  	_ =	shalt  }
0x78: {  	_ =	shalt  }
0x79: {  	_ =	shalt  }
0x7a: {  	_ =	shalt  }
0x7b: {  	_ =	shalt  }
0x7c: {  	_ =	shalt  }
0x7d: {  	_ =	shalt  }
0x7e: {  	_ =	shalt  }
0x7f: {  	_ =	shalt  }
0x80: {  	_ =	shalt  }
0x81: {  	_ =	shalt  }
0x82: {  	_ =	shalt  }
0x83: {  	_ =	shalt  }
0x84: {  	_ =	shalt  }
0x85: {  	_ =	shalt  }
0x86: {  	_ =	shalt  }
0x87: {  	_ =	shalt  }
.Lfunc_end0:
.L_simem_size_0:
called_computation_lowered:
.L_overlay_start_0:
0x88: {  	s2 =	sld [smem:$0x3FD9]  }
0x89: {  	s3 =	sld [smem:$0x3FFE];
	_ =	sdelay $0x1  }
0x8a: {  	s1 =	srdreg.scid  }
0x8b: {  	s0 =	sand.u32 $0x1, s1  }
0x8c: {  	s16 =	sshll.u32 s0, $0xA;
	s2 =	sadd.s32 s3, s2  }
0x8d: {  	s2 =	sadd.s32 s2, s16  }
0x8e: {  	[smem:$0x3FC1] =	sst s2  }
0x8f: {  	_ = 	snop  }
0x90: {  	(tm) =	ssettm $0x1  }
0x91: {  	s17 =	sld [smem:$0x3FFB];
	_ =	sdelay $0x3  }
0x92: {  	_ =	strace s17  }
0x93: {  	s2 =	sld [smem:$0x3FFC];
	_ =	sdelay $0x3  }
0x94: {  	_ =	strace s2  }
0x95: {  	s2 =	sld [smem:$0x3FFD];
	_ =	sdelay $0x3  }
0x96: {  	_ =	strace s2  }
0x97: {  	_ =	strace $0x8FFFFFFF  }
0x98: {  	s18 =	sld [smem:$0x3FDB];
	_ =	sdelay $0x1  }
0x99: {  	s19 =	simm.s32 $_scs_section_size  }
0x9a: {  	s4 =	simm.s32 $_size__tile_overlayer_lowered;
	s5 =	simm.s32 $_tile_overlayer_lowered  }
0x9b: {  	s22 =	simm.s32 $0x1BFF;
	s21 =	sshll.u32 s5, $0x1;
	s2 =	sadd.s32 s19, s18  }
0x9c: {  	s6 =	simm.s32 $0x0;
	s20 =	sshll.u32 s4, $0x1;
	s4 =	sadd.s32 s21, s2  }
0x9d: {  	[timem:s6], [sflag:s22] =	dma.local [hbm:s4], s20  }
0x9e: {  	_ =	swait.ge [sflag:s22], s20  }
0x9f: {  	s3 =	ssub.s32 $0x0, s20;
	[sflag:s22] =	ssyncset.done $0x0  }
0xa0: {  	[sflag:s22] =	ssyncadd.s32 s3;
	_ =	sdelay $0x1  }
0xa1: {  	s23 =	simm.s32 $0x1B8B  }
0xa2: {  	_ =	swait.ge [sflag:s23], $0x1  }
0xa3: {  	[sflag:s23] =	ssyncset.done $0x0  }
0xa4: {  	s25 =	simm.s32 $0x1B8E;
	s24 =	sld [smem:$0x3FFE];
	[sflag:s23] =	ssyncadd.s32 $0xFFFFFFFF  }
0xa5: {  	s26 =	simm.s32 $execute0_lowered;
	[smem:$0x3FD2] =	sst s25  }
0xa6: {  	s4 =	sshll.u32 s26, $0x1;
	_ =	strace $0x80000046;
	[dreg:$0x1] =	wrdreg $0xFFFFFFFF  }
0xa7: {  	s28 =	simm.s32 $_size_execute0_lowered;
	s2 =	sadd.s32 s2, s4;
	[dreg:$0x0] =	wrdreg $0x0  }
0xa8: {  	s4 =	sshll.u32 s28, $0x1;
	[dreg:$0x2] =	wrdreg s2  }
0xa9: {  	[dreg:$0x3] =	wrdreg s4  }
0xaa: {  	[dreg:$0x4] =	wrdreg $0xC0  }
0xab: {  	_ =	task [dreg:s6], $0x5FFFF  }
0xac: {  	[dreg:$0x1] =	wrdreg $0xFFFFFFFF  }
0xad: {  	[dreg:$0x0] =	wrdreg $0x60  }
0xae: {  	[dreg:$0x2] =	wrdreg s24  }
0xaf: {  	[dreg:$0x3] =	wrdreg $0x9  }
0xb0: {  	_ =	task.clear_ibuf [dreg:s6], $0x4FFFF;
	_ =	strace $0x90000046  }
0xb1: {  	s29 =	simm.s32 $0x9;
	_ =	strace $0x80000048  }
0xb2: {  	_ =	swait.ge [sflag:s29], $0x1  }
0xb3: {  	[sflag:s29] =	ssyncadd.s32 $0xFFFFFFFF  }
0xb4: {  	_ =	strace $0x90000048  }
0xb5: {  	_ =	sfence  }
0xb6: {  	s30 =	sld [smem:$0x0];
	_ =	sdelay $0x2  }
0xb7: {  	s31 =	sshll.u32 s1, $0xD;
	s1 =	sshrl.u32 s1, $0x2  }
0xb8: {  	s3 =	sand.u32 $0x4000, s31;
	s1 =	sadd.s32 s1, s30  }
0xb9: {  	s0 =	sor.u32 s3, s0;
	s1 =	sshll.u32 s1, $0x11  }
0xba: {  	s0 =	sor.u32 s1, s0  }
0xbb: {  	s0 =	sadd.s32 $0x8F2B, s0  }
0xbc: {  	[sflag:s0] =	ssyncadd.remote.s32 $0x1  }
0xbd: {  	_ =	sfence.sel $0xFFFF  }
0xbe: {  	[dreg:$0x0] =	wrdreg $0xFFFFFFFF;
	(pc) =	sbr.abs _section_cstart, $3  }
0xbf: {  	[dreg:$0x1] =	wrdreg $0xFFFFFFFF  }
0xc0: {  	_ =	task.clear_ibuf [dreg:s6], $0x2FFFF;
	_ =	strace $0x9FFFFFFF  }
0xc1: {  	(tm) =	ssettm $0x7FFFFFFF  }
tec
execute0_lowered:
.L_overlay_start_1:
0x0: {  	(tag) =	ssettag $0x1  }
0x1: {  	s0 =	rddreg [dreg:$0x0]  }
0x2: {  	s1 =	srdreg.scid;
	s2 =	simm.s32 $0x0;
	s8 =	stileid.u32  }
0x3: {  	s9 =	simm.s32 $0x3;
	s10 =	simm.s32 $0x8;
	s18 =	simm.s32 $0x2400  }
0x4: {  	s20 =	simm.s32 $0x2800;
	s22 =	simm.s32 $0x2C00;
	s24 =	simm.s32 $0x3000  }
0x5: {  	s15 =	simm.s32 $0x3C00;
	s23 =	simm.s32 $0x4000;
	s28 =	simm.s32 $0x4400  }
0x6: {  	s17 =	simm.s32 $0x4C00;
	s19 =	simm.s32 $0x5400;
	s13 =	simm.s32 $0x5800  }
0x7: {  	s29 =	simm.s32 $0x5C00;
	s21 =	simm.s32 $0x6000;
	s31 =	simm.s32 $0x7800  }
0x8: {  	s16 =	simm.s32 $0x7C00;
	s12 =	simm.s32 $0x2;
	s11 =	simm.s32 $0x0  }
0x9: {  	s1 =	sand.u32 $0x1, s1;
	[smem:$0x7FF] =	sst s2;
	s4 =	sshll.u32 s8, $0x7  }
0xa: {  	s3 =	sadd.s32 $0x1C00, s0;
	s25 =	smul.u32 $0x34000, s8;
	s2 =	simm.s32 $0x7400  }
0xb: {  	s8 =	simm.s32 $0x1;
	s5 =	sshll.u32 s1, $0x6;
	_ =	strace $0x80000047  }
0xc: {  	s6 =	ssub.s32 $0x2, s1;
	s1 =	smul.u32 $0x1A000, s1;
	s4 =	sor.u32 s5, s4  }
0xd: {  	s7 =	sshrl.u32 s6, $0x1;
	s5 =	sshll.u32 s4, $0x4;
	s4 =	smul.u32 $0x3400, s4  }
0xe: {  	s6 =	ssub.s32 s6, s7;
	s7 =	simm.s32 $0x7000;
	s5 =	sadd.s32 s5, s0  }
0xf: {  	s0 =	sadd.s32 $0x507600, s0;
	s30 =	smax.u32 s6, $0x1;
	s4 =	sshrl.u32 s4, $0x3  }
0x10: {  	s5 =	sadd.s32 $0x4FF600, s5;
	[dreg:$0x5] =	wrdreg s30;
	s4 =	sadd.s32 s0, s4  }
0x11: {  	s6 =	simm.s32 $0x6C00;
	[dreg:$0x2] =	wrdreg s5;
	s26 =	sadd.s32 $0x19300, s4  }
0x12: {  	s0 =	sadd.s32 s25, s0;
	s4 =	sadd.s32 $0x19980, s4;
	[dreg:$0x3] =	wrdreg s26  }
0x13: {  	s25 =	simm.s32 $0x5000;
	s0 =	sadd.s32 s1, s0;
	[dreg:$0x4] =	wrdreg s4  }
0x14: {  	s5 =	simm.s32 $0x6800;
	s1 =	simm.s32 $0x3800;
	[dreg:$0x6] =	wrdreg s0  }
0x15: {  	s26 =	simm.s32 $0x3400;
	s0 =	simm.s32 $0x4800;
	s4 =	simm.s32 $0x6400  }
.LBB2_1:
0x16: {  	[dreg:$0x7] =	wrdreg s11  }
0x17: {  	s14 =	rddreg [dreg:$0x2];
	s30 =	simm.s32 $0x0  }
0x18: {  	[tilespmem:s30], [sflag:$0x3] =	stream.linear.gather [hbm4b:s14+s30], $0x2000, $0x38;
	[tilespmem:$0x8800] =	vst v63  }
0x19: {  	_ =	swait.ge [sflag:s9], $0x2000  }
0x1a: {  	[sflag:s9] =	ssyncset.done $0x0  }
0x1b: {  	s11 =	simm.s32 $0x2000;
	[sflag:s9] =	ssyncadd.s32 $0xFFFFE000  }
0x1c: {  	[tilespmem:s11], [sflag:$0x1] =	stream.indirect.gather [hbm4b:s3+s10], $0x80, s30, s10, $0xb8;
	[tilespmem:$0x8800] =	vst v63  }
0x1d: {  	_ = 	snop  }
0x1e: {  	[tilespmem:s18], [sflag:$0x1] =	stream.indirect.gather [hbm4b:s3+s10], $0x80, s10, s10, $0xb8;
	[tilespmem:$0x8800] =	vst v63  }
0x1f: {  	s14 =	simm.s32 $0x10  }
0x20: {  	[tilespmem:s20], [sflag:$0x1] =	stream.indirect.gather [hbm4b:s3+s10], $0x80, s14, s10, $0xb8;
	[tilespmem:$0x8800] =	vst v63  }
0x21: {  	s14 =	simm.s32 $0x18  }
0x22: {  	[tilespmem:s22], [sflag:$0x1] =	stream.indirect.gather [hbm4b:s3+s10], $0x80, s14, s10, $0xb8;
	[tilespmem:$0x8800] =	vst v63  }
0x23: {  	s14 =	simm.s32 $0x20  }
0x24: {  	[tilespmem:s24], [sflag:$0x1] =	stream.indirect.gather [hbm4b:s3+s10], $0x80, s14, s10, $0xb8;
	[tilespmem:$0x8800] =	vst v63  }
0x25: {  	s14 =	simm.s32 $0x28  }
0x26: {  	[tilespmem:s26], [sflag:$0x1] =	stream.indirect.gather [hbm4b:s3+s10], $0x80, s14, s10, $0xb8;
	[tilespmem:$0x8800] =	vst v63  }
0x27: {  	s14 =	simm.s32 $0x30  }
0x28: {  	[tilespmem:s1], [sflag:$0x1] =	stream.indirect.gather [hbm4b:s3+s10], $0x80, s14, s10, $0xb8;
	[tilespmem:$0x8800] =	vst v63  }
0x29: {  	s14 =	simm.s32 $0x38  }
0x2a: {  	[tilespmem:s15], [sflag:$0x1] =	stream.indirect.gather [hbm4b:s3+s10], $0x80, s14, s10, $0xb8;
	[tilespmem:$0x8800] =	vst v63  }
0x2b: {  	s14 =	simm.s32 $0x40  }
0x2c: {  	[tilespmem:s23], [sflag:$0x1] =	stream.indirect.gather [hbm4b:s3+s10], $0x80, s14, s10, $0xb8;
	[tilespmem:$0x8800] =	vst v63  }
0x2d: {  	s14 =	simm.s32 $0x48  }
0x2e: {  	[tilespmem:s28], [sflag:$0x1] =	stream.indirect.gather [hbm4b:s3+s10], $0x80, s14, s10, $0xb8;
	[tilespmem:$0x8800] =	vst v63  }
0x2f: {  	s14 =	simm.s32 $0x50  }
0x30: {  	[tilespmem:s0], [sflag:$0x1] =	stream.indirect.gather [hbm4b:s3+s10], $0x80, s14, s10, $0xb8;
	[tilespmem:$0x8800] =	vst v63  }
0x31: {  	s14 =	simm.s32 $0x58  }
0x32: {  	[tilespmem:s17], [sflag:$0x1] =	stream.indirect.gather [hbm4b:s3+s10], $0x80, s14, s10, $0xb8;
	[tilespmem:$0x8800] =	vst v63  }
0x33: {  	s14 =	simm.s32 $0x60  }
0x34: {  	[tilespmem:s25], [sflag:$0x1] =	stream.indirect.gather [hbm4b:s3+s10], $0x80, s14, s10, $0xb8;
	[tilespmem:$0x8800] =	vst v63  }
0x35: {  	s14 =	simm.s32 $0x80  }
0x36: {  	[tilespmem:s19], [sflag:$0x2] =	stream.indirect.gather [hbm4b:s3+s10], $0x80, s14, s10, $0xb8;
	[tilespmem:$0x8800] =	vst v63  }
0x37: {  	s14 =	simm.s32 $0x88  }
0x38: {  	[tilespmem:s13], [sflag:$0x2] =	stream.indirect.gather [hbm4b:s3+s10], $0x80, s14, s10, $0xb8;
	[tilespmem:$0x8800] =	vst v63  }
0x39: {  	s14 =	simm.s32 $0x90  }
0x3a: {  	[tilespmem:s29], [sflag:$0x2] =	stream.indirect.gather [hbm4b:s3+s10], $0x80, s14, s10, $0xb8;
	[tilespmem:$0x8800] =	vst v63  }
0x3b: {  	s14 =	simm.s32 $0x98  }
0x3c: {  	[tilespmem:s21], [sflag:$0x2] =	stream.indirect.gather [hbm4b:s3+s10], $0x80, s14, s10, $0xb8;
	[tilespmem:$0x8800] =	vst v63  }
0x3d: {  	s14 =	simm.s32 $0xA0  }
0x3e: {  	[tilespmem:s4], [sflag:$0x2] =	stream.indirect.gather [hbm4b:s3+s10], $0x80, s14, s10, $0xb8;
	[tilespmem:$0x8800] =	vst v63  }
0x3f: {  	s14 =	simm.s32 $0xA8  }
0x40: {  	[tilespmem:s5], [sflag:$0x2] =	stream.indirect.gather [hbm4b:s3+s10], $0x80, s14, s10, $0xb8;
	[tilespmem:$0x8800] =	vst v63  }
0x41: {  	s14 =	simm.s32 $0xB0  }
0x42: {  	[tilespmem:s6], [sflag:$0x2] =	stream.indirect.gather [hbm4b:s3+s10], $0x80, s14, s10, $0xb8;
	[tilespmem:$0x8800] =	vst v63  }
0x43: {  	s14 =	simm.s32 $0xB8  }
0x44: {  	[tilespmem:s7], [sflag:$0x2] =	stream.indirect.gather [hbm4b:s3+s10], $0x80, s14, s10, $0xb8;
	[tilespmem:$0x8800] =	vst v63  }
0x45: {  	s14 =	simm.s32 $0xC0  }
0x46: {  	[tilespmem:s2], [sflag:$0x2] =	stream.indirect.gather [hbm4b:s3+s10], $0x80, s14, s10, $0xb8;
	[tilespmem:$0x8800] =	vst v63  }
0x47: {  	s14 =	simm.s32 $0xC8  }
0x48: {  	[tilespmem:s31], [sflag:$0x2] =	stream.indirect.gather [hbm4b:s3+s10], $0x80, s14, s10, $0xb8;
	[tilespmem:$0x8800] =	vst v63  }
0x49: {  	s14 =	simm.s32 $0xD0  }
0x4a: {  	[tilespmem:s16], [sflag:$0x2] =	stream.indirect.gather [hbm4b:s3+s10], $0x80, s14, s10, $0xb8;
	[tilespmem:$0x8800] =	vst v63  }
0x4b: {  	s16 =	simm.s32 $0x8000;
	s14 =	simm.s32 $0xD8  }
0x4c: {  	[tilespmem:s16], [sflag:$0x2] =	stream.indirect.gather [hbm4b:s3+s10], $0x80, s14, s10, $0xb8;
	[tilespmem:$0x8800] =	vst v63  }
0x4d: {  	s14 =	simm.s32 $0x8400;
	s16 =	simm.s32 $0xE0  }
0x4e: {  	[tilespmem:s14], [sflag:$0x2] =	stream.indirect.gather [hbm4b:s3+s10], $0x80, s16, s10, $0xb8;
	[tilespmem:$0x8800] =	vst v63  }
0x4f: {  	_ =	swait.ge [sflag:s8], $0x3400  }
0x50: {  	[sflag:s8] =	ssyncset.done $0x0  }
0x51: {  	s16 =	rddreg [dreg:$0x6];
	[sflag:s8] =	ssyncadd.s32 $0xFFFFCC00  }
0x52: {  	[hbm4b:s16+s30] =	stream.linear.scatter [tilespmem:s11], [sflag:$0x3], $0x3400, $0x38;
	[tilespmem:$0x8800] =	vst v63  }
0x53: {  	_ =	swait.ge [sflag:s9], $0x3400  }
0x54: {  	[sflag:s9] =	ssyncset.done $0x0  }
0x55: {  	s14 =	simm.s32 $0x100;
	[sflag:s9] =	ssyncadd.s32 $0xFFFFCC00  }
0x56: {  	[tilespmem:s11], [sflag:$0x1] =	stream.indirect.gather [hbm4b:s3+s10], $0x80, s14, s10, $0xb8;
	[tilespmem:$0x8800] =	vst v63  }
0x57: {  	s11 =	simm.s32 $0x108  }
0x58: {  	[tilespmem:s18], [sflag:$0x1] =	stream.indirect.gather [hbm4b:s3+s10], $0x80, s11, s10, $0xb8;
	[tilespmem:$0x8800] =	vst v63  }
0x59: {  	s18 =	simm.s32 $0x110  }
0x5a: {  	[tilespmem:s20], [sflag:$0x1] =	stream.indirect.gather [hbm4b:s3+s10], $0x80, s18, s10, $0xb8;
	[tilespmem:$0x8800] =	vst v63  }
0x5b: {  	s20 =	simm.s32 $0x118  }
0x5c: {  	[tilespmem:s22], [sflag:$0x1] =	stream.indirect.gather [hbm4b:s3+s10], $0x80, s20, s10, $0xb8;
	[tilespmem:$0x8800] =	vst v63  }
0x5d: {  	s22 =	simm.s32 $0x120  }
0x5e: {  	[tilespmem:s24], [sflag:$0x1] =	stream.indirect.gather [hbm4b:s3+s10], $0x80, s22, s10, $0xb8;
	[tilespmem:$0x8800] =	vst v63  }
0x5f: {  	s24 =	simm.s32 $0x128  }
0x60: {  	[tilespmem:s26], [sflag:$0x1] =	stream.indirect.gather [hbm4b:s3+s10], $0x80, s24, s10, $0xb8;
	[tilespmem:$0x8800] =	vst v63  }
0x61: {  	s26 =	simm.s32 $0x130  }
0x62: {  	[tilespmem:s1], [sflag:$0x1] =	stream.indirect.gather [hbm4b:s3+s10], $0x80, s26, s10, $0xb8;
	[tilespmem:$0x8800] =	vst v63  }
0x63: {  	s11 =	simm.s32 $0x138  }
0x64: {  	[tilespmem:s15], [sflag:$0x1] =	stream.indirect.gather [hbm4b:s3+s10], $0x80, s11, s10, $0xb8;
	[tilespmem:$0x8800] =	vst v63  }
0x65: {  	s18 =	simm.s32 $0x140  }
0x66: {  	[tilespmem:s23], [sflag:$0x1] =	stream.indirect.gather [hbm4b:s3+s10], $0x80, s18, s10, $0xb8;
	[tilespmem:$0x8800] =	vst v63  }
0x67: {  	s20 =	simm.s32 $0x148  }
0x68: {  	[tilespmem:s28], [sflag:$0x1] =	stream.indirect.gather [hbm4b:s3+s10], $0x80, s20, s10, $0xb8;
	[tilespmem:$0x8800] =	vst v63  }
0x69: {  	s22 =	simm.s32 $0x150  }
0x6a: {  	[tilespmem:s0], [sflag:$0x1] =	stream.indirect.gather [hbm4b:s3+s10], $0x80, s22, s10, $0xb8;
	[tilespmem:$0x8800] =	vst v63  }
0x6b: {  	s23 =	simm.s32 $0x158  }
0x6c: {  	[tilespmem:s17], [sflag:$0x1] =	stream.indirect.gather [hbm4b:s3+s10], $0x80, s23, s10, $0xb8;
	[tilespmem:$0x8800] =	vst v63  }
0x6d: {  	s24 =	simm.s32 $0x160  }
0x6e: {  	[tilespmem:s25], [sflag:$0x1] =	stream.indirect.gather [hbm4b:s3+s10], $0x80, s24, s10, $0xb8;
	[tilespmem:$0x8800] =	vst v63  }
0x6f: {  	_ =	swait.ge [sflag:s12], $0x3400  }
0x70: {  	[sflag:s12] =	ssyncset.done $0x0  }
0x71: {  	s26 =	sadd.s32 $0x680, s16;
	[sflag:s12] =	ssyncadd.s32 $0xFFFFCC00  }
0x72: {  	[hbm4b:s26+s30] =	stream.linear.scatter [tilespmem:s19], [sflag:$0x3], $0x3400, $0x38;
	[tilespmem:$0x8800] =	vst v63  }
0x73: {  	_ =	swait.ge [sflag:s9], $0x3400  }
0x74: {  	[sflag:s9] =	ssyncset.done $0x0  }
0x75: {  	s0 =	simm.s32 $0x180;
	[sflag:s9] =	ssyncadd.s32 $0xFFFFCC00  }
0x76: {  	[tilespmem:s19], [sflag:$0x2] =	stream.indirect.gather [hbm4b:s3+s10], $0x80, s0, s10, $0xb8;
	[tilespmem:$0x8800] =	vst v63  }
0x77: {  	s1 =	simm.s32 $0x188  }
0x78: {  	[tilespmem:s13], [sflag:$0x2] =	stream.indirect.gather [hbm4b:s3+s10], $0x80, s1, s10, $0xb8;
	[tilespmem:$0x8800] =	vst v63  }
0x79: {  	s14 =	simm.s32 $0x400;
	s16 =	sadd.s32 $0xD00, s16;
	s11 =	simm.s32 $0x190  }
0x7a: {  	[tilespmem:s29], [sflag:$0x2] =	stream.indirect.gather [hbm4b:s3+s10], $0x80, s11, s10, $0xb8;
	[tilespmem:$0x8800] =	vst v63  }
0x7b: {  	s15 =	simm.s32 $0x1A0;
	s18 =	simm.s32 $0x1B0;
	s13 =	simm.s32 $0x198  }
0x7c: {  	[tilespmem:s21], [sflag:$0x2] =	stream.indirect.gather [hbm4b:s3+s10], $0x80, s13, s10, $0xb8;
	[tilespmem:$0x8800] =	vst v63  }
0x7d: {  	s20 =	simm.s32 $0x1B8;
	s28 =	simm.s32 $0x4400;
	s22 =	simm.s32 $0x1C8  }
0x7e: {  	[tilespmem:s4], [sflag:$0x2] =	stream.indirect.gather [hbm4b:s3+s10], $0x80, s15, s10, $0xb8;
	[tilespmem:$0x8800] =	vst v63  }
0x7f: {  	s17 =	simm.s32 $0x1A8;
	s23 =	simm.s32 $0x1D0;
	s24 =	simm.s32 $0x7C00  }
0x80: {  	[tilespmem:s5], [sflag:$0x2] =	stream.indirect.gather [hbm4b:s3+s10], $0x80, s17, s10, $0xb8;
	[tilespmem:$0x8800] =	vst v63  }
0x81: {  	s25 =	simm.s32 $0x1D8;
	s26 =	simm.s32 $0x8000;
	s30 =	simm.s32 $0x5C00  }
0x82: {  	[tilespmem:s6], [sflag:$0x2] =	stream.indirect.gather [hbm4b:s3+s10], $0x80, s18, s10, $0xb8;
	[tilespmem:$0x8800] =	vst v63  }
0x83: {  	s0 =	simm.s32 $0x4800;
	s1 =	simm.s32 $0x3800;
	s29 =	simm.s32 $0x3000  }
0x84: {  	[tilespmem:s7], [sflag:$0x2] =	stream.indirect.gather [hbm4b:s3+s10], $0x80, s20, s10, $0xb8;
	[tilespmem:$0x8800] =	vst v63  }
0x85: {  	s21 =	simm.s32 $0x1C0;
	s13 =	simm.s32 $0x5800;
	s15 =	simm.s32 $0x3C00  }
0x86: {  	[tilespmem:s2], [sflag:$0x2] =	stream.indirect.gather [hbm4b:s3+s10], $0x80, s21, s10, $0xb8;
	[tilespmem:$0x8800] =	vst v63  }
0x87: {  	s4 =	simm.s32 $0x6400;
	s17 =	simm.s32 $0x4C00;
	s5 =	simm.s32 $0x6800  }
0x88: {  	[tilespmem:s31], [sflag:$0x2] =	stream.indirect.gather [hbm4b:s3+s10], $0x80, s22, s10, $0xb8;
	[tilespmem:$0x8800] =	vst v63  }
0x89: {  	s18 =	simm.s32 $0x1E0;
	s6 =	simm.s32 $0x6C00;
	s7 =	simm.s32 $0x7000  }
0x8a: {  	[tilespmem:s24], [sflag:$0x2] =	stream.indirect.gather [hbm4b:s3+s10], $0x80, s23, s10, $0xb8;
	[tilespmem:$0x8800] =	vst v63  }
0x8b: {  	s21 =	simm.s32 $0x6000;
	s2 =	simm.s32 $0x7400;
	s31 =	simm.s32 $0x3400  }
0x8c: {  	[tilespmem:s26], [sflag:$0x2] =	stream.indirect.gather [hbm4b:s3+s10], $0x80, s25, s10, $0xb8;
	[tilespmem:$0x8800] =	vst v63  }
0x8d: {  	s23 =	simm.s32 $0x4000;
	s24 =	simm.s32 $0x2800;
	s25 =	simm.s32 $0x5000  }
.LBB2_2:
0x8e: {  	s11 =	simm.s32 $0x8400  }
0x8f: {  	[tilespmem:s11], [sflag:$0x2] =	stream.indirect.gather [hbm4b:s3+s10], $0x80, s18, s10, $0xb8;
	[tilespmem:$0x8800] =	vst v63  }
0x90: {  	s18 =	smov.u32 s14  }
0x91: {  	p0 =	sne.s32 s14, $0x7800;
	s14 =	sadd.s32 $0x400, s14;
	_ =	swait.ge [sflag:s8], $0x3400  }
0x92: {  	[sflag:s8] =	ssyncset.done $0x0  }
0x93: {  	s22 =	simm.s32 $0x2000;
	s11 =	simm.s32 $0x0;
	[sflag:s8] =	ssyncadd.s32 $0xFFFFCC00  }
0x94: {  	[hbm4b:s16+s11] =	stream.linear.scatter [tilespmem:s22], [sflag:$0x3], $0x3400, $0x38;
	[tilespmem:$0x8800] =	vst v63  }
0x95: {  	_ =	swait.ge [sflag:s9], $0x3400  }
0x96: {  	s18 =	sshra.s32 s18, $0x2;
	[sflag:s9] =	ssyncset.done $0x0  }
0x97: {  	s26 =	simm.s32 $0x2000;
	s20 =	sadd.s32 $0x100, s18;
	[sflag:s9] =	ssyncadd.s32 $0xFFFFCC00  }
0x98: {  	[tilespmem:s22], [sflag:$0x1] =	stream.indirect.gather [hbm4b:s3+s10], $0x80, s20, s10, $0xb8;
	[tilespmem:$0x8800] =	vst v63  }
0x99: {  	s20 =	sadd.s32 $0x108, s18;
	s22 =	simm.s32 $0x2400  }
0x9a: {  	[tilespmem:s22], [sflag:$0x1] =	stream.indirect.gather [hbm4b:s3+s10], $0x80, s20, s10, $0xb8;
	[tilespmem:$0x8800] =	vst v63  }
0x9b: {  	s20 =	sadd.s32 $0x110, s18  }
0x9c: {  	[tilespmem:s24], [sflag:$0x1] =	stream.indirect.gather [hbm4b:s3+s10], $0x80, s20, s10, $0xb8;
	[tilespmem:$0x8800] =	vst v63  }
0x9d: {  	s22 =	simm.s32 $0x2C00;
	s20 =	sadd.s32 $0x118, s18  }
0x9e: {  	[tilespmem:s22], [sflag:$0x1] =	stream.indirect.gather [hbm4b:s3+s10], $0x80, s20, s10, $0xb8;
	[tilespmem:$0x8800] =	vst v63  }
0x9f: {  	s20 =	sadd.s32 $0x120, s18  }
0xa0: {  	[tilespmem:s29], [sflag:$0x1] =	stream.indirect.gather [hbm4b:s3+s10], $0x80, s20, s10, $0xb8;
	[tilespmem:$0x8800] =	vst v63  }
0xa1: {  	s20 =	sadd.s32 $0x128, s18  }
0xa2: {  	[tilespmem:s31], [sflag:$0x1] =	stream.indirect.gather [hbm4b:s3+s10], $0x80, s20, s10, $0xb8;
	[tilespmem:$0x8800] =	vst v63  }
0xa3: {  	s20 =	sadd.s32 $0x130, s18  }
0xa4: {  	[tilespmem:s1], [sflag:$0x1] =	stream.indirect.gather [hbm4b:s3+s10], $0x80, s20, s10, $0xb8;
	[tilespmem:$0x8800] =	vst v63  }
0xa5: {  	s20 =	sadd.s32 $0x138, s18  }
0xa6: {  	[tilespmem:s15], [sflag:$0x1] =	stream.indirect.gather [hbm4b:s3+s10], $0x80, s20, s10, $0xb8;
	[tilespmem:$0x8800] =	vst v63  }
0xa7: {  	s20 =	sadd.s32 $0x140, s18  }
0xa8: {  	[tilespmem:s23], [sflag:$0x1] =	stream.indirect.gather [hbm4b:s3+s10], $0x80, s20, s10, $0xb8;
	[tilespmem:$0x8800] =	vst v63  }
0xa9: {  	s20 =	sadd.s32 $0x148, s18  }
0xaa: {  	[tilespmem:s28], [sflag:$0x1] =	stream.indirect.gather [hbm4b:s3+s10], $0x80, s20, s10, $0xb8;
	[tilespmem:$0x8800] =	vst v63  }
0xab: {  	s20 =	sadd.s32 $0x150, s18  }
0xac: {  	[tilespmem:s0], [sflag:$0x1] =	stream.indirect.gather [hbm4b:s3+s10], $0x80, s20, s10, $0xb8;
	[tilespmem:$0x8800] =	vst v63  }
0xad: {  	s20 =	sadd.s32 $0x158, s18  }
0xae: {  	[tilespmem:s17], [sflag:$0x1] =	stream.indirect.gather [hbm4b:s3+s10], $0x80, s20, s10, $0xb8;
	[tilespmem:$0x8800] =	vst v63  }
0xaf: {  	s20 =	sadd.s32 $0x160, s18  }
0xb0: {  	[tilespmem:s25], [sflag:$0x1] =	stream.indirect.gather [hbm4b:s3+s10], $0x80, s20, s10, $0xb8;
	[tilespmem:$0x8800] =	vst v63  }
0xb1: {  	_ =	swait.ge [sflag:s12], $0x3400  }
0xb2: {  	[sflag:s12] =	ssyncset.done $0x0  }
0xb3: {  	s20 =	sadd.s32 $0x680, s16;
	[sflag:s12] =	ssyncadd.s32 $0xFFFFCC00  }
0xb4: {  	[hbm4b:s20+s11] =	stream.linear.scatter [tilespmem:s19], [sflag:$0x3], $0x3400, $0x38;
	[tilespmem:$0x8800] =	vst v63  }
0xb5: {  	_ =	swait.ge [sflag:s9], $0x3400  }
0xb6: {  	[sflag:s9] =	ssyncset.done $0x0  }
0xb7: {  	s20 =	sadd.s32 $0x180, s18;
	[sflag:s9] =	ssyncadd.s32 $0xFFFFCC00  }
0xb8: {  	[tilespmem:s19], [sflag:$0x2] =	stream.indirect.gather [hbm4b:s3+s10], $0x80, s20, s10, $0xb8;
	[tilespmem:$0x8800] =	vst v63  }
0xb9: {  	s20 =	sadd.s32 $0x188, s18  }
0xba: {  	[tilespmem:s13], [sflag:$0x2] =	stream.indirect.gather [hbm4b:s3+s10], $0x80, s20, s10, $0xb8;
	[tilespmem:$0x8800] =	vst v63  }
0xbb: {  	s20 =	sadd.s32 $0x190, s18  }
0xbc: {  	[tilespmem:s30], [sflag:$0x2] =	stream.indirect.gather [hbm4b:s3+s10], $0x80, s20, s10, $0xb8;
	[tilespmem:$0x8800] =	vst v63  }
0xbd: {  	s20 =	sadd.s32 $0x198, s18  }
0xbe: {  	[tilespmem:s21], [sflag:$0x2] =	stream.indirect.gather [hbm4b:s3+s10], $0x80, s20, s10, $0xb8;
	[tilespmem:$0x8800] =	vst v63  }
0xbf: {  	s20 =	sadd.s32 $0x1A0, s18  }
0xc0: {  	[tilespmem:s4], [sflag:$0x2] =	stream.indirect.gather [hbm4b:s3+s10], $0x80, s20, s10, $0xb8;
	[tilespmem:$0x8800] =	vst v63  }
0xc1: {  	s20 =	sadd.s32 $0x1A8, s18  }
0xc2: {  	[tilespmem:s5], [sflag:$0x2] =	stream.indirect.gather [hbm4b:s3+s10], $0x80, s20, s10, $0xb8;
	[tilespmem:$0x8800] =	vst v63  }
0xc3: {  	s20 =	sadd.s32 $0x1B0, s18  }
0xc4: {  	[tilespmem:s6], [sflag:$0x2] =	stream.indirect.gather [hbm4b:s3+s10], $0x80, s20, s10, $0xb8;
	[tilespmem:$0x8800] =	vst v63  }
0xc5: {  	s20 =	sadd.s32 $0x1B8, s18  }
0xc6: {  	[tilespmem:s7], [sflag:$0x2] =	stream.indirect.gather [hbm4b:s3+s10], $0x80, s20, s10, $0xb8;
	[tilespmem:$0x8800] =	vst v63  }
0xc7: {  	s20 =	sadd.s32 $0x1C0, s18  }
0xc8: {  	[tilespmem:s2], [sflag:$0x2] =	stream.indirect.gather [hbm4b:s3+s10], $0x80, s20, s10, $0xb8;
	[tilespmem:$0x8800] =	vst v63  }
0xc9: {  	s11 =	simm.s32 $0x7800;
	s20 =	sadd.s32 $0x1C8, s18  }
0xca: {  	[tilespmem:s11], [sflag:$0x2] =	stream.indirect.gather [hbm4b:s3+s10], $0x80, s20, s10, $0xb8;
	[tilespmem:$0x8800] =	vst v63  }
.Ltmp0:
0xcb: {  	s20 =	sadd.s32 $0x1D0, s18;
	s11 =	simm.s32 $0x7C00;
	(pc) =	sbr.rel @p0 .LBB2_2-.Ltmp0, $4  }
0xcc: {  	[tilespmem:s11], [sflag:$0x2] =	stream.indirect.gather [hbm4b:s3+s10], $0x80, s20, s10, $0xb8;
	[tilespmem:$0x8800] =	vst v63  }
0xcd: {  	s20 =	sadd.s32 $0x1D8, s18;
	s11 =	simm.s32 $0x8000  }
0xce: {  	[tilespmem:s11], [sflag:$0x2] =	stream.indirect.gather [hbm4b:s3+s10], $0x80, s20, s10, $0xb8;
	[tilespmem:$0x8800] =	vst v63  }
0xcf: {  	s16 =	sadd.s32 $0xD00, s16;
	s18 =	sadd.s32 $0x1E0, s18  }
0xd0: {  	s0 =	simm.s32 $0x8400  }
0xd1: {  	[tilespmem:s0], [sflag:$0x2] =	stream.indirect.gather [hbm4b:s3+s10], $0x80, s18, s10, $0xb8;
	[tilespmem:$0x8800] =	vst v63  }
0xd2: {  	_ =	swait.ge [sflag:s8], $0x3400  }
0xd3: {  	[sflag:s8] =	ssyncset.done $0x0  }
0xd4: {  	s25 =	simm.s32 $0x0;
	s14 =	rddreg [dreg:$0x3];
	[sflag:s8] =	ssyncadd.s32 $0xFFFFCC00  }
0xd5: {  	[hbm4b:s14+s25] =	stream.linear.scatter [tilespmem:s26], [sflag:$0x3], $0x3400, $0x38;
	[tilespmem:$0x8800] =	vst v63  }
0xd6: {  	_ =	swait.ge [sflag:s9], $0x3400  }
0xd7: {  	[sflag:s9] =	ssyncset.done $0x0  }
0xd8: {  	[sflag:s9] =	ssyncadd.s32 $0xFFFFCC00  }
0xd9: {  	_ =	swait.ge [sflag:s12], $0x3400  }
0xda: {  	s20 =	simm.s32 $0x2800;
	s22 =	simm.s32 $0x2C00;
	[sflag:s12] =	ssyncset.done $0x0  }
0xdb: {  	s24 =	simm.s32 $0x3000;
	s26 =	rddreg [dreg:$0x4];
	[sflag:s12] =	ssyncadd.s32 $0xFFFFCC00  }
0xdc: {  	[hbm4b:s26+s25] =	stream.linear.scatter [tilespmem:s19], [sflag:$0x3], $0x3400, $0x38;
	[tilespmem:$0x8800] =	vst v63  }
0xdd: {  	s1 =	simm.s32 $0x3800;
	s15 =	simm.s32 $0x3C00;
	_ =	swait.ge [sflag:s9], $0x3400  }
0xde: {  	s23 =	simm.s32 $0x4000;
	s28 =	simm.s32 $0x4400;
	s11 =	rddreg [dreg:$0x7]  }
0xdf: {  	s17 =	simm.s32 $0x4C00;
	s30 =	rddreg [dreg:$0x5];
	s11 =	sadd.s32 $0x1, s11  }
0xe0: {  	s13 =	simm.s32 $0x5800;
	s29 =	simm.s32 $0x5C00;
	p0 =	sne.s32 s11, s30  }
.Ltmp1:
0xe1: {  	s21 =	simm.s32 $0x6000;
	s4 =	simm.s32 $0x6400;
	(pc) =	sbr.rel @p0 .LBB2_1-.Ltmp1, $4  }
0xe2: {  	s5 =	simm.s32 $0x6800;
	s6 =	simm.s32 $0x6C00;
	s7 =	simm.s32 $0x7000  }
0xe3: {  	s2 =	simm.s32 $0x7400;
	s31 =	simm.s32 $0x7800;
	s16 =	simm.s32 $0x7C00  }
0xe4: {  	s18 =	simm.s32 $0x2400;
	s0 =	simm.s32 $0x4800;
	[sflag:s9] =	ssyncset.done $0x0  }
0xe5: {  	s26 =	simm.s32 $0x3400;
	s25 =	simm.s32 $0x5000;
	[sflag:s9] =	ssyncadd.s32 $0xFFFFCC00  }
0xe6: {  	_ =	sfence.sel $0x180000  }
0xe7: {  	[bflag:$0x0] =	sbarrier.arrive $0xFFFF  }
0xe8: {  	_ =	strace $0x90000047  }
0xe9: {  	s0 =	stileid.u32;
	[bflag:$0x2] =	sbarrier.arrive $0xFFFF  }
0xea: {  	p0 =	sne.s32 s0, $0x0;
	s0 =	rddreg [dreg:$0x1]  }
0xeb: {  	s0 =	sadd.s32 @!p0 $0x100000, s0  }
0xec: {  	[sflag:s0] =	ssyncadd.tile.s32 @!p0 $0x1;
	_ =	shalt  }
.Lfunc_end2:
_tile_overlayer_lowered:
.L_overlay_start_2:
0xed: {  	(tag) =	ssettag $0x2  }
0xee: {  	s0 =	rddreg [dreg:$0x0];
	s2 =	stileid.u32  }
0xef: {  	s1 =	rddreg [dreg:$0x1];
	p0 =	sne.s32 s2, $0x0  }
0xf0: {  	s3 =	rddreg [dreg:$0x2];
	[bflag:$0x3] =	sbarrier.arrive $0xFFFF;
	s2 =	simm.s32 @!p0 $0x1C03  }
0xf1: {  	[timem:s3], [sflag:s2] =	dma.local @!p0 [hbm:s0], s1  }
0xf2: {  	s0 =	simm.s32 @!p0 $0x3  }
0xf3: {  	_ =	swait.ge @!p0 [sflag:s0], s1  }
0xf4: {  	s1 =	ssub.s32 @!p0 $0x0, s1;
	[sflag:s0] =	ssyncset.done @!p0 $0x0  }
0xf5: {  	[sflag:s0] =	ssyncadd.s32 @!p0 s1  }
0xf6: {  	[bflag:$0x3] =	sbarrier.arrive $0xFFFF  }
0xf7: {  	_ =	shalt  }

</sc_bundles>
